<compile_context>
chip_gen: v7x
topology: tpu7x:2x2x1
jax: 0.10.2.dev20260603
libtpu: 0.0.44.dev20260713+nightly
codegen_flags: <defaults>
</compile_context>

<pallas_src>
import functools

import jax
import jax.numpy as jnp
import numpy as np
from jax import lax
from jax.experimental import pallas as pl
from jax.experimental.pallas import tpu as pltpu
from jax.experimental.pallas import tpu_sc as plsc

N_NODES = 10000
N_PAD = 10240
N_EDGES = 320000
D_FEAT = 128
N_WORKERS = 32
N_TILES = 16
CHUNK = 128
N_PHASES = 5
CHUNKS_PER_PHASE = 16
E_PAD = N_WORKERS * N_PHASES * CHUNKS_PER_PHASE * CHUNK
N_CHUNKS = N_EDGES // CHUNK
PAD_CHUNKS = (E_PAD - N_EDGES) // CHUNK
ROWS_PER_TILE = N_PAD // N_TILES
LANES = 16

_fill = np.arange(E_PAD - N_EDGES, dtype=np.int32)
_PAD_EDGES = np.stack([(_fill * 37) % N_NODES,
                       N_NODES + _fill % (N_PAD - N_NODES)]
                      ).reshape(2, PAD_CHUNKS, CHUNK)

_mesh = plsc.VectorSubcoreMesh(core_axis_name="c", subcore_axis_name="s")


@functools.partial(
    pl.kernel,
    out_type=(jax.ShapeDtypeStruct((N_NODES, D_FEAT), jnp.float32),
              jax.ShapeDtypeStruct((N_NODES, D_FEAT), jnp.float32)),
    mesh=_mesh,
    scratch_types=[
        pltpu.VMEM((2, 2, CHUNKS_PER_PHASE, CHUNK), jnp.int32),
        pltpu.VMEM((CHUNK, D_FEAT), jnp.float32),
        pltpu.VMEM((CHUNK, D_FEAT), jnp.float32),
        pltpu.VMEM_SHARED((N_PAD, D_FEAT), jnp.float32),
        pltpu.SemaphoreType.DMA,
        pltpu.SemaphoreType.DMA,
        pltpu.SemaphoreType.DMA,
        pltpu.SemaphoreType.DMA,
        pltpu.SemaphoreType.DMA,
        pltpu.SemaphoreType.DMA,
        pltpu.SemaphoreType.DMA,
    ],
)
def _feature_sum(emb, esd_hbm, out0, out1,
                 idx, rows_a, rows_b, acc, sem_a, sem_b, si0, si1, sz,
                 ssa, ssb):
    c = lax.axis_index("c")
    s = lax.axis_index("s")
    wid = c * N_TILES + s
    row0 = s * ROWS_PER_TILE
    isems = (si0, si1)

    def fire_stage(ph, buf):
        chunk0 = wid * (N_PHASES * CHUNKS_PER_PHASE) + ph * CHUNKS_PER_PHASE
        pltpu.async_copy(esd_hbm.at[0, pl.ds(chunk0, CHUNKS_PER_PHASE)],
                         idx.at[buf, 0], isems[buf])
        pltpu.async_copy(esd_hbm.at[1, pl.ds(chunk0, CHUNKS_PER_PHASE)],
                         idx.at[buf, 1], isems[buf])

    def wait_stage(buf):
        pltpu.make_async_copy(
            esd_hbm.at[0, pl.ds(0, CHUNKS_PER_PHASE)],
            idx.at[buf, 0], isems[buf]).wait()
        pltpu.make_async_copy(
            esd_hbm.at[1, pl.ds(0, CHUNKS_PER_PHASE)],
            idx.at[buf, 1], isems[buf]).wait()

    fire_stage(0, 0)
    fire_stage(1, 1)

    @pl.loop(0, CHUNK)
    def _zrow(i):
        for u in range(D_FEAT // LANES):
            rows_a[i, pl.ds(u * LANES, LANES)] = jnp.zeros((LANES,), jnp.float32)

    for r in range(ROWS_PER_TILE // CHUNK):
        pltpu.async_copy(rows_a, acc.at[pl.ds(row0 + r * CHUNK, CHUNK)], sz)

    for r in range(ROWS_PER_TILE // CHUNK):
        pltpu.make_async_copy(
            rows_a, acc.at[pl.ds(row0 + r * CHUNK, CHUNK)], sz).wait()

    plsc.subcore_barrier()

    for ph in range(N_PHASES):
        buf = ph % 2
        wait_stage(buf)
        pltpu.async_copy(emb.at[idx.at[buf, 0, 0]], rows_a, sem_a)

        @pl.loop(0, CHUNKS_PER_PHASE, step=2)
        def _chunk(j):
            pltpu.async_copy(emb.at[idx.at[buf, 0, j + 1]], rows_b, sem_b)
            pltpu.make_async_copy(
                emb.at[idx.at[buf, 0, j]], rows_a, sem_a).wait()
            pltpu.sync_copy(rows_a, acc.at[idx.at[buf, 1, j]], add=True)

            @pl.when(j + 2 < CHUNKS_PER_PHASE)
            def _():
                pltpu.async_copy(emb.at[idx.at[buf, 0, j + 2]], rows_a, sem_a)

            pltpu.make_async_copy(
                emb.at[idx.at[buf, 0, j + 1]], rows_b, sem_b).wait()
            pltpu.sync_copy(rows_b, acc.at[idx.at[buf, 1, j + 1]], add=True)

        if ph + 2 < N_PHASES:
            fire_stage(ph + 2, buf)

    plsc.subcore_barrier()

    last_rows = N_NODES - (N_TILES - 1) * ROWS_PER_TILE

    @pl.when(c == 0)
    def _():
        @pl.when(s < N_TILES - 1)
        def _():
            pltpu.sync_copy(acc.at[pl.ds(row0, ROWS_PER_TILE)],
                            out0.at[pl.ds(row0, ROWS_PER_TILE)])

        @pl.when(s == N_TILES - 1)
        def _():
            pltpu.sync_copy(acc.at[pl.ds(row0, last_rows)],
                            out0.at[pl.ds(row0, last_rows)])

    @pl.when(c == 1)
    def _():
        @pl.when(s < N_TILES - 1)
        def _():
            pltpu.sync_copy(acc.at[pl.ds(row0, ROWS_PER_TILE)],
                            out1.at[pl.ds(row0, ROWS_PER_TILE)])

        @pl.when(s == N_TILES - 1)
        def _():
            pltpu.sync_copy(acc.at[pl.ds(row0, last_rows)],
                            out1.at[pl.ds(row0, last_rows)])


def _add_body(a_ref, b_ref, o_ref):
    o_ref[...] = a_ref[...] + b_ref[...]


_merge = pl.pallas_call(
    _add_body,
    out_shape=jax.ShapeDtypeStruct((N_NODES, D_FEAT), jnp.float32),
    grid=(5,),
    in_specs=[pl.BlockSpec((2000, D_FEAT), lambda i: (i, 0)),
              pl.BlockSpec((2000, D_FEAT), lambda i: (i, 0))],
    out_specs=pl.BlockSpec((2000, D_FEAT), lambda i: (i, 0)),
)


def kernel(graph_embedding, edge_index):
    ei3 = edge_index.astype(jnp.int32).reshape(2, N_CHUNKS, CHUNK)
    esd = jnp.concatenate([ei3, jnp.asarray(_PAD_EDGES)], axis=1)
    p0, p1 = _feature_sum(graph_embedding, esd)
    return _merge(p0, p1)

# --- scband reference (transcript-rebuilt; emitter-appended) ---
"""Pipeline reference for scband-node-prompt-layer-feature-sum-21534966022317 (READ-ONLY COPY).

The authoritative reference and input builder live on the scoring server;
editing this copy changes nothing except your own understanding.
"""

import jax, jax.numpy as jnp
import numpy as np

N_NODES = 10000
N_EDGES = 320000
D_FEAT = 128


def setup_inputs(seed: int = 0) -> dict:
    key = jax.random.key(seed)
    k1, k2 = jax.random.split(key)
    graph_embedding = jax.random.normal(k1, (N_NODES, D_FEAT), dtype=jnp.float32)
    edge_index = jax.random.randint(k2, (2, N_EDGES), 0, N_NODES, dtype=jnp.int64)
    return {"graph_embedding": graph_embedding, "edge_index": edge_index}


def reference(graph_embedding, edge_index):
    # DGL copy_u('ft','m') + sum('m','ft'):
    # message = source node feature; reduce = sum over incoming edges at dst.
    src = edge_index[0]
    dst = edge_index[1]
    messages = jnp.take(graph_embedding, src, axis=0)  # gather [E, D]
    out = jax.ops.segment_sum(messages, dst, num_segments=N_NODES)  # scatter-add [N, D]
    return out

if __name__ == "__main__":
    import jax
    _d = setup_inputs()
    print(jax.jit(kernel)(*tuple(_d.values())))

</pallas_src>

<mosaic_0001>
#map = affine_map<(d0, d1) -> (0, 0)>
#map1 = affine_map<(d0, d1) -> (0, 0, 0)>
module attributes {stable_mosaic.version = 14 : i64} {
  func.func @_feature_sum(%arg0: i32, %arg1: i32, %arg2: memref<10000x128xf32, #tpu.memory_space<hbm>>, %arg3: memref<2x2560x128xi32, #tpu.memory_space<hbm>>, %arg4: memref<10000x128xf32, #tpu.memory_space<hbm>>, %arg5: memref<10000x128xf32, #tpu.memory_space<hbm>>, %arg6: memref<2x2x16x128xi32, #tpu.memory_space<vmem>>, %arg7: memref<128x128xf32, #tpu.memory_space<vmem>>, %arg8: memref<128x128xf32, #tpu.memory_space<vmem>>, %arg9: memref<10240x128xf32, #tpu.memory_space<vmem_shared>>, %arg10: memref<!tpu.dma_semaphore, #tpu.memory_space<semaphore_mem>>, %arg11: memref<!tpu.dma_semaphore, #tpu.memory_space<semaphore_mem>>, %arg12: memref<!tpu.dma_semaphore, #tpu.memory_space<semaphore_mem>>, %arg13: memref<!tpu.dma_semaphore, #tpu.memory_space<semaphore_mem>>, %arg14: memref<!tpu.dma_semaphore, #tpu.memory_space<semaphore_mem>>, %arg15: memref<!tpu.dma_semaphore, #tpu.memory_space<semaphore_mem>>, %arg16: memref<!tpu.dma_semaphore, #tpu.memory_space<semaphore_mem>>) attributes {dimension_semantics = [#tpu.dimension_semantics<core_parallel>, #tpu.dimension_semantics<subcore_parallel>], iteration_bounds = array<i64: 2, 16>, scalar_prefetch = 0 : i64, scratch_operands = 11 : i64, tpu.core_type = #tpu.core_type<sc_vector_subcore>, window_params = [{transform_indices = #map}, {transform_indices = #map1}, {transform_indices = #map}, {transform_indices = #map}]} {
    %mul3A = arith.constant 16 : i32
    %mul3A_0 = arith.muli %arg0, %mul3A : i32
    %add3A = arith.addi %mul3A_0, %arg1 : i32
    %mul3A_1 = arith.constant 640 : i32
    %mul3A_2 = arith.muli %arg1, %mul3A_1 : i32
    %mul3A_3 = arith.constant 80 : i32
    %mul3A_4 = arith.muli %add3A, %mul3A_3 : i32
    %add3A_5 = arith.constant 0 : i32
    %add3A_6 = arith.addi %mul3A_4, %add3A_5 : i32
    %dma_start3A = arith.constant 0 : i32
    %dma_start3A_7 = arith.constant 0 : i32
    %dma_start3A_8 = arith.constant 0 : i32
    %dma_start3A_9 = arith.constant 0 : i32
    %dma_start3A_10 = arith.constant 0 : i32
    %dma_start3A_11 = tpu.memref_slice %arg6[%dma_start3A_7, %dma_start3A_8, %dma_start3A_9, %dma_start3A_10] : memref<2x2x16x128xi32, #tpu.memory_space<vmem>> -> memref<1x1x16x128xi32, #tpu.memory_space<vmem>>
    %dma_start3A_12 = tpu.memref_squeeze %dma_start3A_11 : memref<1x1x16x128xi32, #tpu.memory_space<vmem>> -> memref<16x128xi32, #tpu.memory_space<vmem>>
    %dma_start3A_13 = arith.constant 0 : i32
    %dma_start3A_14 = tpu.memref_slice %arg3[%dma_start3A, %add3A_6, %dma_start3A_13] : memref<2x2560x128xi32, #tpu.memory_space<hbm>> -> memref<1x16x128xi32, #tpu.memory_space<hbm>>
    %dma_start3A_15 = tpu.memref_squeeze %dma_start3A_14 : memref<1x16x128xi32, #tpu.memory_space<hbm>> -> memref<16x128xi32, #tpu.memory_space<hbm>>
    %dma_start3A_16 = arith.constant 0 : i32
    %dma_start3A_17 = arith.constant 0 : i32
    %dma_start3A_18 = tpu.memref_slice %arg6[%dma_start3A_7, %dma_start3A_8, %dma_start3A_16, %dma_start3A_17] : memref<2x2x16x128xi32, #tpu.memory_space<vmem>> -> memref<1x1x16x128xi32, #tpu.memory_space<vmem>>
    %dma_start3A_19 = tpu.memref_squeeze %dma_start3A_18 : memref<1x1x16x128xi32, #tpu.memory_space<vmem>> -> memref<16x128xi32, #tpu.memory_space<vmem>>
    %dma_start3A_20 = arith.constant 0 : i32
    %dma_start3A_21 = tpu.memref_slice %arg3[%dma_start3A, %add3A_6, %dma_start3A_20] : memref<2x2560x128xi32, #tpu.memory_space<hbm>> -> memref<1x16x128xi32, #tpu.memory_space<hbm>>
    %dma_start3A_22 = tpu.memref_squeeze %dma_start3A_21 : memref<1x16x128xi32, #tpu.memory_space<hbm>> -> memref<16x128xi32, #tpu.memory_space<hbm>>
    tpu.enqueue_dma source(%dma_start3A_22 : memref<16x128xi32, #tpu.memory_space<hbm>>) target(%dma_start3A_19 : memref<16x128xi32, #tpu.memory_space<vmem>>) target_semaphore(%arg12 : memref<!tpu.dma_semaphore, #tpu.memory_space<semaphore_mem>>)
    %dma_start3A_23 = arith.constant 1 : i32
    %dma_start3A_24 = arith.constant 0 : i32
    %dma_start3A_25 = arith.constant 1 : i32
    %dma_start3A_26 = arith.constant 0 : i32
    %dma_start3A_27 = arith.constant 0 : i32
    %dma_start3A_28 = tpu.memref_slice %arg6[%dma_start3A_24, %dma_start3A_25, %dma_start3A_26, %dma_start3A_27] : memref<2x2x16x128xi32, #tpu.memory_space<vmem>> -> memref<1x1x16x128xi32, #tpu.memory_space<vmem>>
    %dma_start3A_29 = tpu.memref_squeeze %dma_start3A_28 : memref<1x1x16x128xi32, #tpu.memory_space<vmem>> -> memref<16x128xi32, #tpu.memory_space<vmem>>
    %dma_start3A_30 = arith.constant 0 : i32
    %dma_start3A_31 = tpu.memref_slice %arg3[%dma_start3A_23, %add3A_6, %dma_start3A_30] : memref<2x2560x128xi32, #tpu.memory_space<hbm>> -> memref<1x16x128xi32, #tpu.memory_space<hbm>>
    %dma_start3A_32 = tpu.memref_squeeze %dma_start3A_31 : memref<1x16x128xi32, #tpu.memory_space<hbm>> -> memref<16x128xi32, #tpu.memory_space<hbm>>
    %dma_start3A_33 = arith.constant 0 : i32
    %dma_start3A_34 = arith.constant 0 : i32
    %dma_start3A_35 = tpu.memref_slice %arg6[%dma_start3A_24, %dma_start3A_25, %dma_start3A_33, %dma_start3A_34] : memref<2x2x16x128xi32, #tpu.memory_space<vmem>> -> memref<1x1x16x128xi32, #tpu.memory_space<vmem>>
    %dma_start3A_36 = tpu.memref_squeeze %dma_start3A_35 : memref<1x1x16x128xi32, #tpu.memory_space<vmem>> -> memref<16x128xi32, #tpu.memory_space<vmem>>
    %dma_start3A_37 = arith.constant 0 : i32
    %dma_start3A_38 = tpu.memref_slice %arg3[%dma_start3A_23, %add3A_6, %dma_start3A_37] : memref<2x2560x128xi32, #tpu.memory_space<hbm>> -> memref<1x16x128xi32, #tpu.memory_space<hbm>>
    %dma_start3A_39 = tpu.memref_squeeze %dma_start3A_38 : memref<1x16x128xi32, #tpu.memory_space<hbm>> -> memref<16x128xi32, #tpu.memory_space<hbm>>
    tpu.enqueue_dma source(%dma_start3A_39 : memref<16x128xi32, #tpu.memory_space<hbm>>) target(%dma_start3A_36 : memref<16x128xi32, #tpu.memory_space<vmem>>) target_semaphore(%arg12 : memref<!tpu.dma_semaphore, #tpu.memory_space<semaphore_mem>>)
    %mul3A_40 = arith.constant 80 : i32
    %mul3A_41 = arith.muli %add3A, %mul3A_40 : i32
    %add3A_42 = arith.constant 16 : i32
    %add3A_43 = arith.addi %mul3A_41, %add3A_42 : i32
    %dma_start3A_44 = arith.constant 0 : i32
    %dma_start3A_45 = arith.constant 1 : i32
    %dma_start3A_46 = arith.constant 0 : i32
    %dma_start3A_47 = arith.constant 0 : i32
    %dma_start3A_48 = arith.constant 0 : i32
    %dma_start3A_49 = tpu.memref_slice %arg6[%dma_start3A_45, %dma_start3A_46, %dma_start3A_47, %dma_start3A_48] : memref<2x2x16x128xi32, #tpu.memory_space<vmem>> -> memref<1x1x16x128xi32, #tpu.memory_space<vmem>>
    %dma_start3A_50 = tpu.memref_squeeze %dma_start3A_49 : memref<1x1x16x128xi32, #tpu.memory_space<vmem>> -> memref<16x128xi32, #tpu.memory_space<vmem>>
    %dma_start3A_51 = arith.constant 0 : i32
    %dma_start3A_52 = tpu.memref_slice %arg3[%dma_start3A_44, %add3A_43, %dma_start3A_51] : memref<2x2560x128xi32, #tpu.memory_space<hbm>> -> memref<1x16x128xi32, #tpu.memory_space<hbm>>
    %dma_start3A_53 = tpu.memref_squeeze %dma_start3A_52 : memref<1x16x128xi32, #tpu.memory_space<hbm>> -> memref<16x128xi32, #tpu.memory_space<hbm>>
    %dma_start3A_54 = arith.constant 0 : i32
    %dma_start3A_55 = arith.constant 0 : i32
    %dma_start3A_56 = tpu.memref_slice %arg6[%dma_start3A_45, %dma_start3A_46, %dma_start3A_54, %dma_start3A_55] : memref<2x2x16x128xi32, #tpu.memory_space<vmem>> -> memref<1x1x16x128xi32, #tpu.memory_space<vmem>>
    %dma_start3A_57 = tpu.memref_squeeze %dma_start3A_56 : memref<1x1x16x128xi32, #tpu.memory_space<vmem>> -> memref<16x128xi32, #tpu.memory_space<vmem>>
    %dma_start3A_58 = arith.constant 0 : i32
    %dma_start3A_59 = tpu.memref_slice %arg3[%dma_start3A_44, %add3A_43, %dma_start3A_58] : memref<2x2560x128xi32, #tpu.memory_space<hbm>> -> memref<1x16x128xi32, #tpu.memory_space<hbm>>
    %dma_start3A_60 = tpu.memref_squeeze %dma_start3A_59 : memref<1x16x128xi32, #tpu.memory_space<hbm>> -> memref<16x128xi32, #tpu.memory_space<hbm>>
    tpu.enqueue_dma source(%dma_start3A_60 : memref<16x128xi32, #tpu.memory_space<hbm>>) target(%dma_start3A_57 : memref<16x128xi32, #tpu.memory_space<vmem>>) target_semaphore(%arg13 : memref<!tpu.dma_semaphore, #tpu.memory_space<semaphore_mem>>)
    %dma_start3A_61 = arith.constant 1 : i32
    %dma_start3A_62 = arith.constant 1 : i32
    %dma_start3A_63 = arith.constant 1 : i32
    %dma_start3A_64 = arith.constant 0 : i32
    %dma_start3A_65 = arith.constant 0 : i32
    %dma_start3A_66 = tpu.memref_slice %arg6[%dma_start3A_62, %dma_start3A_63, %dma_start3A_64, %dma_start3A_65] : memref<2x2x16x128xi32, #tpu.memory_space<vmem>> -> memref<1x1x16x128xi32, #tpu.memory_space<vmem>>
    %dma_start3A_67 = tpu.memref_squeeze %dma_start3A_66 : memref<1x1x16x128xi32, #tpu.memory_space<vmem>> -> memref<16x128xi32, #tpu.memory_space<vmem>>
    %dma_start3A_68 = arith.constant 0 : i32
    %dma_start3A_69 = tpu.memref_slice %arg3[%dma_start3A_61, %add3A_43, %dma_start3A_68] : memref<2x2560x128xi32, #tpu.memory_space<hbm>> -> memref<1x16x128xi32, #tpu.memory_space<hbm>>
    %dma_start3A_70 = tpu.memref_squeeze %dma_start3A_69 : memref<1x16x128xi32, #tpu.memory_space<hbm>> -> memref<16x128xi32, #tpu.memory_space<hbm>>
    %dma_start3A_71 = arith.constant 0 : i32
    %dma_start3A_72 = arith.constant 0 : i32
    %dma_start3A_73 = tpu.memref_slice %arg6[%dma_start3A_62, %dma_start3A_63, %dma_start3A_71, %dma_start3A_72] : memref<2x2x16x128xi32, #tpu.memory_space<vmem>> -> memref<1x1x16x128xi32, #tpu.memory_space<vmem>>
    %dma_start3A_74 = tpu.memref_squeeze %dma_start3A_73 : memref<1x1x16x128xi32, #tpu.memory_space<vmem>> -> memref<16x128xi32, #tpu.memory_space<vmem>>
    %dma_start3A_75 = arith.constant 0 : i32
    %dma_start3A_76 = tpu.memref_slice %arg3[%dma_start3A_61, %add3A_43, %dma_start3A_75] : memref<2x2560x128xi32, #tpu.memory_space<hbm>> -> memref<1x16x128xi32, #tpu.memory_space<hbm>>
    %dma_start3A_77 = tpu.memref_squeeze %dma_start3A_76 : memref<1x16x128xi32, #tpu.memory_space<hbm>> -> memref<16x128xi32, #tpu.memory_space<hbm>>
    tpu.enqueue_dma source(%dma_start3A_77 : memref<16x128xi32, #tpu.memory_space<hbm>>) target(%dma_start3A_74 : memref<16x128xi32, #tpu.memory_space<vmem>>) target_semaphore(%arg13 : memref<!tpu.dma_semaphore, #tpu.memory_space<semaphore_mem>>)
    %scan3A = arith.constant 0 : i32
    %scan3A_78 = arith.constant 128 : i32
    %scan3A_79 = arith.addi %scan3A, %scan3A_78 : i32
    %scan3A_80 = arith.constant 1 : i32
    scf.for %scan3A_523 = %scan3A to %scan3A_79 step %scan3A_80  : i32 {
      %mul3A_524 = arith.constant 1 : i32
      %mul3A_525 = arith.muli %scan3A_523, %mul3A_524 : i32
      %add3A_526 = arith.constant 0 : i32
      %add3A_527 = arith.addi %add3A_526, %mul3A_525 : i32
      %broadcast_in_dim3A = arith.constant 0.000000e+00 : f32
      %broadcast_in_dim3A_528 = vector.broadcast %broadcast_in_dim3A : f32 to vector<16xf32>
      %swap3A = arith.index_cast %add3A_527 : i32 to index
      %swap3A_529 = arith.constant 0 : index
      %swap3A_530 = tpu.vector_load %arg7[%swap3A, %swap3A_529] {strides = array<i32>} : memref<128x128xf32, #tpu.memory_space<vmem>>, vector<1x16xf32>,
      %swap3A_531 = vector.shape_cast %swap3A_530 : vector<1x16xf32> to vector<16xf32>
      %swap3A_532 = vector.shape_cast %broadcast_in_dim3A_528 : vector<16xf32> to vector<1x16xf32>
      tpu.vector_store %arg7[%swap3A, %swap3A_529], %swap3A_532 {strides = array<i32>} : memref<128x128xf32, #tpu.memory_space<vmem>>, vector<1x16xf32>,
      %broadcast_in_dim3A_533 = arith.constant 0.000000e+00 : f32
      %broadcast_in_dim3A_534 = vector.broadcast %broadcast_in_dim3A_533 : f32 to vector<16xf32>
      %swap3A_535 = arith.index_cast %add3A_527 : i32 to index
      %swap3A_536 = arith.constant 16 : index
      %swap3A_537 = tpu.vector_load %arg7[%swap3A_535, %swap3A_536] {strides = array<i32>} : memref<128x128xf32, #tpu.memory_space<vmem>>, vector<1x16xf32>,
      %swap3A_538 = vector.shape_cast %swap3A_537 : vector<1x16xf32> to vector<16xf32>
      %swap3A_539 = vector.shape_cast %broadcast_in_dim3A_534 : vector<16xf32> to vector<1x16xf32>
      tpu.vector_store %arg7[%swap3A_535, %swap3A_536], %swap3A_539 {strides = array<i32>} : memref<128x128xf32, #tpu.memory_space<vmem>>, vector<1x16xf32>,
      %broadcast_in_dim3A_540 = arith.constant 0.000000e+00 : f32
      %broadcast_in_dim3A_541 = vector.broadcast %broadcast_in_dim3A_540 : f32 to vector<16xf32>
      %swap3A_542 = arith.index_cast %add3A_527 : i32 to index
      %swap3A_543 = arith.constant 32 : index
      %swap3A_544 = tpu.vector_load %arg7[%swap3A_542, %swap3A_543] {strides = array<i32>} : memref<128x128xf32, #tpu.memory_space<vmem>>, vector<1x16xf32>,
      %swap3A_545 = vector.shape_cast %swap3A_544 : vector<1x16xf32> to vector<16xf32>
      %swap3A_546 = vector.shape_cast %broadcast_in_dim3A_541 : vector<16xf32> to vector<1x16xf32>
      tpu.vector_store %arg7[%swap3A_542, %swap3A_543], %swap3A_546 {strides = array<i32>} : memref<128x128xf32, #tpu.memory_space<vmem>>, vector<1x16xf32>,
      %broadcast_in_dim3A_547 = arith.constant 0.000000e+00 : f32
      %broadcast_in_dim3A_548 = vector.broadcast %broadcast_in_dim3A_547 : f32 to vector<16xf32>
      %swap3A_549 = arith.index_cast %add3A_527 : i32 to index
      %swap3A_550 = arith.constant 48 : index
      %swap3A_551 = tpu.vector_load %arg7[%swap3A_549, %swap3A_550] {strides = array<i32>} : memref<128x128xf32, #tpu.memory_space<vmem>>, vector<1x16xf32>,
      %swap3A_552 = vector.shape_cast %swap3A_551 : vector<1x16xf32> to vector<16xf32>
      %swap3A_553 = vector.shape_cast %broadcast_in_dim3A_548 : vector<16xf32> to vector<1x16xf32>
      tpu.vector_store %arg7[%swap3A_549, %swap3A_550], %swap3A_553 {strides = array<i32>} : memref<128x128xf32, #tpu.memory_space<vmem>>, vector<1x16xf32>,
      %broadcast_in_dim3A_554 = arith.constant 0.000000e+00 : f32
      %broadcast_in_dim3A_555 = vector.broadcast %broadcast_in_dim3A_554 : f32 to vector<16xf32>
      %swap3A_556 = arith.index_cast %add3A_527 : i32 to index
      %swap3A_557 = arith.constant 64 : index
      %swap3A_558 = tpu.vector_load %arg7[%swap3A_556, %swap3A_557] {strides = array<i32>} : memref<128x128xf32, #tpu.memory_space<vmem>>, vector<1x16xf32>,
      %swap3A_559 = vector.shape_cast %swap3A_558 : vector<1x16xf32> to vector<16xf32>
      %swap3A_560 = vector.shape_cast %broadcast_in_dim3A_555 : vector<16xf32> to vector<1x16xf32>
      tpu.vector_store %arg7[%swap3A_556, %swap3A_557], %swap3A_560 {strides = array<i32>} : memref<128x128xf32, #tpu.memory_space<vmem>>, vector<1x16xf32>,
      %broadcast_in_dim3A_561 = arith.constant 0.000000e+00 : f32
      %broadcast_in_dim3A_562 = vector.broadcast %broadcast_in_dim3A_561 : f32 to vector<16xf32>
      %swap3A_563 = arith.index_cast %add3A_527 : i32 to index
      %swap3A_564 = arith.constant 80 : index
      %swap3A_565 = tpu.vector_load %arg7[%swap3A_563, %swap3A_564] {strides = array<i32>} : memref<128x128xf32, #tpu.memory_space<vmem>>, vector<1x16xf32>,
      %swap3A_566 = vector.shape_cast %swap3A_565 : vector<1x16xf32> to vector<16xf32>
      %swap3A_567 = vector.shape_cast %broadcast_in_dim3A_562 : vector<16xf32> to vector<1x16xf32>
      tpu.vector_store %arg7[%swap3A_563, %swap3A_564], %swap3A_567 {strides = array<i32>} : memref<128x128xf32, #tpu.memory_space<vmem>>, vector<1x16xf32>,
      %broadcast_in_dim3A_568 = arith.constant 0.000000e+00 : f32
      %broadcast_in_dim3A_569 = vector.broadcast %broadcast_in_dim3A_568 : f32 to vector<16xf32>
      %swap3A_570 = arith.index_cast %add3A_527 : i32 to index
      %swap3A_571 = arith.constant 96 : index
      %swap3A_572 = tpu.vector_load %arg7[%swap3A_570, %swap3A_571] {strides = array<i32>} : memref<128x128xf32, #tpu.memory_space<vmem>>, vector<1x16xf32>,
      %swap3A_573 = vector.shape_cast %swap3A_572 : vector<1x16xf32> to vector<16xf32>
      %swap3A_574 = vector.shape_cast %broadcast_in_dim3A_569 : vector<16xf32> to vector<1x16xf32>
      tpu.vector_store %arg7[%swap3A_570, %swap3A_571], %swap3A_574 {strides = array<i32>} : memref<128x128xf32, #tpu.memory_space<vmem>>, vector<1x16xf32>,
      %broadcast_in_dim3A_575 = arith.constant 0.000000e+00 : f32
      %broadcast_in_dim3A_576 = vector.broadcast %broadcast_in_dim3A_575 : f32 to vector<16xf32>
      %swap3A_577 = arith.index_cast %add3A_527 : i32 to index
      %swap3A_578 = arith.constant 112 : index
      %swap3A_579 = tpu.vector_load %arg7[%swap3A_577, %swap3A_578] {strides = array<i32>} : memref<128x128xf32, #tpu.memory_space<vmem>>, vector<1x16xf32>,
      %swap3A_580 = vector.shape_cast %swap3A_579 : vector<1x16xf32> to vector<16xf32>
      %swap3A_581 = vector.shape_cast %broadcast_in_dim3A_576 : vector<16xf32> to vector<1x16xf32>
      tpu.vector_store %arg7[%swap3A_577, %swap3A_578], %swap3A_581 {strides = array<i32>} : memref<128x128xf32, #tpu.memory_space<vmem>>, vector<1x16xf32>,
    }
    %scan3A_81 = arith.constant 128 : i32
    %add3A_82 = arith.constant 0 : i32
    %add3A_83 = arith.addi %mul3A_2, %add3A_82 : i32
    %dma_start3A_84 = arith.constant 0 : i32
    %dma_start3A_85 = tpu.memref_slice %arg9[%add3A_83, %dma_start3A_84] : memref<10240x128xf32, #tpu.memory_space<vmem_shared>> -> memref<128x128xf32, #tpu.memory_space<vmem_shared>>
    %dma_start3A_86 = arith.constant 0 : i32
    %dma_start3A_87 = tpu.memref_slice %arg9[%add3A_83, %dma_start3A_86] : memref<10240x128xf32, #tpu.memory_space<vmem_shared>> -> memref<128x128xf32, #tpu.memory_space<vmem_shared>>
    tpu.enqueue_dma source(%arg7 : memref<128x128xf32, #tpu.memory_space<vmem>>) target(%dma_start3A_87 : memref<128x128xf32, #tpu.memory_space<vmem_shared>>) target_semaphore(%arg14 : memref<!tpu.dma_semaphore, #tpu.memory_space<semaphore_mem>>)
    %add3A_88 = arith.constant 128 : i32
    %add3A_89 = arith.addi %mul3A_2, %add3A_88 : i32
    %dma_start3A_90 = arith.constant 0 : i32
    %dma_start3A_91 = tpu.memref_slice %arg9[%add3A_89, %dma_start3A_90] : memref<10240x128xf32, #tpu.memory_space<vmem_shared>> -> memref<128x128xf32, #tpu.memory_space<vmem_shared>>
    %dma_start3A_92 = arith.constant 0 : i32
    %dma_start3A_93 = tpu.memref_slice %arg9[%add3A_89, %dma_start3A_92] : memref<10240x128xf32, #tpu.memory_space<vmem_shared>> -> memref<128x128xf32, #tpu.memory_space<vmem_shared>>
    tpu.enqueue_dma source(%arg7 : memref<128x128xf32, #tpu.memory_space<vmem>>) target(%dma_start3A_93 : memref<128x128xf32, #tpu.memory_space<vmem_shared>>) target_semaphore(%arg14 : memref<!tpu.dma_semaphore, #tpu.memory_space<semaphore_mem>>)
    %add3A_94 = arith.constant 256 : i32
    %add3A_95 = arith.addi %mul3A_2, %add3A_94 : i32
    %dma_start3A_96 = arith.constant 0 : i32
    %dma_start3A_97 = tpu.memref_slice %arg9[%add3A_95, %dma_start3A_96] : memref<10240x128xf32, #tpu.memory_space<vmem_shared>> -> memref<128x128xf32, #tpu.memory_space<vmem_shared>>
    %dma_start3A_98 = arith.constant 0 : i32
    %dma_start3A_99 = tpu.memref_slice %arg9[%add3A_95, %dma_start3A_98] : memref<10240x128xf32, #tpu.memory_space<vmem_shared>> -> memref<128x128xf32, #tpu.memory_space<vmem_shared>>
    tpu.enqueue_dma source(%arg7 : memref<128x128xf32, #tpu.memory_space<vmem>>) target(%dma_start3A_99 : memref<128x128xf32, #tpu.memory_space<vmem_shared>>) target_semaphore(%arg14 : memref<!tpu.dma_semaphore, #tpu.memory_space<semaphore_mem>>)
    %add3A_100 = arith.constant 384 : i32
    %add3A_101 = arith.addi %mul3A_2, %add3A_100 : i32
    %dma_start3A_102 = arith.constant 0 : i32
    %dma_start3A_103 = tpu.memref_slice %arg9[%add3A_101, %dma_start3A_102] : memref<10240x128xf32, #tpu.memory_space<vmem_shared>> -> memref<128x128xf32, #tpu.memory_space<vmem_shared>>
    %dma_start3A_104 = arith.constant 0 : i32
    %dma_start3A_105 = tpu.memref_slice %arg9[%add3A_101, %dma_start3A_104] : memref<10240x128xf32, #tpu.memory_space<vmem_shared>> -> memref<128x128xf32, #tpu.memory_space<vmem_shared>>
    tpu.enqueue_dma source(%arg7 : memref<128x128xf32, #tpu.memory_space<vmem>>) target(%dma_start3A_105 : memref<128x128xf32, #tpu.memory_space<vmem_shared>>) target_semaphore(%arg14 : memref<!tpu.dma_semaphore, #tpu.memory_space<semaphore_mem>>)
    %add3A_106 = arith.constant 512 : i32
    %add3A_107 = arith.addi %mul3A_2, %add3A_106 : i32
    %dma_start3A_108 = arith.constant 0 : i32
    %dma_start3A_109 = tpu.memref_slice %arg9[%add3A_107, %dma_start3A_108] : memref<10240x128xf32, #tpu.memory_space<vmem_shared>> -> memref<128x128xf32, #tpu.memory_space<vmem_shared>>
    %dma_start3A_110 = arith.constant 0 : i32
    %dma_start3A_111 = tpu.memref_slice %arg9[%add3A_107, %dma_start3A_110] : memref<10240x128xf32, #tpu.memory_space<vmem_shared>> -> memref<128x128xf32, #tpu.memory_space<vmem_shared>>
    tpu.enqueue_dma source(%arg7 : memref<128x128xf32, #tpu.memory_space<vmem>>) target(%dma_start3A_111 : memref<128x128xf32, #tpu.memory_space<vmem_shared>>) target_semaphore(%arg14 : memref<!tpu.dma_semaphore, #tpu.memory_space<semaphore_mem>>)
    %add3A_112 = arith.constant 0 : i32
    %add3A_113 = arith.addi %mul3A_2, %add3A_112 : i32
    %dma_wait3A = arith.constant 0 : i32
    %dma_wait3A_114 = tpu.memref_slice %arg9[%add3A_113, %dma_wait3A] : memref<10240x128xf32, #tpu.memory_space<vmem_shared>> -> memref<128x128xf32, #tpu.memory_space<vmem_shared>>
    %dma_wait3A_115 = arith.constant 0 : i32
    %dma_wait3A_116 = tpu.memref_slice %arg9[%add3A_113, %dma_wait3A_115] : memref<10240x128xf32, #tpu.memory_space<vmem_shared>> -> memref<128x128xf32, #tpu.memory_space<vmem_shared>>
    tpu.wait_dma2 semaphore(%arg14 : memref<!tpu.dma_semaphore, #tpu.memory_space<semaphore_mem>>) src(%arg7 : memref<128x128xf32, #tpu.memory_space<vmem>>) dst(%dma_wait3A_116 : memref<128x128xf32, #tpu.memory_space<vmem_shared>>)
    %add3A_117 = arith.constant 128 : i32
    %add3A_118 = arith.addi %mul3A_2, %add3A_117 : i32
    %dma_wait3A_119 = arith.constant 0 : i32
    %dma_wait3A_120 = tpu.memref_slice %arg9[%add3A_118, %dma_wait3A_119] : memref<10240x128xf32, #tpu.memory_space<vmem_shared>> -> memref<128x128xf32, #tpu.memory_space<vmem_shared>>
    %dma_wait3A_121 = arith.constant 0 : i32
    %dma_wait3A_122 = tpu.memref_slice %arg9[%add3A_118, %dma_wait3A_121] : memref<10240x128xf32, #tpu.memory_space<vmem_shared>> -> memref<128x128xf32, #tpu.memory_space<vmem_shared>>
    tpu.wait_dma2 semaphore(%arg14 : memref<!tpu.dma_semaphore, #tpu.memory_space<semaphore_mem>>) src(%arg7 : memref<128x128xf32, #tpu.memory_space<vmem>>) dst(%dma_wait3A_122 : memref<128x128xf32, #tpu.memory_space<vmem_shared>>)
    %add3A_123 = arith.constant 256 : i32
    %add3A_124 = arith.addi %mul3A_2, %add3A_123 : i32
    %dma_wait3A_125 = arith.constant 0 : i32
    %dma_wait3A_126 = tpu.memref_slice %arg9[%add3A_124, %dma_wait3A_125] : memref<10240x128xf32, #tpu.memory_space<vmem_shared>> -> memref<128x128xf32, #tpu.memory_space<vmem_shared>>
    %dma_wait3A_127 = arith.constant 0 : i32
    %dma_wait3A_128 = tpu.memref_slice %arg9[%add3A_124, %dma_wait3A_127] : memref<10240x128xf32, #tpu.memory_space<vmem_shared>> -> memref<128x128xf32, #tpu.memory_space<vmem_shared>>
    tpu.wait_dma2 semaphore(%arg14 : memref<!tpu.dma_semaphore, #tpu.memory_space<semaphore_mem>>) src(%arg7 : memref<128x128xf32, #tpu.memory_space<vmem>>) dst(%dma_wait3A_128 : memref<128x128xf32, #tpu.memory_space<vmem_shared>>)
    %add3A_129 = arith.constant 384 : i32
    %add3A_130 = arith.addi %mul3A_2, %add3A_129 : i32
    %dma_wait3A_131 = arith.constant 0 : i32
    %dma_wait3A_132 = tpu.memref_slice %arg9[%add3A_130, %dma_wait3A_131] : memref<10240x128xf32, #tpu.memory_space<vmem_shared>> -> memref<128x128xf32, #tpu.memory_space<vmem_shared>>
    %dma_wait3A_133 = arith.constant 0 : i32
    %dma_wait3A_134 = tpu.memref_slice %arg9[%add3A_130, %dma_wait3A_133] : memref<10240x128xf32, #tpu.memory_space<vmem_shared>> -> memref<128x128xf32, #tpu.memory_space<vmem_shared>>
    tpu.wait_dma2 semaphore(%arg14 : memref<!tpu.dma_semaphore, #tpu.memory_space<semaphore_mem>>) src(%arg7 : memref<128x128xf32, #tpu.memory_space<vmem>>) dst(%dma_wait3A_134 : memref<128x128xf32, #tpu.memory_space<vmem_shared>>)
    %add3A_135 = arith.constant 512 : i32
    %add3A_136 = arith.addi %mul3A_2, %add3A_135 : i32
    %dma_wait3A_137 = arith.constant 0 : i32
    %dma_wait3A_138 = tpu.memref_slice %arg9[%add3A_136, %dma_wait3A_137] : memref<10240x128xf32, #tpu.memory_space<vmem_shared>> -> memref<128x128xf32, #tpu.memory_space<vmem_shared>>
    %dma_wait3A_139 = arith.constant 0 : i32
    %dma_wait3A_140 = tpu.memref_slice %arg9[%add3A_136, %dma_wait3A_139] : memref<10240x128xf32, #tpu.memory_space<vmem_shared>> -> memref<128x128xf32, #tpu.memory_space<vmem_shared>>
    tpu.wait_dma2 semaphore(%arg14 : memref<!tpu.dma_semaphore, #tpu.memory_space<semaphore_mem>>) src(%arg7 : memref<128x128xf32, #tpu.memory_space<vmem>>) dst(%dma_wait3A_140 : memref<128x128xf32, #tpu.memory_space<vmem_shared>>)
    %barrier3A = arith.constant 0 : index
    tpu.barrier barrier_id(%barrier3A)
    %dma_wait3A_141 = arith.constant 0 : i32
    %dma_wait3A_142 = arith.constant 0 : i32
    %dma_wait3A_143 = arith.constant 0 : i32
    %dma_wait3A_144 = arith.constant 0 : i32
    %dma_wait3A_145 = arith.constant 0 : i32
    %dma_wait3A_146 = tpu.memref_slice %arg6[%dma_wait3A_142, %dma_wait3A_143, %dma_wait3A_144, %dma_wait3A_145] : memref<2x2x16x128xi32, #tpu.memory_space<vmem>> -> memref<1x1x16x128xi32, #tpu.memory_space<vmem>>
    %dma_wait3A_147 = tpu.memref_squeeze %dma_wait3A_146 : memref<1x1x16x128xi32, #tpu.memory_space<vmem>> -> memref<16x128xi32, #tpu.memory_space<vmem>>
    %dma_wait3A_148 = arith.constant 0 : i32
    %dma_wait3A_149 = arith.constant 0 : i32
    %dma_wait3A_150 = tpu.memref_slice %arg3[%dma_wait3A_141, %dma_wait3A_148, %dma_wait3A_149] : memref<2x2560x128xi32, #tpu.memory_space<hbm>> -> memref<1x16x128xi32, #tpu.memory_space<hbm>>
    %dma_wait3A_151 = tpu.memref_squeeze %dma_wait3A_150 : memref<1x16x128xi32, #tpu.memory_space<hbm>> -> memref<16x128xi32, #tpu.memory_space<hbm>>
    %dma_wait3A_152 = arith.constant 0 : i32
    %dma_wait3A_153 = arith.constant 0 : i32
    %dma_wait3A_154 = tpu.memref_slice %arg6[%dma_wait3A_142, %dma_wait3A_143, %dma_wait3A_152, %dma_wait3A_153] : memref<2x2x16x128xi32, #tpu.memory_space<vmem>> -> memref<1x1x16x128xi32, #tpu.memory_space<vmem>>
    %dma_wait3A_155 = tpu.memref_squeeze %dma_wait3A_154 : memref<1x1x16x128xi32, #tpu.memory_space<vmem>> -> memref<16x128xi32, #tpu.memory_space<vmem>>
    %dma_wait3A_156 = arith.constant 0 : i32
    %dma_wait3A_157 = arith.constant 0 : i32
    %dma_wait3A_158 = tpu.memref_slice %arg3[%dma_wait3A_141, %dma_wait3A_156, %dma_wait3A_157] : memref<2x2560x128xi32, #tpu.memory_space<hbm>> -> memref<1x16x128xi32, #tpu.memory_space<hbm>>
    %dma_wait3A_159 = tpu.memref_squeeze %dma_wait3A_158 : memref<1x16x128xi32, #tpu.memory_space<hbm>> -> memref<16x128xi32, #tpu.memory_space<hbm>>
    tpu.wait_dma2 semaphore(%arg12 : memref<!tpu.dma_semaphore, #tpu.memory_space<semaphore_mem>>) src(%dma_wait3A_159 : memref<16x128xi32, #tpu.memory_space<hbm>>) dst(%dma_wait3A_155 : memref<16x128xi32, #tpu.memory_space<vmem>>)
    %dma_wait3A_160 = arith.constant 1 : i32
    %dma_wait3A_161 = arith.constant 0 : i32
    %dma_wait3A_162 = arith.constant 1 : i32
    %dma_wait3A_163 = arith.constant 0 : i32
    %dma_wait3A_164 = arith.constant 0 : i32
    %dma_wait3A_165 = tpu.memref_slice %arg6[%dma_wait3A_161, %dma_wait3A_162, %dma_wait3A_163, %dma_wait3A_164] : memref<2x2x16x128xi32, #tpu.memory_space<vmem>> -> memref<1x1x16x128xi32, #tpu.memory_space<vmem>>
    %dma_wait3A_166 = tpu.memref_squeeze %dma_wait3A_165 : memref<1x1x16x128xi32, #tpu.memory_space<vmem>> -> memref<16x128xi32, #tpu.memory_space<vmem>>
    %dma_wait3A_167 = arith.constant 0 : i32
    %dma_wait3A_168 = arith.constant 0 : i32
    %dma_wait3A_169 = tpu.memref_slice %arg3[%dma_wait3A_160, %dma_wait3A_167, %dma_wait3A_168] : memref<2x2560x128xi32, #tpu.memory_space<hbm>> -> memref<1x16x128xi32, #tpu.memory_space<hbm>>
    %dma_wait3A_170 = tpu.memref_squeeze %dma_wait3A_169 : memref<1x16x128xi32, #tpu.memory_space<hbm>> -> memref<16x128xi32, #tpu.memory_space<hbm>>
    %dma_wait3A_171 = arith.constant 0 : i32
    %dma_wait3A_172 = arith.constant 0 : i32
    %dma_wait3A_173 = tpu.memref_slice %arg6[%dma_wait3A_161, %dma_wait3A_162, %dma_wait3A_171, %dma_wait3A_172] : memref<2x2x16x128xi32, #tpu.memory_space<vmem>> -> memref<1x1x16x128xi32, #tpu.memory_space<vmem>>
    %dma_wait3A_174 = tpu.memref_squeeze %dma_wait3A_173 : memref<1x1x16x128xi32, #tpu.memory_space<vmem>> -> memref<16x128xi32, #tpu.memory_space<vmem>>
    %dma_wait3A_175 = arith.constant 0 : i32
    %dma_wait3A_176 = arith.constant 0 : i32
    %dma_wait3A_177 = tpu.memref_slice %arg3[%dma_wait3A_160, %dma_wait3A_175, %dma_wait3A_176] : memref<2x2560x128xi32, #tpu.memory_space<hbm>> -> memref<1x16x128xi32, #tpu.memory_space<hbm>>
    %dma_wait3A_178 = tpu.memref_squeeze %dma_wait3A_177 : memref<1x16x128xi32, #tpu.memory_space<hbm>> -> memref<16x128xi32, #tpu.memory_space<hbm>>
    tpu.wait_dma2 semaphore(%arg12 : memref<!tpu.dma_semaphore, #tpu.memory_space<semaphore_mem>>) src(%dma_wait3A_178 : memref<16x128xi32, #tpu.memory_space<hbm>>) dst(%dma_wait3A_174 : memref<16x128xi32, #tpu.memory_space<vmem>>)
    %dma_start3A_179 = arith.constant 0 : i32
    %dma_start3A_180 = arith.constant 0 : i32
    %dma_start3A_181 = arith.constant 0 : i32
    %dma_start3A_182 = arith.constant 0 : i32
    %dma_start3A_183 = tpu.memref_slice %arg6[%dma_start3A_179, %dma_start3A_180, %dma_start3A_181, %dma_start3A_182] : memref<2x2x16x128xi32, #tpu.memory_space<vmem>> -> memref<1x1x1x128xi32, #tpu.memory_space<vmem>>
    %dma_start3A_184 = tpu.memref_squeeze %dma_start3A_183 : memref<1x1x1x128xi32, #tpu.memory_space<vmem>> -> memref<128xi32, #tpu.memory_space<vmem>>
    %dma_start3A_185 = arith.constant 0 : i32
    %dma_start3A_186 = arith.constant 0 : i32
    %dma_start3A_187 = tpu.memref_slice %arg2[%dma_start3A_185, %dma_start3A_186] : memref<10000x128xf32, #tpu.memory_space<hbm>> -> memref<10000x128xf32, #tpu.memory_space<hbm>>
    tpu.enqueue_indirect_dma source(%dma_start3A_187 : memref<10000x128xf32, #tpu.memory_space<hbm>>) target(%arg7 : memref<128x128xf32, #tpu.memory_space<vmem>>) offsets(%dma_start3A_184 : memref<128xi32, #tpu.memory_space<vmem>>) semaphore(%arg10 : memref<!tpu.dma_semaphore, #tpu.memory_space<semaphore_mem>>)
    %scan3A_188 = arith.constant 0 : i32
    %scan3A_189 = arith.constant 8 : i32
    %scan3A_190 = arith.addi %scan3A_188, %scan3A_189 : i32
    %scan3A_191 = arith.constant 1 : i32
    scf.for %scan3A_523 = %scan3A_188 to %scan3A_190 step %scan3A_191  : i32 {
      %mul3A_524 = arith.constant 2 : i32
      %mul3A_525 = arith.muli %scan3A_523, %mul3A_524 : i32
      %add3A_526 = arith.constant 0 : i32
      %add3A_527 = arith.addi %add3A_526, %mul3A_525 : i32
      %add3A_528 = arith.constant 1 : i32
      %add3A_529 = arith.addi %add3A_527, %add3A_528 : i32
      %dma_start3A_530 = arith.constant 0 : i32
      %dma_start3A_531 = arith.constant 0 : i32
      %dma_start3A_532 = arith.constant 0 : i32
      %dma_start3A_533 = tpu.memref_slice %arg6[%dma_start3A_530, %dma_start3A_531, %add3A_529, %dma_start3A_532] : memref<2x2x16x128xi32, #tpu.memory_space<vmem>> -> memref<1x1x1x128xi32, #tpu.memory_space<vmem>>
      %dma_start3A_534 = tpu.memref_squeeze %dma_start3A_533 : memref<1x1x1x128xi32, #tpu.memory_space<vmem>> -> memref<128xi32, #tpu.memory_space<vmem>>
      %dma_start3A_535 = arith.constant 0 : i32
      %dma_start3A_536 = arith.constant 0 : i32
      %dma_start3A_537 = tpu.memref_slice %arg2[%dma_start3A_535, %dma_start3A_536] : memref<10000x128xf32, #tpu.memory_space<hbm>> -> memref<10000x128xf32, #tpu.memory_space<hbm>>
      tpu.enqueue_indirect_dma source(%dma_start3A_537 : memref<10000x128xf32, #tpu.memory_space<hbm>>) target(%arg8 : memref<128x128xf32, #tpu.memory_space<vmem>>) offsets(%dma_start3A_534 : memref<128xi32, #tpu.memory_space<vmem>>) semaphore(%arg11 : memref<!tpu.dma_semaphore, #tpu.memory_space<semaphore_mem>>)
      %dma_wait3A_538 = arith.constant 0 : i32
      %dma_wait3A_539 = arith.constant 0 : i32
      %dma_wait3A_540 = arith.constant 0 : i32
      %dma_wait3A_541 = tpu.memref_slice %arg6[%dma_wait3A_538, %dma_wait3A_539, %add3A_527, %dma_wait3A_540] : memref<2x2x16x128xi32, #tpu.memory_space<vmem>> -> memref<1x1x1x128xi32, #tpu.memory_space<vmem>>
      %dma_wait3A_542 = tpu.memref_squeeze %dma_wait3A_541 : memref<1x1x1x128xi32, #tpu.memory_space<vmem>> -> memref<128xi32, #tpu.memory_space<vmem>>
      %dma_wait3A_543 = arith.constant 0 : i32
      %dma_wait3A_544 = arith.constant 0 : i32
      %dma_wait3A_545 = tpu.memref_slice %arg2[%dma_wait3A_543, %dma_wait3A_544] : memref<10000x128xf32, #tpu.memory_space<hbm>> -> memref<10000x128xf32, #tpu.memory_space<hbm>>
      tpu.wait_indirect_dma semaphore(%arg10 : memref<!tpu.dma_semaphore, #tpu.memory_space<semaphore_mem>>) src(%dma_wait3A_545 : memref<10000x128xf32, #tpu.memory_space<hbm>>) dst(%arg7 : memref<128x128xf32, #tpu.memory_space<vmem>>)
      %run_scoped3A = arith.constant 0 : i32
      %run_scoped3A_546 = arith.constant 1 : i32
      "tpu.region"() ({
        %run_scoped3A_567 = tpu.sem_alloc : memref<!tpu.dma_semaphore, #tpu.memory_space<semaphore_mem>>
        %dma_start3A_568 = arith.constant 0 : i32
        %dma_start3A_569 = tpu.memref_slice %arg6[%run_scoped3A, %run_scoped3A_546, %add3A_527, %dma_start3A_568] : memref<2x2x16x128xi32, #tpu.memory_space<vmem>> -> memref<1x1x1x128xi32, #tpu.memory_space<vmem>>
        %dma_start3A_570 = tpu.memref_squeeze %dma_start3A_569 : memref<1x1x1x128xi32, #tpu.memory_space<vmem>> -> memref<128xi32, #tpu.memory_space<vmem>>
        %dma_start3A_571 = arith.constant 0 : i32
        %dma_start3A_572 = arith.constant 0 : i32
        %dma_start3A_573 = tpu.memref_slice %arg9[%dma_start3A_571, %dma_start3A_572] : memref<10240x128xf32, #tpu.memory_space<vmem_shared>> -> memref<10240x128xf32, #tpu.memory_space<vmem_shared>>
        tpu.enqueue_indirect_dma source(%arg7 : memref<128x128xf32, #tpu.memory_space<vmem>>) target(%dma_start3A_573 : memref<10240x128xf32, #tpu.memory_space<vmem_shared>>) offsets(%dma_start3A_570 : memref<128xi32, #tpu.memory_space<vmem>>) semaphore(%run_scoped3A_567 : memref<!tpu.dma_semaphore, #tpu.memory_space<semaphore_mem>>) {add = true}
        %dma_wait3A_574 = arith.constant 0 : i32
        %dma_wait3A_575 = tpu.memref_slice %arg6[%run_scoped3A, %run_scoped3A_546, %add3A_527, %dma_wait3A_574] : memref<2x2x16x128xi32, #tpu.memory_space<vmem>> -> memref<1x1x1x128xi32, #tpu.memory_space<vmem>>
        %dma_wait3A_576 = tpu.memref_squeeze %dma_wait3A_575 : memref<1x1x1x128xi32, #tpu.memory_space<vmem>> -> memref<128xi32, #tpu.memory_space<vmem>>
        %dma_wait3A_577 = arith.constant 0 : i32
        %dma_wait3A_578 = arith.constant 0 : i32
        %dma_wait3A_579 = tpu.memref_slice %arg9[%dma_wait3A_577, %dma_wait3A_578] : memref<10240x128xf32, #tpu.memory_space<vmem_shared>> -> memref<10240x128xf32, #tpu.memory_space<vmem_shared>>
        tpu.wait_indirect_dma semaphore(%run_scoped3A_567 : memref<!tpu.dma_semaphore, #tpu.memory_space<semaphore_mem>>) src(%arg7 : memref<128x128xf32, #tpu.memory_space<vmem>>) dst(%dma_wait3A_579 : memref<10240x128xf32, #tpu.memory_space<vmem_shared>>)
        tpu.yield
      }) : () -> ()
      %add3A_547 = arith.constant 2 : i32
      %add3A_548 = arith.addi %add3A_527, %add3A_547 : i32
      %lt3A = arith.constant 16 : i32
      %lt3A_549 = arith.cmpi slt, %add3A_548, %lt3A : i32
      %convert_element_type3A_550 = arith.extui %lt3A_549 : i1 to i32
      %cond3A_551 = arith.constant 0 : i32
      %cond3A_552 = arith.cmpi ne, %convert_element_type3A_550, %cond3A_551 : i32
      scf.if %cond3A_552 {
        %add3A_567 = arith.constant 2 : i32
        %add3A_568 = arith.addi %add3A_527, %add3A_567 : i32
        %dma_start3A_569 = arith.constant 0 : i32
        %dma_start3A_570 = arith.constant 0 : i32
        %dma_start3A_571 = arith.constant 0 : i32
        %dma_start3A_572 = tpu.memref_slice %arg6[%dma_start3A_569, %dma_start3A_570, %add3A_568, %dma_start3A_571] : memref<2x2x16x128xi32, #tpu.memory_space<vmem>> -> memref<1x1x1x128xi32, #tpu.memory_space<vmem>>
        %dma_start3A_573 = tpu.memref_squeeze %dma_start3A_572 : memref<1x1x1x128xi32, #tpu.memory_space<vmem>> -> memref<128xi32, #tpu.memory_space<vmem>>
        %dma_start3A_574 = arith.constant 0 : i32
        %dma_start3A_575 = arith.constant 0 : i32
        %dma_start3A_576 = tpu.memref_slice %arg2[%dma_start3A_574, %dma_start3A_575] : memref<10000x128xf32, #tpu.memory_space<hbm>> -> memref<10000x128xf32, #tpu.memory_space<hbm>>
        tpu.enqueue_indirect_dma source(%dma_start3A_576 : memref<10000x128xf32, #tpu.memory_space<hbm>>) target(%arg7 : memref<128x128xf32, #tpu.memory_space<vmem>>) offsets(%dma_start3A_573 : memref<128xi32, #tpu.memory_space<vmem>>) semaphore(%arg10 : memref<!tpu.dma_semaphore, #tpu.memory_space<semaphore_mem>>)
      } else {
      }
      %add3A_553 = arith.constant 1 : i32
      %add3A_554 = arith.addi %add3A_527, %add3A_553 : i32
      %dma_wait3A_555 = arith.constant 0 : i32
      %dma_wait3A_556 = arith.constant 0 : i32
      %dma_wait3A_557 = arith.constant 0 : i32
      %dma_wait3A_558 = tpu.memref_slice %arg6[%dma_wait3A_555, %dma_wait3A_556, %add3A_554, %dma_wait3A_557] : memref<2x2x16x128xi32, #tpu.memory_space<vmem>> -> memref<1x1x1x128xi32, #tpu.memory_space<vmem>>
      %dma_wait3A_559 = tpu.memref_squeeze %dma_wait3A_558 : memref<1x1x1x128xi32, #tpu.memory_space<vmem>> -> memref<128xi32, #tpu.memory_space<vmem>>
      %dma_wait3A_560 = arith.constant 0 : i32
      %dma_wait3A_561 = arith.constant 0 : i32
      %dma_wait3A_562 = tpu.memref_slice %arg2[%dma_wait3A_560, %dma_wait3A_561] : memref<10000x128xf32, #tpu.memory_space<hbm>> -> memref<10000x128xf32, #tpu.memory_space<hbm>>
      tpu.wait_indirect_dma semaphore(%arg11 : memref<!tpu.dma_semaphore, #tpu.memory_space<semaphore_mem>>) src(%dma_wait3A_562 : memref<10000x128xf32, #tpu.memory_space<hbm>>) dst(%arg8 : memref<128x128xf32, #tpu.memory_space<vmem>>)
      %add3A_563 = arith.constant 1 : i32
      %add3A_564 = arith.addi %add3A_527, %add3A_563 : i32
      %run_scoped3A_565 = arith.constant 0 : i32
      %run_scoped3A_566 = arith.constant 1 : i32
      "tpu.region"() ({
        %run_scoped3A_567 = tpu.sem_alloc : memref<!tpu.dma_semaphore, #tpu.memory_space<semaphore_mem>>
        %dma_start3A_568 = arith.constant 0 : i32
        %dma_start3A_569 = tpu.memref_slice %arg6[%run_scoped3A_565, %run_scoped3A_566, %add3A_564, %dma_start3A_568] : memref<2x2x16x128xi32, #tpu.memory_space<vmem>> -> memref<1x1x1x128xi32, #tpu.memory_space<vmem>>
        %dma_start3A_570 = tpu.memref_squeeze %dma_start3A_569 : memref<1x1x1x128xi32, #tpu.memory_space<vmem>> -> memref<128xi32, #tpu.memory_space<vmem>>
        %dma_start3A_571 = arith.constant 0 : i32
        %dma_start3A_572 = arith.constant 0 : i32
        %dma_start3A_573 = tpu.memref_slice %arg9[%dma_start3A_571, %dma_start3A_572] : memref<10240x128xf32, #tpu.memory_space<vmem_shared>> -> memref<10240x128xf32, #tpu.memory_space<vmem_shared>>
        tpu.enqueue_indirect_dma source(%arg8 : memref<128x128xf32, #tpu.memory_space<vmem>>) target(%dma_start3A_573 : memref<10240x128xf32, #tpu.memory_space<vmem_shared>>) offsets(%dma_start3A_570 : memref<128xi32, #tpu.memory_space<vmem>>) semaphore(%run_scoped3A_567 : memref<!tpu.dma_semaphore, #tpu.memory_space<semaphore_mem>>) {add = true}
        %dma_wait3A_574 = arith.constant 0 : i32
        %dma_wait3A_575 = tpu.memref_slice %arg6[%run_scoped3A_565, %run_scoped3A_566, %add3A_564, %dma_wait3A_574] : memref<2x2x16x128xi32, #tpu.memory_space<vmem>> -> memref<1x1x1x128xi32, #tpu.memory_space<vmem>>
        %dma_wait3A_576 = tpu.memref_squeeze %dma_wait3A_575 : memref<1x1x1x128xi32, #tpu.memory_space<vmem>> -> memref<128xi32, #tpu.memory_space<vmem>>
        %dma_wait3A_577 = arith.constant 0 : i32
        %dma_wait3A_578 = arith.constant 0 : i32
        %dma_wait3A_579 = tpu.memref_slice %arg9[%dma_wait3A_577, %dma_wait3A_578] : memref<10240x128xf32, #tpu.memory_space<vmem_shared>> -> memref<10240x128xf32, #tpu.memory_space<vmem_shared>>
        tpu.wait_indirect_dma semaphore(%run_scoped3A_567 : memref<!tpu.dma_semaphore, #tpu.memory_space<semaphore_mem>>) src(%arg8 : memref<128x128xf32, #tpu.memory_space<vmem>>) dst(%dma_wait3A_579 : memref<10240x128xf32, #tpu.memory_space<vmem_shared>>)
        tpu.yield
      }) : () -> ()
    }
    %scan3A_192 = arith.constant 8 : i32
    %mul3A_193 = arith.constant 80 : i32
    %mul3A_194 = arith.muli %add3A, %mul3A_193 : i32
    %add3A_195 = arith.constant 32 : i32
    %add3A_196 = arith.addi %mul3A_194, %add3A_195 : i32
    %dma_start3A_197 = arith.constant 0 : i32
    %dma_start3A_198 = arith.constant 0 : i32
    %dma_start3A_199 = arith.constant 0 : i32
    %dma_start3A_200 = arith.constant 0 : i32
    %dma_start3A_201 = arith.constant 0 : i32
    %dma_start3A_202 = tpu.memref_slice %arg6[%dma_start3A_198, %dma_start3A_199, %dma_start3A_200, %dma_start3A_201] : memref<2x2x16x128xi32, #tpu.memory_space<vmem>> -> memref<1x1x16x128xi32, #tpu.memory_space<vmem>>
    %dma_start3A_203 = tpu.memref_squeeze %dma_start3A_202 : memref<1x1x16x128xi32, #tpu.memory_space<vmem>> -> memref<16x128xi32, #tpu.memory_space<vmem>>
    %dma_start3A_204 = arith.constant 0 : i32
    %dma_start3A_205 = tpu.memref_slice %arg3[%dma_start3A_197, %add3A_196, %dma_start3A_204] : memref<2x2560x128xi32, #tpu.memory_space<hbm>> -> memref<1x16x128xi32, #tpu.memory_space<hbm>>
    %dma_start3A_206 = tpu.memref_squeeze %dma_start3A_205 : memref<1x16x128xi32, #tpu.memory_space<hbm>> -> memref<16x128xi32, #tpu.memory_space<hbm>>
    %dma_start3A_207 = arith.constant 0 : i32
    %dma_start3A_208 = arith.constant 0 : i32
    %dma_start3A_209 = tpu.memref_slice %arg6[%dma_start3A_198, %dma_start3A_199, %dma_start3A_207, %dma_start3A_208] : memref<2x2x16x128xi32, #tpu.memory_space<vmem>> -> memref<1x1x16x128xi32, #tpu.memory_space<vmem>>
    %dma_start3A_210 = tpu.memref_squeeze %dma_start3A_209 : memref<1x1x16x128xi32, #tpu.memory_space<vmem>> -> memref<16x128xi32, #tpu.memory_space<vmem>>
    %dma_start3A_211 = arith.constant 0 : i32
    %dma_start3A_212 = tpu.memref_slice %arg3[%dma_start3A_197, %add3A_196, %dma_start3A_211] : memref<2x2560x128xi32, #tpu.memory_space<hbm>> -> memref<1x16x128xi32, #tpu.memory_space<hbm>>
    %dma_start3A_213 = tpu.memref_squeeze %dma_start3A_212 : memref<1x16x128xi32, #tpu.memory_space<hbm>> -> memref<16x128xi32, #tpu.memory_space<hbm>>
    tpu.enqueue_dma source(%dma_start3A_213 : memref<16x128xi32, #tpu.memory_space<hbm>>) target(%dma_start3A_210 : memref<16x128xi32, #tpu.memory_space<vmem>>) target_semaphore(%arg12 : memref<!tpu.dma_semaphore, #tpu.memory_space<semaphore_mem>>)
    %dma_start3A_214 = arith.constant 1 : i32
    %dma_start3A_215 = arith.constant 0 : i32
    %dma_start3A_216 = arith.constant 1 : i32
    %dma_start3A_217 = arith.constant 0 : i32
    %dma_start3A_218 = arith.constant 0 : i32
    %dma_start3A_219 = tpu.memref_slice %arg6[%dma_start3A_215, %dma_start3A_216, %dma_start3A_217, %dma_start3A_218] : memref<2x2x16x128xi32, #tpu.memory_space<vmem>> -> memref<1x1x16x128xi32, #tpu.memory_space<vmem>>
    %dma_start3A_220 = tpu.memref_squeeze %dma_start3A_219 : memref<1x1x16x128xi32, #tpu.memory_space<vmem>> -> memref<16x128xi32, #tpu.memory_space<vmem>>
    %dma_start3A_221 = arith.constant 0 : i32
    %dma_start3A_222 = tpu.memref_slice %arg3[%dma_start3A_214, %add3A_196, %dma_start3A_221] : memref<2x2560x128xi32, #tpu.memory_space<hbm>> -> memref<1x16x128xi32, #tpu.memory_space<hbm>>
    %dma_start3A_223 = tpu.memref_squeeze %dma_start3A_222 : memref<1x16x128xi32, #tpu.memory_space<hbm>> -> memref<16x128xi32, #tpu.memory_space<hbm>>
    %dma_start3A_224 = arith.constant 0 : i32
    %dma_start3A_225 = arith.constant 0 : i32
    %dma_start3A_226 = tpu.memref_slice %arg6[%dma_start3A_215, %dma_start3A_216, %dma_start3A_224, %dma_start3A_225] : memref<2x2x16x128xi32, #tpu.memory_space<vmem>> -> memref<1x1x16x128xi32, #tpu.memory_space<vmem>>
    %dma_start3A_227 = tpu.memref_squeeze %dma_start3A_226 : memref<1x1x16x128xi32, #tpu.memory_space<vmem>> -> memref<16x128xi32, #tpu.memory_space<vmem>>
    %dma_start3A_228 = arith.constant 0 : i32
    %dma_start3A_229 = tpu.memref_slice %arg3[%dma_start3A_214, %add3A_196, %dma_start3A_228] : memref<2x2560x128xi32, #tpu.memory_space<hbm>> -> memref<1x16x128xi32, #tpu.memory_space<hbm>>
    %dma_start3A_230 = tpu.memref_squeeze %dma_start3A_229 : memref<1x16x128xi32, #tpu.memory_space<hbm>> -> memref<16x128xi32, #tpu.memory_space<hbm>>
    tpu.enqueue_dma source(%dma_start3A_230 : memref<16x128xi32, #tpu.memory_space<hbm>>) target(%dma_start3A_227 : memref<16x128xi32, #tpu.memory_space<vmem>>) target_semaphore(%arg12 : memref<!tpu.dma_semaphore, #tpu.memory_space<semaphore_mem>>)
    %dma_wait3A_231 = arith.constant 0 : i32
    %dma_wait3A_232 = arith.constant 1 : i32
    %dma_wait3A_233 = arith.constant 0 : i32
    %dma_wait3A_234 = arith.constant 0 : i32
    %dma_wait3A_235 = arith.constant 0 : i32
    %dma_wait3A_236 = tpu.memref_slice %arg6[%dma_wait3A_232, %dma_wait3A_233, %dma_wait3A_234, %dma_wait3A_235] : memref<2x2x16x128xi32, #tpu.memory_space<vmem>> -> memref<1x1x16x128xi32, #tpu.memory_space<vmem>>
    %dma_wait3A_237 = tpu.memref_squeeze %dma_wait3A_236 : memref<1x1x16x128xi32, #tpu.memory_space<vmem>> -> memref<16x128xi32, #tpu.memory_space<vmem>>
    %dma_wait3A_238 = arith.constant 0 : i32
    %dma_wait3A_239 = arith.constant 0 : i32
    %dma_wait3A_240 = tpu.memref_slice %arg3[%dma_wait3A_231, %dma_wait3A_238, %dma_wait3A_239] : memref<2x2560x128xi32, #tpu.memory_space<hbm>> -> memref<1x16x128xi32, #tpu.memory_space<hbm>>
    %dma_wait3A_241 = tpu.memref_squeeze %dma_wait3A_240 : memref<1x16x128xi32, #tpu.memory_space<hbm>> -> memref<16x128xi32, #tpu.memory_space<hbm>>
    %dma_wait3A_242 = arith.constant 0 : i32
    %dma_wait3A_243 = arith.constant 0 : i32
    %dma_wait3A_244 = tpu.memref_slice %arg6[%dma_wait3A_232, %dma_wait3A_233, %dma_wait3A_242, %dma_wait3A_243] : memref<2x2x16x128xi32, #tpu.memory_space<vmem>> -> memref<1x1x16x128xi32, #tpu.memory_space<vmem>>
    %dma_wait3A_245 = tpu.memref_squeeze %dma_wait3A_244 : memref<1x1x16x128xi32, #tpu.memory_space<vmem>> -> memref<16x128xi32, #tpu.memory_space<vmem>>
    %dma_wait3A_246 = arith.constant 0 : i32
    %dma_wait3A_247 = arith.constant 0 : i32
    %dma_wait3A_248 = tpu.memref_slice %arg3[%dma_wait3A_231, %dma_wait3A_246, %dma_wait3A_247] : memref<2x2560x128xi32, #tpu.memory_space<hbm>> -> memref<1x16x128xi32, #tpu.memory_space<hbm>>
    %dma_wait3A_249 = tpu.memref_squeeze %dma_wait3A_248 : memref<1x16x128xi32, #tpu.memory_space<hbm>> -> memref<16x128xi32, #tpu.memory_space<hbm>>
    tpu.wait_dma2 semaphore(%arg13 : memref<!tpu.dma_semaphore, #tpu.memory_space<semaphore_mem>>) src(%dma_wait3A_249 : memref<16x128xi32, #tpu.memory_space<hbm>>) dst(%dma_wait3A_245 : memref<16x128xi32, #tpu.memory_space<vmem>>)
    %dma_wait3A_250 = arith.constant 1 : i32
    %dma_wait3A_251 = arith.constant 1 : i32
    %dma_wait3A_252 = arith.constant 1 : i32
    %dma_wait3A_253 = arith.constant 0 : i32
    %dma_wait3A_254 = arith.constant 0 : i32
    %dma_wait3A_255 = tpu.memref_slice %arg6[%dma_wait3A_251, %dma_wait3A_252, %dma_wait3A_253, %dma_wait3A_254] : memref<2x2x16x128xi32, #tpu.memory_space<vmem>> -> memref<1x1x16x128xi32, #tpu.memory_space<vmem>>
    %dma_wait3A_256 = tpu.memref_squeeze %dma_wait3A_255 : memref<1x1x16x128xi32, #tpu.memory_space<vmem>> -> memref<16x128xi32, #tpu.memory_space<vmem>>
    %dma_wait3A_257 = arith.constant 0 : i32
    %dma_wait3A_258 = arith.constant 0 : i32
    %dma_wait3A_259 = tpu.memref_slice %arg3[%dma_wait3A_250, %dma_wait3A_257, %dma_wait3A_258] : memref<2x2560x128xi32, #tpu.memory_space<hbm>> -> memref<1x16x128xi32, #tpu.memory_space<hbm>>
    %dma_wait3A_260 = tpu.memref_squeeze %dma_wait3A_259 : memref<1x16x128xi32, #tpu.memory_space<hbm>> -> memref<16x128xi32, #tpu.memory_space<hbm>>
    %dma_wait3A_261 = arith.constant 0 : i32
    %dma_wait3A_262 = arith.constant 0 : i32
    %dma_wait3A_263 = tpu.memref_slice %arg6[%dma_wait3A_251, %dma_wait3A_252, %dma_wait3A_261, %dma_wait3A_262] : memref<2x2x16x128xi32, #tpu.memory_space<vmem>> -> memref<1x1x16x128xi32, #tpu.memory_space<vmem>>
    %dma_wait3A_264 = tpu.memref_squeeze %dma_wait3A_263 : memref<1x1x16x128xi32, #tpu.memory_space<vmem>> -> memref<16x128xi32, #tpu.memory_space<vmem>>
    %dma_wait3A_265 = arith.constant 0 : i32
    %dma_wait3A_266 = arith.constant 0 : i32
    %dma_wait3A_267 = tpu.memref_slice %arg3[%dma_wait3A_250, %dma_wait3A_265, %dma_wait3A_266] : memref<2x2560x128xi32, #tpu.memory_space<hbm>> -> memref<1x16x128xi32, #tpu.memory_space<hbm>>
    %dma_wait3A_268 = tpu.memref_squeeze %dma_wait3A_267 : memref<1x16x128xi32, #tpu.memory_space<hbm>> -> memref<16x128xi32, #tpu.memory_space<hbm>>
    tpu.wait_dma2 semaphore(%arg13 : memref<!tpu.dma_semaphore, #tpu.memory_space<semaphore_mem>>) src(%dma_wait3A_268 : memref<16x128xi32, #tpu.memory_space<hbm>>) dst(%dma_wait3A_264 : memref<16x128xi32, #tpu.memory_space<vmem>>)
    %dma_start3A_269 = arith.constant 1 : i32
    %dma_start3A_270 = arith.constant 0 : i32
    %dma_start3A_271 = arith.constant 0 : i32
    %dma_start3A_272 = arith.constant 0 : i32
    %dma_start3A_273 = tpu.memref_slice %arg6[%dma_start3A_269, %dma_start3A_270, %dma_start3A_271, %dma_start3A_272] : memref<2x2x16x128xi32, #tpu.memory_space<vmem>> -> memref<1x1x1x128xi32, #tpu.memory_space<vmem>>
    %dma_start3A_274 = tpu.memref_squeeze %dma_start3A_273 : memref<1x1x1x128xi32, #tpu.memory_space<vmem>> -> memref<128xi32, #tpu.memory_space<vmem>>
    %dma_start3A_275 = arith.constant 0 : i32
    %dma_start3A_276 = arith.constant 0 : i32
    %dma_start3A_277 = tpu.memref_slice %arg2[%dma_start3A_275, %dma_start3A_276] : memref<10000x128xf32, #tpu.memory_space<hbm>> -> memref<10000x128xf32, #tpu.memory_space<hbm>>
    tpu.enqueue_indirect_dma source(%dma_start3A_277 : memref<10000x128xf32, #tpu.memory_space<hbm>>) target(%arg7 : memref<128x128xf32, #tpu.memory_space<vmem>>) offsets(%dma_start3A_274 : memref<128xi32, #tpu.memory_space<vmem>>) semaphore(%arg10 : memref<!tpu.dma_semaphore, #tpu.memory_space<semaphore_mem>>)
    %scan3A_278 = arith.constant 0 : i32
    %scan3A_279 = arith.constant 8 : i32
    %scan3A_280 = arith.addi %scan3A_278, %scan3A_279 : i32
    %scan3A_281 = arith.constant 1 : i32
    scf.for %scan3A_523 = %scan3A_278 to %scan3A_280 step %scan3A_281  : i32 {
      %mul3A_524 = arith.constant 2 : i32
      %mul3A_525 = arith.muli %scan3A_523, %mul3A_524 : i32
      %add3A_526 = arith.constant 0 : i32
      %add3A_527 = arith.addi %add3A_526, %mul3A_525 : i32
      %add3A_528 = arith.constant 1 : i32
      %add3A_529 = arith.addi %add3A_527, %add3A_528 : i32
      %dma_start3A_530 = arith.constant 1 : i32
      %dma_start3A_531 = arith.constant 0 : i32
      %dma_start3A_532 = arith.constant 0 : i32
      %dma_start3A_533 = tpu.memref_slice %arg6[%dma_start3A_530, %dma_start3A_531, %add3A_529, %dma_start3A_532] : memref<2x2x16x128xi32, #tpu.memory_space<vmem>> -> memref<1x1x1x128xi32, #tpu.memory_space<vmem>>
      %dma_start3A_534 = tpu.memref_squeeze %dma_start3A_533 : memref<1x1x1x128xi32, #tpu.memory_space<vmem>> -> memref<128xi32, #tpu.memory_space<vmem>>
      %dma_start3A_535 = arith.constant 0 : i32
      %dma_start3A_536 = arith.constant 0 : i32
      %dma_start3A_537 = tpu.memref_slice %arg2[%dma_start3A_535, %dma_start3A_536] : memref<10000x128xf32, #tpu.memory_space<hbm>> -> memref<10000x128xf32, #tpu.memory_space<hbm>>
      tpu.enqueue_indirect_dma source(%dma_start3A_537 : memref<10000x128xf32, #tpu.memory_space<hbm>>) target(%arg8 : memref<128x128xf32, #tpu.memory_space<vmem>>) offsets(%dma_start3A_534 : memref<128xi32, #tpu.memory_space<vmem>>) semaphore(%arg11 : memref<!tpu.dma_semaphore, #tpu.memory_space<semaphore_mem>>)
      %dma_wait3A_538 = arith.constant 1 : i32
      %dma_wait3A_539 = arith.constant 0 : i32
      %dma_wait3A_540 = arith.constant 0 : i32
      %dma_wait3A_541 = tpu.memref_slice %arg6[%dma_wait3A_538, %dma_wait3A_539, %add3A_527, %dma_wait3A_540] : memref<2x2x16x128xi32, #tpu.memory_space<vmem>> -> memref<1x1x1x128xi32, #tpu.memory_space<vmem>>
      %dma_wait3A_542 = tpu.memref_squeeze %dma_wait3A_541 : memref<1x1x1x128xi32, #tpu.memory_space<vmem>> -> memref<128xi32, #tpu.memory_space<vmem>>
      %dma_wait3A_543 = arith.constant 0 : i32
      %dma_wait3A_544 = arith.constant 0 : i32
      %dma_wait3A_545 = tpu.memref_slice %arg2[%dma_wait3A_543, %dma_wait3A_544] : memref<10000x128xf32, #tpu.memory_space<hbm>> -> memref<10000x128xf32, #tpu.memory_space<hbm>>
      tpu.wait_indirect_dma semaphore(%arg10 : memref<!tpu.dma_semaphore, #tpu.memory_space<semaphore_mem>>) src(%dma_wait3A_545 : memref<10000x128xf32, #tpu.memory_space<hbm>>) dst(%arg7 : memref<128x128xf32, #tpu.memory_space<vmem>>)
      %run_scoped3A = arith.constant 1 : i32
      %run_scoped3A_546 = arith.constant 1 : i32
      "tpu.region"() ({
        %run_scoped3A_567 = tpu.sem_alloc : memref<!tpu.dma_semaphore, #tpu.memory_space<semaphore_mem>>
        %dma_start3A_568 = arith.constant 0 : i32
        %dma_start3A_569 = tpu.memref_slice %arg6[%run_scoped3A, %run_scoped3A_546, %add3A_527, %dma_start3A_568] : memref<2x2x16x128xi32, #tpu.memory_space<vmem>> -> memref<1x1x1x128xi32, #tpu.memory_space<vmem>>
        %dma_start3A_570 = tpu.memref_squeeze %dma_start3A_569 : memref<1x1x1x128xi32, #tpu.memory_space<vmem>> -> memref<128xi32, #tpu.memory_space<vmem>>
        %dma_start3A_571 = arith.constant 0 : i32
        %dma_start3A_572 = arith.constant 0 : i32
        %dma_start3A_573 = tpu.memref_slice %arg9[%dma_start3A_571, %dma_start3A_572] : memref<10240x128xf32, #tpu.memory_space<vmem_shared>> -> memref<10240x128xf32, #tpu.memory_space<vmem_shared>>
        tpu.enqueue_indirect_dma source(%arg7 : memref<128x128xf32, #tpu.memory_space<vmem>>) target(%dma_start3A_573 : memref<10240x128xf32, #tpu.memory_space<vmem_shared>>) offsets(%dma_start3A_570 : memref<128xi32, #tpu.memory_space<vmem>>) semaphore(%run_scoped3A_567 : memref<!tpu.dma_semaphore, #tpu.memory_space<semaphore_mem>>) {add = true}
        %dma_wait3A_574 = arith.constant 0 : i32
        %dma_wait3A_575 = tpu.memref_slice %arg6[%run_scoped3A, %run_scoped3A_546, %add3A_527, %dma_wait3A_574] : memref<2x2x16x128xi32, #tpu.memory_space<vmem>> -> memref<1x1x1x128xi32, #tpu.memory_space<vmem>>
        %dma_wait3A_576 = tpu.memref_squeeze %dma_wait3A_575 : memref<1x1x1x128xi32, #tpu.memory_space<vmem>> -> memref<128xi32, #tpu.memory_space<vmem>>
        %dma_wait3A_577 = arith.constant 0 : i32
        %dma_wait3A_578 = arith.constant 0 : i32
        %dma_wait3A_579 = tpu.memref_slice %arg9[%dma_wait3A_577, %dma_wait3A_578] : memref<10240x128xf32, #tpu.memory_space<vmem_shared>> -> memref<10240x128xf32, #tpu.memory_space<vmem_shared>>
        tpu.wait_indirect_dma semaphore(%run_scoped3A_567 : memref<!tpu.dma_semaphore, #tpu.memory_space<semaphore_mem>>) src(%arg7 : memref<128x128xf32, #tpu.memory_space<vmem>>) dst(%dma_wait3A_579 : memref<10240x128xf32, #tpu.memory_space<vmem_shared>>)
        tpu.yield
      }) : () -> ()
      %add3A_547 = arith.constant 2 : i32
      %add3A_548 = arith.addi %add3A_527, %add3A_547 : i32
      %lt3A = arith.constant 16 : i32
      %lt3A_549 = arith.cmpi slt, %add3A_548, %lt3A : i32
      %convert_element_type3A_550 = arith.extui %lt3A_549 : i1 to i32
      %cond3A_551 = arith.constant 0 : i32
      %cond3A_552 = arith.cmpi ne, %convert_element_type3A_550, %cond3A_551 : i32
      scf.if %cond3A_552 {
        %add3A_567 = arith.constant 2 : i32
        %add3A_568 = arith.addi %add3A_527, %add3A_567 : i32
        %dma_start3A_569 = arith.constant 1 : i32
        %dma_start3A_570 = arith.constant 0 : i32
        %dma_start3A_571 = arith.constant 0 : i32
        %dma_start3A_572 = tpu.memref_slice %arg6[%dma_start3A_569, %dma_start3A_570, %add3A_568, %dma_start3A_571] : memref<2x2x16x128xi32, #tpu.memory_space<vmem>> -> memref<1x1x1x128xi32, #tpu.memory_space<vmem>>
        %dma_start3A_573 = tpu.memref_squeeze %dma_start3A_572 : memref<1x1x1x128xi32, #tpu.memory_space<vmem>> -> memref<128xi32, #tpu.memory_space<vmem>>
        %dma_start3A_574 = arith.constant 0 : i32
        %dma_start3A_575 = arith.constant 0 : i32
        %dma_start3A_576 = tpu.memref_slice %arg2[%dma_start3A_574, %dma_start3A_575] : memref<10000x128xf32, #tpu.memory_space<hbm>> -> memref<10000x128xf32, #tpu.memory_space<hbm>>
        tpu.enqueue_indirect_dma source(%dma_start3A_576 : memref<10000x128xf32, #tpu.memory_space<hbm>>) target(%arg7 : memref<128x128xf32, #tpu.memory_space<vmem>>) offsets(%dma_start3A_573 : memref<128xi32, #tpu.memory_space<vmem>>) semaphore(%arg10 : memref<!tpu.dma_semaphore, #tpu.memory_space<semaphore_mem>>)
      } else {
      }
      %add3A_553 = arith.constant 1 : i32
      %add3A_554 = arith.addi %add3A_527, %add3A_553 : i32
      %dma_wait3A_555 = arith.constant 1 : i32
      %dma_wait3A_556 = arith.constant 0 : i32
      %dma_wait3A_557 = arith.constant 0 : i32
      %dma_wait3A_558 = tpu.memref_slice %arg6[%dma_wait3A_555, %dma_wait3A_556, %add3A_554, %dma_wait3A_557] : memref<2x2x16x128xi32, #tpu.memory_space<vmem>> -> memref<1x1x1x128xi32, #tpu.memory_space<vmem>>
      %dma_wait3A_559 = tpu.memref_squeeze %dma_wait3A_558 : memref<1x1x1x128xi32, #tpu.memory_space<vmem>> -> memref<128xi32, #tpu.memory_space<vmem>>
      %dma_wait3A_560 = arith.constant 0 : i32
      %dma_wait3A_561 = arith.constant 0 : i32
      %dma_wait3A_562 = tpu.memref_slice %arg2[%dma_wait3A_560, %dma_wait3A_561] : memref<10000x128xf32, #tpu.memory_space<hbm>> -> memref<10000x128xf32, #tpu.memory_space<hbm>>
      tpu.wait_indirect_dma semaphore(%arg11 : memref<!tpu.dma_semaphore, #tpu.memory_space<semaphore_mem>>) src(%dma_wait3A_562 : memref<10000x128xf32, #tpu.memory_space<hbm>>) dst(%arg8 : memref<128x128xf32, #tpu.memory_space<vmem>>)
      %add3A_563 = arith.constant 1 : i32
      %add3A_564 = arith.addi %add3A_527, %add3A_563 : i32
      %run_scoped3A_565 = arith.constant 1 : i32
      %run_scoped3A_566 = arith.constant 1 : i32
      "tpu.region"() ({
        %run_scoped3A_567 = tpu.sem_alloc : memref<!tpu.dma_semaphore, #tpu.memory_space<semaphore_mem>>
        %dma_start3A_568 = arith.constant 0 : i32
        %dma_start3A_569 = tpu.memref_slice %arg6[%run_scoped3A_565, %run_scoped3A_566, %add3A_564, %dma_start3A_568] : memref<2x2x16x128xi32, #tpu.memory_space<vmem>> -> memref<1x1x1x128xi32, #tpu.memory_space<vmem>>
        %dma_start3A_570 = tpu.memref_squeeze %dma_start3A_569 : memref<1x1x1x128xi32, #tpu.memory_space<vmem>> -> memref<128xi32, #tpu.memory_space<vmem>>
        %dma_start3A_571 = arith.constant 0 : i32
        %dma_start3A_572 = arith.constant 0 : i32
        %dma_start3A_573 = tpu.memref_slice %arg9[%dma_start3A_571, %dma_start3A_572] : memref<10240x128xf32, #tpu.memory_space<vmem_shared>> -> memref<10240x128xf32, #tpu.memory_space<vmem_shared>>
        tpu.enqueue_indirect_dma source(%arg8 : memref<128x128xf32, #tpu.memory_space<vmem>>) target(%dma_start3A_573 : memref<10240x128xf32, #tpu.memory_space<vmem_shared>>) offsets(%dma_start3A_570 : memref<128xi32, #tpu.memory_space<vmem>>) semaphore(%run_scoped3A_567 : memref<!tpu.dma_semaphore, #tpu.memory_space<semaphore_mem>>) {add = true}
        %dma_wait3A_574 = arith.constant 0 : i32
        %dma_wait3A_575 = tpu.memref_slice %arg6[%run_scoped3A_565, %run_scoped3A_566, %add3A_564, %dma_wait3A_574] : memref<2x2x16x128xi32, #tpu.memory_space<vmem>> -> memref<1x1x1x128xi32, #tpu.memory_space<vmem>>
        %dma_wait3A_576 = tpu.memref_squeeze %dma_wait3A_575 : memref<1x1x1x128xi32, #tpu.memory_space<vmem>> -> memref<128xi32, #tpu.memory_space<vmem>>
        %dma_wait3A_577 = arith.constant 0 : i32
        %dma_wait3A_578 = arith.constant 0 : i32
        %dma_wait3A_579 = tpu.memref_slice %arg9[%dma_wait3A_577, %dma_wait3A_578] : memref<10240x128xf32, #tpu.memory_space<vmem_shared>> -> memref<10240x128xf32, #tpu.memory_space<vmem_shared>>
        tpu.wait_indirect_dma semaphore(%run_scoped3A_567 : memref<!tpu.dma_semaphore, #tpu.memory_space<semaphore_mem>>) src(%arg8 : memref<128x128xf32, #tpu.memory_space<vmem>>) dst(%dma_wait3A_579 : memref<10240x128xf32, #tpu.memory_space<vmem_shared>>)
        tpu.yield
      }) : () -> ()
    }
    %scan3A_282 = arith.constant 8 : i32
    %mul3A_283 = arith.constant 80 : i32
    %mul3A_284 = arith.muli %add3A, %mul3A_283 : i32
    %add3A_285 = arith.constant 48 : i32
    %add3A_286 = arith.addi %mul3A_284, %add3A_285 : i32
    %dma_start3A_287 = arith.constant 0 : i32
    %dma_start3A_288 = arith.constant 1 : i32
    %dma_start3A_289 = arith.constant 0 : i32
    %dma_start3A_290 = arith.constant 0 : i32
    %dma_start3A_291 = arith.constant 0 : i32
    %dma_start3A_292 = tpu.memref_slice %arg6[%dma_start3A_288, %dma_start3A_289, %dma_start3A_290, %dma_start3A_291] : memref<2x2x16x128xi32, #tpu.memory_space<vmem>> -> memref<1x1x16x128xi32, #tpu.memory_space<vmem>>
    %dma_start3A_293 = tpu.memref_squeeze %dma_start3A_292 : memref<1x1x16x128xi32, #tpu.memory_space<vmem>> -> memref<16x128xi32, #tpu.memory_space<vmem>>
    %dma_start3A_294 = arith.constant 0 : i32
    %dma_start3A_295 = tpu.memref_slice %arg3[%dma_start3A_287, %add3A_286, %dma_start3A_294] : memref<2x2560x128xi32, #tpu.memory_space<hbm>> -> memref<1x16x128xi32, #tpu.memory_space<hbm>>
    %dma_start3A_296 = tpu.memref_squeeze %dma_start3A_295 : memref<1x16x128xi32, #tpu.memory_space<hbm>> -> memref<16x128xi32, #tpu.memory_space<hbm>>
    %dma_start3A_297 = arith.constant 0 : i32
    %dma_start3A_298 = arith.constant 0 : i32
    %dma_start3A_299 = tpu.memref_slice %arg6[%dma_start3A_288, %dma_start3A_289, %dma_start3A_297, %dma_start3A_298] : memref<2x2x16x128xi32, #tpu.memory_space<vmem>> -> memref<1x1x16x128xi32, #tpu.memory_space<vmem>>
    %dma_start3A_300 = tpu.memref_squeeze %dma_start3A_299 : memref<1x1x16x128xi32, #tpu.memory_space<vmem>> -> memref<16x128xi32, #tpu.memory_space<vmem>>
    %dma_start3A_301 = arith.constant 0 : i32
    %dma_start3A_302 = tpu.memref_slice %arg3[%dma_start3A_287, %add3A_286, %dma_start3A_301] : memref<2x2560x128xi32, #tpu.memory_space<hbm>> -> memref<1x16x128xi32, #tpu.memory_space<hbm>>
    %dma_start3A_303 = tpu.memref_squeeze %dma_start3A_302 : memref<1x16x128xi32, #tpu.memory_space<hbm>> -> memref<16x128xi32, #tpu.memory_space<hbm>>
    tpu.enqueue_dma source(%dma_start3A_303 : memref<16x128xi32, #tpu.memory_space<hbm>>) target(%dma_start3A_300 : memref<16x128xi32, #tpu.memory_space<vmem>>) target_semaphore(%arg13 : memref<!tpu.dma_semaphore, #tpu.memory_space<semaphore_mem>>)
    %dma_start3A_304 = arith.constant 1 : i32
    %dma_start3A_305 = arith.constant 1 : i32
    %dma_start3A_306 = arith.constant 1 : i32
    %dma_start3A_307 = arith.constant 0 : i32
    %dma_start3A_308 = arith.constant 0 : i32
    %dma_start3A_309 = tpu.memref_slice %arg6[%dma_start3A_305, %dma_start3A_306, %dma_start3A_307, %dma_start3A_308] : memref<2x2x16x128xi32, #tpu.memory_space<vmem>> -> memref<1x1x16x128xi32, #tpu.memory_space<vmem>>
    %dma_start3A_310 = tpu.memref_squeeze %dma_start3A_309 : memref<1x1x16x128xi32, #tpu.memory_space<vmem>> -> memref<16x128xi32, #tpu.memory_space<vmem>>
    %dma_start3A_311 = arith.constant 0 : i32
    %dma_start3A_312 = tpu.memref_slice %arg3[%dma_start3A_304, %add3A_286, %dma_start3A_311] : memref<2x2560x128xi32, #tpu.memory_space<hbm>> -> memref<1x16x128xi32, #tpu.memory_space<hbm>>
    %dma_start3A_313 = tpu.memref_squeeze %dma_start3A_312 : memref<1x16x128xi32, #tpu.memory_space<hbm>> -> memref<16x128xi32, #tpu.memory_space<hbm>>
    %dma_start3A_314 = arith.constant 0 : i32
    %dma_start3A_315 = arith.constant 0 : i32
    %dma_start3A_316 = tpu.memref_slice %arg6[%dma_start3A_305, %dma_start3A_306, %dma_start3A_314, %dma_start3A_315] : memref<2x2x16x128xi32, #tpu.memory_space<vmem>> -> memref<1x1x16x128xi32, #tpu.memory_space<vmem>>
    %dma_start3A_317 = tpu.memref_squeeze %dma_start3A_316 : memref<1x1x16x128xi32, #tpu.memory_space<vmem>> -> memref<16x128xi32, #tpu.memory_space<vmem>>
    %dma_start3A_318 = arith.constant 0 : i32
    %dma_start3A_319 = tpu.memref_slice %arg3[%dma_start3A_304, %add3A_286, %dma_start3A_318] : memref<2x2560x128xi32, #tpu.memory_space<hbm>> -> memref<1x16x128xi32, #tpu.memory_space<hbm>>
    %dma_start3A_320 = tpu.memref_squeeze %dma_start3A_319 : memref<1x16x128xi32, #tpu.memory_space<hbm>> -> memref<16x128xi32, #tpu.memory_space<hbm>>
    tpu.enqueue_dma source(%dma_start3A_320 : memref<16x128xi32, #tpu.memory_space<hbm>>) target(%dma_start3A_317 : memref<16x128xi32, #tpu.memory_space<vmem>>) target_semaphore(%arg13 : memref<!tpu.dma_semaphore, #tpu.memory_space<semaphore_mem>>)
    %dma_wait3A_321 = arith.constant 0 : i32
    %dma_wait3A_322 = arith.constant 0 : i32
    %dma_wait3A_323 = arith.constant 0 : i32
    %dma_wait3A_324 = arith.constant 0 : i32
    %dma_wait3A_325 = arith.constant 0 : i32
    %dma_wait3A_326 = tpu.memref_slice %arg6[%dma_wait3A_322, %dma_wait3A_323, %dma_wait3A_324, %dma_wait3A_325] : memref<2x2x16x128xi32, #tpu.memory_space<vmem>> -> memref<1x1x16x128xi32, #tpu.memory_space<vmem>>
    %dma_wait3A_327 = tpu.memref_squeeze %dma_wait3A_326 : memref<1x1x16x128xi32, #tpu.memory_space<vmem>> -> memref<16x128xi32, #tpu.memory_space<vmem>>
    %dma_wait3A_328 = arith.constant 0 : i32
    %dma_wait3A_329 = arith.constant 0 : i32
    %dma_wait3A_330 = tpu.memref_slice %arg3[%dma_wait3A_321, %dma_wait3A_328, %dma_wait3A_329] : memref<2x2560x128xi32, #tpu.memory_space<hbm>> -> memref<1x16x128xi32, #tpu.memory_space<hbm>>
    %dma_wait3A_331 = tpu.memref_squeeze %dma_wait3A_330 : memref<1x16x128xi32, #tpu.memory_space<hbm>> -> memref<16x128xi32, #tpu.memory_space<hbm>>
    %dma_wait3A_332 = arith.constant 0 : i32
    %dma_wait3A_333 = arith.constant 0 : i32
    %dma_wait3A_334 = tpu.memref_slice %arg6[%dma_wait3A_322, %dma_wait3A_323, %dma_wait3A_332, %dma_wait3A_333] : memref<2x2x16x128xi32, #tpu.memory_space<vmem>> -> memref<1x1x16x128xi32, #tpu.memory_space<vmem>>
    %dma_wait3A_335 = tpu.memref_squeeze %dma_wait3A_334 : memref<1x1x16x128xi32, #tpu.memory_space<vmem>> -> memref<16x128xi32, #tpu.memory_space<vmem>>
    %dma_wait3A_336 = arith.constant 0 : i32
    %dma_wait3A_337 = arith.constant 0 : i32
    %dma_wait3A_338 = tpu.memref_slice %arg3[%dma_wait3A_321, %dma_wait3A_336, %dma_wait3A_337] : memref<2x2560x128xi32, #tpu.memory_space<hbm>> -> memref<1x16x128xi32, #tpu.memory_space<hbm>>
    %dma_wait3A_339 = tpu.memref_squeeze %dma_wait3A_338 : memref<1x16x128xi32, #tpu.memory_space<hbm>> -> memref<16x128xi32, #tpu.memory_space<hbm>>
    tpu.wait_dma2 semaphore(%arg12 : memref<!tpu.dma_semaphore, #tpu.memory_space<semaphore_mem>>) src(%dma_wait3A_339 : memref<16x128xi32, #tpu.memory_space<hbm>>) dst(%dma_wait3A_335 : memref<16x128xi32, #tpu.memory_space<vmem>>)
    %dma_wait3A_340 = arith.constant 1 : i32
    %dma_wait3A_341 = arith.constant 0 : i32
    %dma_wait3A_342 = arith.constant 1 : i32
    %dma_wait3A_343 = arith.constant 0 : i32
    %dma_wait3A_344 = arith.constant 0 : i32
    %dma_wait3A_345 = tpu.memref_slice %arg6[%dma_wait3A_341, %dma_wait3A_342, %dma_wait3A_343, %dma_wait3A_344] : memref<2x2x16x128xi32, #tpu.memory_space<vmem>> -> memref<1x1x16x128xi32, #tpu.memory_space<vmem>>
    %dma_wait3A_346 = tpu.memref_squeeze %dma_wait3A_345 : memref<1x1x16x128xi32, #tpu.memory_space<vmem>> -> memref<16x128xi32, #tpu.memory_space<vmem>>
    %dma_wait3A_347 = arith.constant 0 : i32
    %dma_wait3A_348 = arith.constant 0 : i32
    %dma_wait3A_349 = tpu.memref_slice %arg3[%dma_wait3A_340, %dma_wait3A_347, %dma_wait3A_348] : memref<2x2560x128xi32, #tpu.memory_space<hbm>> -> memref<1x16x128xi32, #tpu.memory_space<hbm>>
    %dma_wait3A_350 = tpu.memref_squeeze %dma_wait3A_349 : memref<1x16x128xi32, #tpu.memory_space<hbm>> -> memref<16x128xi32, #tpu.memory_space<hbm>>
    %dma_wait3A_351 = arith.constant 0 : i32
    %dma_wait3A_352 = arith.constant 0 : i32
    %dma_wait3A_353 = tpu.memref_slice %arg6[%dma_wait3A_341, %dma_wait3A_342, %dma_wait3A_351, %dma_wait3A_352] : memref<2x2x16x128xi32, #tpu.memory_space<vmem>> -> memref<1x1x16x128xi32, #tpu.memory_space<vmem>>
    %dma_wait3A_354 = tpu.memref_squeeze %dma_wait3A_353 : memref<1x1x16x128xi32, #tpu.memory_space<vmem>> -> memref<16x128xi32, #tpu.memory_space<vmem>>
    %dma_wait3A_355 = arith.constant 0 : i32
    %dma_wait3A_356 = arith.constant 0 : i32
    %dma_wait3A_357 = tpu.memref_slice %arg3[%dma_wait3A_340, %dma_wait3A_355, %dma_wait3A_356] : memref<2x2560x128xi32, #tpu.memory_space<hbm>> -> memref<1x16x128xi32, #tpu.memory_space<hbm>>
    %dma_wait3A_358 = tpu.memref_squeeze %dma_wait3A_357 : memref<1x16x128xi32, #tpu.memory_space<hbm>> -> memref<16x128xi32, #tpu.memory_space<hbm>>
    tpu.wait_dma2 semaphore(%arg12 : memref<!tpu.dma_semaphore, #tpu.memory_space<semaphore_mem>>) src(%dma_wait3A_358 : memref<16x128xi32, #tpu.memory_space<hbm>>) dst(%dma_wait3A_354 : memref<16x128xi32, #tpu.memory_space<vmem>>)
    %dma_start3A_359 = arith.constant 0 : i32
    %dma_start3A_360 = arith.constant 0 : i32
    %dma_start3A_361 = arith.constant 0 : i32
    %dma_start3A_362 = arith.constant 0 : i32
    %dma_start3A_363 = tpu.memref_slice %arg6[%dma_start3A_359, %dma_start3A_360, %dma_start3A_361, %dma_start3A_362] : memref<2x2x16x128xi32, #tpu.memory_space<vmem>> -> memref<1x1x1x128xi32, #tpu.memory_space<vmem>>
    %dma_start3A_364 = tpu.memref_squeeze %dma_start3A_363 : memref<1x1x1x128xi32, #tpu.memory_space<vmem>> -> memref<128xi32, #tpu.memory_space<vmem>>
    %dma_start3A_365 = arith.constant 0 : i32
    %dma_start3A_366 = arith.constant 0 : i32
    %dma_start3A_367 = tpu.memref_slice %arg2[%dma_start3A_365, %dma_start3A_366] : memref<10000x128xf32, #tpu.memory_space<hbm>> -> memref<10000x128xf32, #tpu.memory_space<hbm>>
    tpu.enqueue_indirect_dma source(%dma_start3A_367 : memref<10000x128xf32, #tpu.memory_space<hbm>>) target(%arg7 : memref<128x128xf32, #tpu.memory_space<vmem>>) offsets(%dma_start3A_364 : memref<128xi32, #tpu.memory_space<vmem>>) semaphore(%arg10 : memref<!tpu.dma_semaphore, #tpu.memory_space<semaphore_mem>>)
    %scan3A_368 = arith.constant 0 : i32
    %scan3A_369 = arith.constant 8 : i32
    %scan3A_370 = arith.addi %scan3A_368, %scan3A_369 : i32
    %scan3A_371 = arith.constant 1 : i32
    scf.for %scan3A_523 = %scan3A_368 to %scan3A_370 step %scan3A_371  : i32 {
      %mul3A_524 = arith.constant 2 : i32
      %mul3A_525 = arith.muli %scan3A_523, %mul3A_524 : i32
      %add3A_526 = arith.constant 0 : i32
      %add3A_527 = arith.addi %add3A_526, %mul3A_525 : i32
      %add3A_528 = arith.constant 1 : i32
      %add3A_529 = arith.addi %add3A_527, %add3A_528 : i32
      %dma_start3A_530 = arith.constant 0 : i32
      %dma_start3A_531 = arith.constant 0 : i32
      %dma_start3A_532 = arith.constant 0 : i32
      %dma_start3A_533 = tpu.memref_slice %arg6[%dma_start3A_530, %dma_start3A_531, %add3A_529, %dma_start3A_532] : memref<2x2x16x128xi32, #tpu.memory_space<vmem>> -> memref<1x1x1x128xi32, #tpu.memory_space<vmem>>
      %dma_start3A_534 = tpu.memref_squeeze %dma_start3A_533 : memref<1x1x1x128xi32, #tpu.memory_space<vmem>> -> memref<128xi32, #tpu.memory_space<vmem>>
      %dma_start3A_535 = arith.constant 0 : i32
      %dma_start3A_536 = arith.constant 0 : i32
      %dma_start3A_537 = tpu.memref_slice %arg2[%dma_start3A_535, %dma_start3A_536] : memref<10000x128xf32, #tpu.memory_space<hbm>> -> memref<10000x128xf32, #tpu.memory_space<hbm>>
      tpu.enqueue_indirect_dma source(%dma_start3A_537 : memref<10000x128xf32, #tpu.memory_space<hbm>>) target(%arg8 : memref<128x128xf32, #tpu.memory_space<vmem>>) offsets(%dma_start3A_534 : memref<128xi32, #tpu.memory_space<vmem>>) semaphore(%arg11 : memref<!tpu.dma_semaphore, #tpu.memory_space<semaphore_mem>>)
      %dma_wait3A_538 = arith.constant 0 : i32
      %dma_wait3A_539 = arith.constant 0 : i32
      %dma_wait3A_540 = arith.constant 0 : i32
      %dma_wait3A_541 = tpu.memref_slice %arg6[%dma_wait3A_538, %dma_wait3A_539, %add3A_527, %dma_wait3A_540] : memref<2x2x16x128xi32, #tpu.memory_space<vmem>> -> memref<1x1x1x128xi32, #tpu.memory_space<vmem>>
      %dma_wait3A_542 = tpu.memref_squeeze %dma_wait3A_541 : memref<1x1x1x128xi32, #tpu.memory_space<vmem>> -> memref<128xi32, #tpu.memory_space<vmem>>
      %dma_wait3A_543 = arith.constant 0 : i32
      %dma_wait3A_544 = arith.constant 0 : i32
      %dma_wait3A_545 = tpu.memref_slice %arg2[%dma_wait3A_543, %dma_wait3A_544] : memref<10000x128xf32, #tpu.memory_space<hbm>> -> memref<10000x128xf32, #tpu.memory_space<hbm>>
      tpu.wait_indirect_dma semaphore(%arg10 : memref<!tpu.dma_semaphore, #tpu.memory_space<semaphore_mem>>) src(%dma_wait3A_545 : memref<10000x128xf32, #tpu.memory_space<hbm>>) dst(%arg7 : memref<128x128xf32, #tpu.memory_space<vmem>>)
      %run_scoped3A = arith.constant 0 : i32
      %run_scoped3A_546 = arith.constant 1 : i32
      "tpu.region"() ({
        %run_scoped3A_567 = tpu.sem_alloc : memref<!tpu.dma_semaphore, #tpu.memory_space<semaphore_mem>>
        %dma_start3A_568 = arith.constant 0 : i32
        %dma_start3A_569 = tpu.memref_slice %arg6[%run_scoped3A, %run_scoped3A_546, %add3A_527, %dma_start3A_568] : memref<2x2x16x128xi32, #tpu.memory_space<vmem>> -> memref<1x1x1x128xi32, #tpu.memory_space<vmem>>
        %dma_start3A_570 = tpu.memref_squeeze %dma_start3A_569 : memref<1x1x1x128xi32, #tpu.memory_space<vmem>> -> memref<128xi32, #tpu.memory_space<vmem>>
        %dma_start3A_571 = arith.constant 0 : i32
        %dma_start3A_572 = arith.constant 0 : i32
        %dma_start3A_573 = tpu.memref_slice %arg9[%dma_start3A_571, %dma_start3A_572] : memref<10240x128xf32, #tpu.memory_space<vmem_shared>> -> memref<10240x128xf32, #tpu.memory_space<vmem_shared>>
        tpu.enqueue_indirect_dma source(%arg7 : memref<128x128xf32, #tpu.memory_space<vmem>>) target(%dma_start3A_573 : memref<10240x128xf32, #tpu.memory_space<vmem_shared>>) offsets(%dma_start3A_570 : memref<128xi32, #tpu.memory_space<vmem>>) semaphore(%run_scoped3A_567 : memref<!tpu.dma_semaphore, #tpu.memory_space<semaphore_mem>>) {add = true}
        %dma_wait3A_574 = arith.constant 0 : i32
        %dma_wait3A_575 = tpu.memref_slice %arg6[%run_scoped3A, %run_scoped3A_546, %add3A_527, %dma_wait3A_574] : memref<2x2x16x128xi32, #tpu.memory_space<vmem>> -> memref<1x1x1x128xi32, #tpu.memory_space<vmem>>
        %dma_wait3A_576 = tpu.memref_squeeze %dma_wait3A_575 : memref<1x1x1x128xi32, #tpu.memory_space<vmem>> -> memref<128xi32, #tpu.memory_space<vmem>>
        %dma_wait3A_577 = arith.constant 0 : i32
        %dma_wait3A_578 = arith.constant 0 : i32
        %dma_wait3A_579 = tpu.memref_slice %arg9[%dma_wait3A_577, %dma_wait3A_578] : memref<10240x128xf32, #tpu.memory_space<vmem_shared>> -> memref<10240x128xf32, #tpu.memory_space<vmem_shared>>
        tpu.wait_indirect_dma semaphore(%run_scoped3A_567 : memref<!tpu.dma_semaphore, #tpu.memory_space<semaphore_mem>>) src(%arg7 : memref<128x128xf32, #tpu.memory_space<vmem>>) dst(%dma_wait3A_579 : memref<10240x128xf32, #tpu.memory_space<vmem_shared>>)
        tpu.yield
      }) : () -> ()
      %add3A_547 = arith.constant 2 : i32
      %add3A_548 = arith.addi %add3A_527, %add3A_547 : i32
      %lt3A = arith.constant 16 : i32
      %lt3A_549 = arith.cmpi slt, %add3A_548, %lt3A : i32
      %convert_element_type3A_550 = arith.extui %lt3A_549 : i1 to i32
      %cond3A_551 = arith.constant 0 : i32
      %cond3A_552 = arith.cmpi ne, %convert_element_type3A_550, %cond3A_551 : i32
      scf.if %cond3A_552 {
        %add3A_567 = arith.constant 2 : i32
        %add3A_568 = arith.addi %add3A_527, %add3A_567 : i32
        %dma_start3A_569 = arith.constant 0 : i32
        %dma_start3A_570 = arith.constant 0 : i32
        %dma_start3A_571 = arith.constant 0 : i32
        %dma_start3A_572 = tpu.memref_slice %arg6[%dma_start3A_569, %dma_start3A_570, %add3A_568, %dma_start3A_571] : memref<2x2x16x128xi32, #tpu.memory_space<vmem>> -> memref<1x1x1x128xi32, #tpu.memory_space<vmem>>
        %dma_start3A_573 = tpu.memref_squeeze %dma_start3A_572 : memref<1x1x1x128xi32, #tpu.memory_space<vmem>> -> memref<128xi32, #tpu.memory_space<vmem>>
        %dma_start3A_574 = arith.constant 0 : i32
        %dma_start3A_575 = arith.constant 0 : i32
        %dma_start3A_576 = tpu.memref_slice %arg2[%dma_start3A_574, %dma_start3A_575] : memref<10000x128xf32, #tpu.memory_space<hbm>> -> memref<10000x128xf32, #tpu.memory_space<hbm>>
        tpu.enqueue_indirect_dma source(%dma_start3A_576 : memref<10000x128xf32, #tpu.memory_space<hbm>>) target(%arg7 : memref<128x128xf32, #tpu.memory_space<vmem>>) offsets(%dma_start3A_573 : memref<128xi32, #tpu.memory_space<vmem>>) semaphore(%arg10 : memref<!tpu.dma_semaphore, #tpu.memory_space<semaphore_mem>>)
      } else {
      }
      %add3A_553 = arith.constant 1 : i32
      %add3A_554 = arith.addi %add3A_527, %add3A_553 : i32
      %dma_wait3A_555 = arith.constant 0 : i32
      %dma_wait3A_556 = arith.constant 0 : i32
      %dma_wait3A_557 = arith.constant 0 : i32
      %dma_wait3A_558 = tpu.memref_slice %arg6[%dma_wait3A_555, %dma_wait3A_556, %add3A_554, %dma_wait3A_557] : memref<2x2x16x128xi32, #tpu.memory_space<vmem>> -> memref<1x1x1x128xi32, #tpu.memory_space<vmem>>
      %dma_wait3A_559 = tpu.memref_squeeze %dma_wait3A_558 : memref<1x1x1x128xi32, #tpu.memory_space<vmem>> -> memref<128xi32, #tpu.memory_space<vmem>>
      %dma_wait3A_560 = arith.constant 0 : i32
      %dma_wait3A_561 = arith.constant 0 : i32
      %dma_wait3A_562 = tpu.memref_slice %arg2[%dma_wait3A_560, %dma_wait3A_561] : memref<10000x128xf32, #tpu.memory_space<hbm>> -> memref<10000x128xf32, #tpu.memory_space<hbm>>
      tpu.wait_indirect_dma semaphore(%arg11 : memref<!tpu.dma_semaphore, #tpu.memory_space<semaphore_mem>>) src(%dma_wait3A_562 : memref<10000x128xf32, #tpu.memory_space<hbm>>) dst(%arg8 : memref<128x128xf32, #tpu.memory_space<vmem>>)
      %add3A_563 = arith.constant 1 : i32
      %add3A_564 = arith.addi %add3A_527, %add3A_563 : i32
      %run_scoped3A_565 = arith.constant 0 : i32
      %run_scoped3A_566 = arith.constant 1 : i32
      "tpu.region"() ({
        %run_scoped3A_567 = tpu.sem_alloc : memref<!tpu.dma_semaphore, #tpu.memory_space<semaphore_mem>>
        %dma_start3A_568 = arith.constant 0 : i32
        %dma_start3A_569 = tpu.memref_slice %arg6[%run_scoped3A_565, %run_scoped3A_566, %add3A_564, %dma_start3A_568] : memref<2x2x16x128xi32, #tpu.memory_space<vmem>> -> memref<1x1x1x128xi32, #tpu.memory_space<vmem>>
        %dma_start3A_570 = tpu.memref_squeeze %dma_start3A_569 : memref<1x1x1x128xi32, #tpu.memory_space<vmem>> -> memref<128xi32, #tpu.memory_space<vmem>>
        %dma_start3A_571 = arith.constant 0 : i32
        %dma_start3A_572 = arith.constant 0 : i32
        %dma_start3A_573 = tpu.memref_slice %arg9[%dma_start3A_571, %dma_start3A_572] : memref<10240x128xf32, #tpu.memory_space<vmem_shared>> -> memref<10240x128xf32, #tpu.memory_space<vmem_shared>>
        tpu.enqueue_indirect_dma source(%arg8 : memref<128x128xf32, #tpu.memory_space<vmem>>) target(%dma_start3A_573 : memref<10240x128xf32, #tpu.memory_space<vmem_shared>>) offsets(%dma_start3A_570 : memref<128xi32, #tpu.memory_space<vmem>>) semaphore(%run_scoped3A_567 : memref<!tpu.dma_semaphore, #tpu.memory_space<semaphore_mem>>) {add = true}
        %dma_wait3A_574 = arith.constant 0 : i32
        %dma_wait3A_575 = tpu.memref_slice %arg6[%run_scoped3A_565, %run_scoped3A_566, %add3A_564, %dma_wait3A_574] : memref<2x2x16x128xi32, #tpu.memory_space<vmem>> -> memref<1x1x1x128xi32, #tpu.memory_space<vmem>>
        %dma_wait3A_576 = tpu.memref_squeeze %dma_wait3A_575 : memref<1x1x1x128xi32, #tpu.memory_space<vmem>> -> memref<128xi32, #tpu.memory_space<vmem>>
        %dma_wait3A_577 = arith.constant 0 : i32
        %dma_wait3A_578 = arith.constant 0 : i32
        %dma_wait3A_579 = tpu.memref_slice %arg9[%dma_wait3A_577, %dma_wait3A_578] : memref<10240x128xf32, #tpu.memory_space<vmem_shared>> -> memref<10240x128xf32, #tpu.memory_space<vmem_shared>>
        tpu.wait_indirect_dma semaphore(%run_scoped3A_567 : memref<!tpu.dma_semaphore, #tpu.memory_space<semaphore_mem>>) src(%arg8 : memref<128x128xf32, #tpu.memory_space<vmem>>) dst(%dma_wait3A_579 : memref<10240x128xf32, #tpu.memory_space<vmem_shared>>)
        tpu.yield
      }) : () -> ()
    }
    %scan3A_372 = arith.constant 8 : i32
    %mul3A_373 = arith.constant 80 : i32
    %mul3A_374 = arith.muli %add3A, %mul3A_373 : i32
    %add3A_375 = arith.constant 64 : i32
    %add3A_376 = arith.addi %mul3A_374, %add3A_375 : i32
    %dma_start3A_377 = arith.constant 0 : i32
    %dma_start3A_378 = arith.constant 0 : i32
    %dma_start3A_379 = arith.constant 0 : i32
    %dma_start3A_380 = arith.constant 0 : i32
    %dma_start3A_381 = arith.constant 0 : i32
    %dma_start3A_382 = tpu.memref_slice %arg6[%dma_start3A_378, %dma_start3A_379, %dma_start3A_380, %dma_start3A_381] : memref<2x2x16x128xi32, #tpu.memory_space<vmem>> -> memref<1x1x16x128xi32, #tpu.memory_space<vmem>>
    %dma_start3A_383 = tpu.memref_squeeze %dma_start3A_382 : memref<1x1x16x128xi32, #tpu.memory_space<vmem>> -> memref<16x128xi32, #tpu.memory_space<vmem>>
    %dma_start3A_384 = arith.constant 0 : i32
    %dma_start3A_385 = tpu.memref_slice %arg3[%dma_start3A_377, %add3A_376, %dma_start3A_384] : memref<2x2560x128xi32, #tpu.memory_space<hbm>> -> memref<1x16x128xi32, #tpu.memory_space<hbm>>
    %dma_start3A_386 = tpu.memref_squeeze %dma_start3A_385 : memref<1x16x128xi32, #tpu.memory_space<hbm>> -> memref<16x128xi32, #tpu.memory_space<hbm>>
    %dma_start3A_387 = arith.constant 0 : i32
    %dma_start3A_388 = arith.constant 0 : i32
    %dma_start3A_389 = tpu.memref_slice %arg6[%dma_start3A_378, %dma_start3A_379, %dma_start3A_387, %dma_start3A_388] : memref<2x2x16x128xi32, #tpu.memory_space<vmem>> -> memref<1x1x16x128xi32, #tpu.memory_space<vmem>>
    %dma_start3A_390 = tpu.memref_squeeze %dma_start3A_389 : memref<1x1x16x128xi32, #tpu.memory_space<vmem>> -> memref<16x128xi32, #tpu.memory_space<vmem>>
    %dma_start3A_391 = arith.constant 0 : i32
    %dma_start3A_392 = tpu.memref_slice %arg3[%dma_start3A_377, %add3A_376, %dma_start3A_391] : memref<2x2560x128xi32, #tpu.memory_space<hbm>> -> memref<1x16x128xi32, #tpu.memory_space<hbm>>
    %dma_start3A_393 = tpu.memref_squeeze %dma_start3A_392 : memref<1x16x128xi32, #tpu.memory_space<hbm>> -> memref<16x128xi32, #tpu.memory_space<hbm>>
    tpu.enqueue_dma source(%dma_start3A_393 : memref<16x128xi32, #tpu.memory_space<hbm>>) target(%dma_start3A_390 : memref<16x128xi32, #tpu.memory_space<vmem>>) target_semaphore(%arg12 : memref<!tpu.dma_semaphore, #tpu.memory_space<semaphore_mem>>)
    %dma_start3A_394 = arith.constant 1 : i32
    %dma_start3A_395 = arith.constant 0 : i32
    %dma_start3A_396 = arith.constant 1 : i32
    %dma_start3A_397 = arith.constant 0 : i32
    %dma_start3A_398 = arith.constant 0 : i32
    %dma_start3A_399 = tpu.memref_slice %arg6[%dma_start3A_395, %dma_start3A_396, %dma_start3A_397, %dma_start3A_398] : memref<2x2x16x128xi32, #tpu.memory_space<vmem>> -> memref<1x1x16x128xi32, #tpu.memory_space<vmem>>
    %dma_start3A_400 = tpu.memref_squeeze %dma_start3A_399 : memref<1x1x16x128xi32, #tpu.memory_space<vmem>> -> memref<16x128xi32, #tpu.memory_space<vmem>>
    %dma_start3A_401 = arith.constant 0 : i32
    %dma_start3A_402 = tpu.memref_slice %arg3[%dma_start3A_394, %add3A_376, %dma_start3A_401] : memref<2x2560x128xi32, #tpu.memory_space<hbm>> -> memref<1x16x128xi32, #tpu.memory_space<hbm>>
    %dma_start3A_403 = tpu.memref_squeeze %dma_start3A_402 : memref<1x16x128xi32, #tpu.memory_space<hbm>> -> memref<16x128xi32, #tpu.memory_space<hbm>>
    %dma_start3A_404 = arith.constant 0 : i32
    %dma_start3A_405 = arith.constant 0 : i32
    %dma_start3A_406 = tpu.memref_slice %arg6[%dma_start3A_395, %dma_start3A_396, %dma_start3A_404, %dma_start3A_405] : memref<2x2x16x128xi32, #tpu.memory_space<vmem>> -> memref<1x1x16x128xi32, #tpu.memory_space<vmem>>
    %dma_start3A_407 = tpu.memref_squeeze %dma_start3A_406 : memref<1x1x16x128xi32, #tpu.memory_space<vmem>> -> memref<16x128xi32, #tpu.memory_space<vmem>>
    %dma_start3A_408 = arith.constant 0 : i32
    %dma_start3A_409 = tpu.memref_slice %arg3[%dma_start3A_394, %add3A_376, %dma_start3A_408] : memref<2x2560x128xi32, #tpu.memory_space<hbm>> -> memref<1x16x128xi32, #tpu.memory_space<hbm>>
    %dma_start3A_410 = tpu.memref_squeeze %dma_start3A_409 : memref<1x16x128xi32, #tpu.memory_space<hbm>> -> memref<16x128xi32, #tpu.memory_space<hbm>>
    tpu.enqueue_dma source(%dma_start3A_410 : memref<16x128xi32, #tpu.memory_space<hbm>>) target(%dma_start3A_407 : memref<16x128xi32, #tpu.memory_space<vmem>>) target_semaphore(%arg12 : memref<!tpu.dma_semaphore, #tpu.memory_space<semaphore_mem>>)
    %dma_wait3A_411 = arith.constant 0 : i32
    %dma_wait3A_412 = arith.constant 1 : i32
    %dma_wait3A_413 = arith.constant 0 : i32
    %dma_wait3A_414 = arith.constant 0 : i32
    %dma_wait3A_415 = arith.constant 0 : i32
    %dma_wait3A_416 = tpu.memref_slice %arg6[%dma_wait3A_412, %dma_wait3A_413, %dma_wait3A_414, %dma_wait3A_415] : memref<2x2x16x128xi32, #tpu.memory_space<vmem>> -> memref<1x1x16x128xi32, #tpu.memory_space<vmem>>
    %dma_wait3A_417 = tpu.memref_squeeze %dma_wait3A_416 : memref<1x1x16x128xi32, #tpu.memory_space<vmem>> -> memref<16x128xi32, #tpu.memory_space<vmem>>
    %dma_wait3A_418 = arith.constant 0 : i32
    %dma_wait3A_419 = arith.constant 0 : i32
    %dma_wait3A_420 = tpu.memref_slice %arg3[%dma_wait3A_411, %dma_wait3A_418, %dma_wait3A_419] : memref<2x2560x128xi32, #tpu.memory_space<hbm>> -> memref<1x16x128xi32, #tpu.memory_space<hbm>>
    %dma_wait3A_421 = tpu.memref_squeeze %dma_wait3A_420 : memref<1x16x128xi32, #tpu.memory_space<hbm>> -> memref<16x128xi32, #tpu.memory_space<hbm>>
    %dma_wait3A_422 = arith.constant 0 : i32
    %dma_wait3A_423 = arith.constant 0 : i32
    %dma_wait3A_424 = tpu.memref_slice %arg6[%dma_wait3A_412, %dma_wait3A_413, %dma_wait3A_422, %dma_wait3A_423] : memref<2x2x16x128xi32, #tpu.memory_space<vmem>> -> memref<1x1x16x128xi32, #tpu.memory_space<vmem>>
    %dma_wait3A_425 = tpu.memref_squeeze %dma_wait3A_424 : memref<1x1x16x128xi32, #tpu.memory_space<vmem>> -> memref<16x128xi32, #tpu.memory_space<vmem>>
    %dma_wait3A_426 = arith.constant 0 : i32
    %dma_wait3A_427 = arith.constant 0 : i32
    %dma_wait3A_428 = tpu.memref_slice %arg3[%dma_wait3A_411, %dma_wait3A_426, %dma_wait3A_427] : memref<2x2560x128xi32, #tpu.memory_space<hbm>> -> memref<1x16x128xi32, #tpu.memory_space<hbm>>
    %dma_wait3A_429 = tpu.memref_squeeze %dma_wait3A_428 : memref<1x16x128xi32, #tpu.memory_space<hbm>> -> memref<16x128xi32, #tpu.memory_space<hbm>>
    tpu.wait_dma2 semaphore(%arg13 : memref<!tpu.dma_semaphore, #tpu.memory_space<semaphore_mem>>) src(%dma_wait3A_429 : memref<16x128xi32, #tpu.memory_space<hbm>>) dst(%dma_wait3A_425 : memref<16x128xi32, #tpu.memory_space<vmem>>)
    %dma_wait3A_430 = arith.constant 1 : i32
    %dma_wait3A_431 = arith.constant 1 : i32
    %dma_wait3A_432 = arith.constant 1 : i32
    %dma_wait3A_433 = arith.constant 0 : i32
    %dma_wait3A_434 = arith.constant 0 : i32
    %dma_wait3A_435 = tpu.memref_slice %arg6[%dma_wait3A_431, %dma_wait3A_432, %dma_wait3A_433, %dma_wait3A_434] : memref<2x2x16x128xi32, #tpu.memory_space<vmem>> -> memref<1x1x16x128xi32, #tpu.memory_space<vmem>>
    %dma_wait3A_436 = tpu.memref_squeeze %dma_wait3A_435 : memref<1x1x16x128xi32, #tpu.memory_space<vmem>> -> memref<16x128xi32, #tpu.memory_space<vmem>>
    %dma_wait3A_437 = arith.constant 0 : i32
    %dma_wait3A_438 = arith.constant 0 : i32
    %dma_wait3A_439 = tpu.memref_slice %arg3[%dma_wait3A_430, %dma_wait3A_437, %dma_wait3A_438] : memref<2x2560x128xi32, #tpu.memory_space<hbm>> -> memref<1x16x128xi32, #tpu.memory_space<hbm>>
    %dma_wait3A_440 = tpu.memref_squeeze %dma_wait3A_439 : memref<1x16x128xi32, #tpu.memory_space<hbm>> -> memref<16x128xi32, #tpu.memory_space<hbm>>
    %dma_wait3A_441 = arith.constant 0 : i32
    %dma_wait3A_442 = arith.constant 0 : i32
    %dma_wait3A_443 = tpu.memref_slice %arg6[%dma_wait3A_431, %dma_wait3A_432, %dma_wait3A_441, %dma_wait3A_442] : memref<2x2x16x128xi32, #tpu.memory_space<vmem>> -> memref<1x1x16x128xi32, #tpu.memory_space<vmem>>
    %dma_wait3A_444 = tpu.memref_squeeze %dma_wait3A_443 : memref<1x1x16x128xi32, #tpu.memory_space<vmem>> -> memref<16x128xi32, #tpu.memory_space<vmem>>
    %dma_wait3A_445 = arith.constant 0 : i32
    %dma_wait3A_446 = arith.constant 0 : i32
    %dma_wait3A_447 = tpu.memref_slice %arg3[%dma_wait3A_430, %dma_wait3A_445, %dma_wait3A_446] : memref<2x2560x128xi32, #tpu.memory_space<hbm>> -> memref<1x16x128xi32, #tpu.memory_space<hbm>>
    %dma_wait3A_448 = tpu.memref_squeeze %dma_wait3A_447 : memref<1x16x128xi32, #tpu.memory_space<hbm>> -> memref<16x128xi32, #tpu.memory_space<hbm>>
    tpu.wait_dma2 semaphore(%arg13 : memref<!tpu.dma_semaphore, #tpu.memory_space<semaphore_mem>>) src(%dma_wait3A_448 : memref<16x128xi32, #tpu.memory_space<hbm>>) dst(%dma_wait3A_444 : memref<16x128xi32, #tpu.memory_space<vmem>>)
    %dma_start3A_449 = arith.constant 1 : i32
    %dma_start3A_450 = arith.constant 0 : i32
    %dma_start3A_451 = arith.constant 0 : i32
    %dma_start3A_452 = arith.constant 0 : i32
    %dma_start3A_453 = tpu.memref_slice %arg6[%dma_start3A_449, %dma_start3A_450, %dma_start3A_451, %dma_start3A_452] : memref<2x2x16x128xi32, #tpu.memory_space<vmem>> -> memref<1x1x1x128xi32, #tpu.memory_space<vmem>>
    %dma_start3A_454 = tpu.memref_squeeze %dma_start3A_453 : memref<1x1x1x128xi32, #tpu.memory_space<vmem>> -> memref<128xi32, #tpu.memory_space<vmem>>
    %dma_start3A_455 = arith.constant 0 : i32
    %dma_start3A_456 = arith.constant 0 : i32
    %dma_start3A_457 = tpu.memref_slice %arg2[%dma_start3A_455, %dma_start3A_456] : memref<10000x128xf32, #tpu.memory_space<hbm>> -> memref<10000x128xf32, #tpu.memory_space<hbm>>
    tpu.enqueue_indirect_dma source(%dma_start3A_457 : memref<10000x128xf32, #tpu.memory_space<hbm>>) target(%arg7 : memref<128x128xf32, #tpu.memory_space<vmem>>) offsets(%dma_start3A_454 : memref<128xi32, #tpu.memory_space<vmem>>) semaphore(%arg10 : memref<!tpu.dma_semaphore, #tpu.memory_space<semaphore_mem>>)
    %scan3A_458 = arith.constant 0 : i32
    %scan3A_459 = arith.constant 8 : i32
    %scan3A_460 = arith.addi %scan3A_458, %scan3A_459 : i32
    %scan3A_461 = arith.constant 1 : i32
    scf.for %scan3A_523 = %scan3A_458 to %scan3A_460 step %scan3A_461  : i32 {
      %mul3A_524 = arith.constant 2 : i32
      %mul3A_525 = arith.muli %scan3A_523, %mul3A_524 : i32
      %add3A_526 = arith.constant 0 : i32
      %add3A_527 = arith.addi %add3A_526, %mul3A_525 : i32
      %add3A_528 = arith.constant 1 : i32
      %add3A_529 = arith.addi %add3A_527, %add3A_528 : i32
      %dma_start3A_530 = arith.constant 1 : i32
      %dma_start3A_531 = arith.constant 0 : i32
      %dma_start3A_532 = arith.constant 0 : i32
      %dma_start3A_533 = tpu.memref_slice %arg6[%dma_start3A_530, %dma_start3A_531, %add3A_529, %dma_start3A_532] : memref<2x2x16x128xi32, #tpu.memory_space<vmem>> -> memref<1x1x1x128xi32, #tpu.memory_space<vmem>>
      %dma_start3A_534 = tpu.memref_squeeze %dma_start3A_533 : memref<1x1x1x128xi32, #tpu.memory_space<vmem>> -> memref<128xi32, #tpu.memory_space<vmem>>
      %dma_start3A_535 = arith.constant 0 : i32
      %dma_start3A_536 = arith.constant 0 : i32
      %dma_start3A_537 = tpu.memref_slice %arg2[%dma_start3A_535, %dma_start3A_536] : memref<10000x128xf32, #tpu.memory_space<hbm>> -> memref<10000x128xf32, #tpu.memory_space<hbm>>
      tpu.enqueue_indirect_dma source(%dma_start3A_537 : memref<10000x128xf32, #tpu.memory_space<hbm>>) target(%arg8 : memref<128x128xf32, #tpu.memory_space<vmem>>) offsets(%dma_start3A_534 : memref<128xi32, #tpu.memory_space<vmem>>) semaphore(%arg11 : memref<!tpu.dma_semaphore, #tpu.memory_space<semaphore_mem>>)
      %dma_wait3A_538 = arith.constant 1 : i32
      %dma_wait3A_539 = arith.constant 0 : i32
      %dma_wait3A_540 = arith.constant 0 : i32
      %dma_wait3A_541 = tpu.memref_slice %arg6[%dma_wait3A_538, %dma_wait3A_539, %add3A_527, %dma_wait3A_540] : memref<2x2x16x128xi32, #tpu.memory_space<vmem>> -> memref<1x1x1x128xi32, #tpu.memory_space<vmem>>
      %dma_wait3A_542 = tpu.memref_squeeze %dma_wait3A_541 : memref<1x1x1x128xi32, #tpu.memory_space<vmem>> -> memref<128xi32, #tpu.memory_space<vmem>>
      %dma_wait3A_543 = arith.constant 0 : i32
      %dma_wait3A_544 = arith.constant 0 : i32
      %dma_wait3A_545 = tpu.memref_slice %arg2[%dma_wait3A_543, %dma_wait3A_544] : memref<10000x128xf32, #tpu.memory_space<hbm>> -> memref<10000x128xf32, #tpu.memory_space<hbm>>
      tpu.wait_indirect_dma semaphore(%arg10 : memref<!tpu.dma_semaphore, #tpu.memory_space<semaphore_mem>>) src(%dma_wait3A_545 : memref<10000x128xf32, #tpu.memory_space<hbm>>) dst(%arg7 : memref<128x128xf32, #tpu.memory_space<vmem>>)
      %run_scoped3A = arith.constant 1 : i32
      %run_scoped3A_546 = arith.constant 1 : i32
      "tpu.region"() ({
        %run_scoped3A_567 = tpu.sem_alloc : memref<!tpu.dma_semaphore, #tpu.memory_space<semaphore_mem>>
        %dma_start3A_568 = arith.constant 0 : i32
        %dma_start3A_569 = tpu.memref_slice %arg6[%run_scoped3A, %run_scoped3A_546, %add3A_527, %dma_start3A_568] : memref<2x2x16x128xi32, #tpu.memory_space<vmem>> -> memref<1x1x1x128xi32, #tpu.memory_space<vmem>>
        %dma_start3A_570 = tpu.memref_squeeze %dma_start3A_569 : memref<1x1x1x128xi32, #tpu.memory_space<vmem>> -> memref<128xi32, #tpu.memory_space<vmem>>
        %dma_start3A_571 = arith.constant 0 : i32
        %dma_start3A_572 = arith.constant 0 : i32
        %dma_start3A_573 = tpu.memref_slice %arg9[%dma_start3A_571, %dma_start3A_572] : memref<10240x128xf32, #tpu.memory_space<vmem_shared>> -> memref<10240x128xf32, #tpu.memory_space<vmem_shared>>
        tpu.enqueue_indirect_dma source(%arg7 : memref<128x128xf32, #tpu.memory_space<vmem>>) target(%dma_start3A_573 : memref<10240x128xf32, #tpu.memory_space<vmem_shared>>) offsets(%dma_start3A_570 : memref<128xi32, #tpu.memory_space<vmem>>) semaphore(%run_scoped3A_567 : memref<!tpu.dma_semaphore, #tpu.memory_space<semaphore_mem>>) {add = true}
        %dma_wait3A_574 = arith.constant 0 : i32
        %dma_wait3A_575 = tpu.memref_slice %arg6[%run_scoped3A, %run_scoped3A_546, %add3A_527, %dma_wait3A_574] : memref<2x2x16x128xi32, #tpu.memory_space<vmem>> -> memref<1x1x1x128xi32, #tpu.memory_space<vmem>>
        %dma_wait3A_576 = tpu.memref_squeeze %dma_wait3A_575 : memref<1x1x1x128xi32, #tpu.memory_space<vmem>> -> memref<128xi32, #tpu.memory_space<vmem>>
        %dma_wait3A_577 = arith.constant 0 : i32
        %dma_wait3A_578 = arith.constant 0 : i32
        %dma_wait3A_579 = tpu.memref_slice %arg9[%dma_wait3A_577, %dma_wait3A_578] : memref<10240x128xf32, #tpu.memory_space<vmem_shared>> -> memref<10240x128xf32, #tpu.memory_space<vmem_shared>>
        tpu.wait_indirect_dma semaphore(%run_scoped3A_567 : memref<!tpu.dma_semaphore, #tpu.memory_space<semaphore_mem>>) src(%arg7 : memref<128x128xf32, #tpu.memory_space<vmem>>) dst(%dma_wait3A_579 : memref<10240x128xf32, #tpu.memory_space<vmem_shared>>)
        tpu.yield
      }) : () -> ()
      %add3A_547 = arith.constant 2 : i32
      %add3A_548 = arith.addi %add3A_527, %add3A_547 : i32
      %lt3A = arith.constant 16 : i32
      %lt3A_549 = arith.cmpi slt, %add3A_548, %lt3A : i32
      %convert_element_type3A_550 = arith.extui %lt3A_549 : i1 to i32
      %cond3A_551 = arith.constant 0 : i32
      %cond3A_552 = arith.cmpi ne, %convert_element_type3A_550, %cond3A_551 : i32
      scf.if %cond3A_552 {
        %add3A_567 = arith.constant 2 : i32
        %add3A_568 = arith.addi %add3A_527, %add3A_567 : i32
        %dma_start3A_569 = arith.constant 1 : i32
        %dma_start3A_570 = arith.constant 0 : i32
        %dma_start3A_571 = arith.constant 0 : i32
        %dma_start3A_572 = tpu.memref_slice %arg6[%dma_start3A_569, %dma_start3A_570, %add3A_568, %dma_start3A_571] : memref<2x2x16x128xi32, #tpu.memory_space<vmem>> -> memref<1x1x1x128xi32, #tpu.memory_space<vmem>>
        %dma_start3A_573 = tpu.memref_squeeze %dma_start3A_572 : memref<1x1x1x128xi32, #tpu.memory_space<vmem>> -> memref<128xi32, #tpu.memory_space<vmem>>
        %dma_start3A_574 = arith.constant 0 : i32
        %dma_start3A_575 = arith.constant 0 : i32
        %dma_start3A_576 = tpu.memref_slice %arg2[%dma_start3A_574, %dma_start3A_575] : memref<10000x128xf32, #tpu.memory_space<hbm>> -> memref<10000x128xf32, #tpu.memory_space<hbm>>
        tpu.enqueue_indirect_dma source(%dma_start3A_576 : memref<10000x128xf32, #tpu.memory_space<hbm>>) target(%arg7 : memref<128x128xf32, #tpu.memory_space<vmem>>) offsets(%dma_start3A_573 : memref<128xi32, #tpu.memory_space<vmem>>) semaphore(%arg10 : memref<!tpu.dma_semaphore, #tpu.memory_space<semaphore_mem>>)
      } else {
      }
      %add3A_553 = arith.constant 1 : i32
      %add3A_554 = arith.addi %add3A_527, %add3A_553 : i32
      %dma_wait3A_555 = arith.constant 1 : i32
      %dma_wait3A_556 = arith.constant 0 : i32
      %dma_wait3A_557 = arith.constant 0 : i32
      %dma_wait3A_558 = tpu.memref_slice %arg6[%dma_wait3A_555, %dma_wait3A_556, %add3A_554, %dma_wait3A_557] : memref<2x2x16x128xi32, #tpu.memory_space<vmem>> -> memref<1x1x1x128xi32, #tpu.memory_space<vmem>>
      %dma_wait3A_559 = tpu.memref_squeeze %dma_wait3A_558 : memref<1x1x1x128xi32, #tpu.memory_space<vmem>> -> memref<128xi32, #tpu.memory_space<vmem>>
      %dma_wait3A_560 = arith.constant 0 : i32
      %dma_wait3A_561 = arith.constant 0 : i32
      %dma_wait3A_562 = tpu.memref_slice %arg2[%dma_wait3A_560, %dma_wait3A_561] : memref<10000x128xf32, #tpu.memory_space<hbm>> -> memref<10000x128xf32, #tpu.memory_space<hbm>>
      tpu.wait_indirect_dma semaphore(%arg11 : memref<!tpu.dma_semaphore, #tpu.memory_space<semaphore_mem>>) src(%dma_wait3A_562 : memref<10000x128xf32, #tpu.memory_space<hbm>>) dst(%arg8 : memref<128x128xf32, #tpu.memory_space<vmem>>)
      %add3A_563 = arith.constant 1 : i32
      %add3A_564 = arith.addi %add3A_527, %add3A_563 : i32
      %run_scoped3A_565 = arith.constant 1 : i32
      %run_scoped3A_566 = arith.constant 1 : i32
      "tpu.region"() ({
        %run_scoped3A_567 = tpu.sem_alloc : memref<!tpu.dma_semaphore, #tpu.memory_space<semaphore_mem>>
        %dma_start3A_568 = arith.constant 0 : i32
        %dma_start3A_569 = tpu.memref_slice %arg6[%run_scoped3A_565, %run_scoped3A_566, %add3A_564, %dma_start3A_568] : memref<2x2x16x128xi32, #tpu.memory_space<vmem>> -> memref<1x1x1x128xi32, #tpu.memory_space<vmem>>
        %dma_start3A_570 = tpu.memref_squeeze %dma_start3A_569 : memref<1x1x1x128xi32, #tpu.memory_space<vmem>> -> memref<128xi32, #tpu.memory_space<vmem>>
        %dma_start3A_571 = arith.constant 0 : i32
        %dma_start3A_572 = arith.constant 0 : i32
        %dma_start3A_573 = tpu.memref_slice %arg9[%dma_start3A_571, %dma_start3A_572] : memref<10240x128xf32, #tpu.memory_space<vmem_shared>> -> memref<10240x128xf32, #tpu.memory_space<vmem_shared>>
        tpu.enqueue_indirect_dma source(%arg8 : memref<128x128xf32, #tpu.memory_space<vmem>>) target(%dma_start3A_573 : memref<10240x128xf32, #tpu.memory_space<vmem_shared>>) offsets(%dma_start3A_570 : memref<128xi32, #tpu.memory_space<vmem>>) semaphore(%run_scoped3A_567 : memref<!tpu.dma_semaphore, #tpu.memory_space<semaphore_mem>>) {add = true}
        %dma_wait3A_574 = arith.constant 0 : i32
        %dma_wait3A_575 = tpu.memref_slice %arg6[%run_scoped3A_565, %run_scoped3A_566, %add3A_564, %dma_wait3A_574] : memref<2x2x16x128xi32, #tpu.memory_space<vmem>> -> memref<1x1x1x128xi32, #tpu.memory_space<vmem>>
        %dma_wait3A_576 = tpu.memref_squeeze %dma_wait3A_575 : memref<1x1x1x128xi32, #tpu.memory_space<vmem>> -> memref<128xi32, #tpu.memory_space<vmem>>
        %dma_wait3A_577 = arith.constant 0 : i32
        %dma_wait3A_578 = arith.constant 0 : i32
        %dma_wait3A_579 = tpu.memref_slice %arg9[%dma_wait3A_577, %dma_wait3A_578] : memref<10240x128xf32, #tpu.memory_space<vmem_shared>> -> memref<10240x128xf32, #tpu.memory_space<vmem_shared>>
        tpu.wait_indirect_dma semaphore(%run_scoped3A_567 : memref<!tpu.dma_semaphore, #tpu.memory_space<semaphore_mem>>) src(%arg8 : memref<128x128xf32, #tpu.memory_space<vmem>>) dst(%dma_wait3A_579 : memref<10240x128xf32, #tpu.memory_space<vmem_shared>>)
        tpu.yield
      }) : () -> ()
    }
    %scan3A_462 = arith.constant 8 : i32
    %dma_wait3A_463 = arith.constant 0 : i32
    %dma_wait3A_464 = arith.constant 0 : i32
    %dma_wait3A_465 = arith.constant 0 : i32
    %dma_wait3A_466 = arith.constant 0 : i32
    %dma_wait3A_467 = arith.constant 0 : i32
    %dma_wait3A_468 = tpu.memref_slice %arg6[%dma_wait3A_464, %dma_wait3A_465, %dma_wait3A_466, %dma_wait3A_467] : memref<2x2x16x128xi32, #tpu.memory_space<vmem>> -> memref<1x1x16x128xi32, #tpu.memory_space<vmem>>
    %dma_wait3A_469 = tpu.memref_squeeze %dma_wait3A_468 : memref<1x1x16x128xi32, #tpu.memory_space<vmem>> -> memref<16x128xi32, #tpu.memory_space<vmem>>
    %dma_wait3A_470 = arith.constant 0 : i32
    %dma_wait3A_471 = arith.constant 0 : i32
    %dma_wait3A_472 = tpu.memref_slice %arg3[%dma_wait3A_463, %dma_wait3A_470, %dma_wait3A_471] : memref<2x2560x128xi32, #tpu.memory_space<hbm>> -> memref<1x16x128xi32, #tpu.memory_space<hbm>>
    %dma_wait3A_473 = tpu.memref_squeeze %dma_wait3A_472 : memref<1x16x128xi32, #tpu.memory_space<hbm>> -> memref<16x128xi32, #tpu.memory_space<hbm>>
    %dma_wait3A_474 = arith.constant 0 : i32
    %dma_wait3A_475 = arith.constant 0 : i32
    %dma_wait3A_476 = tpu.memref_slice %arg6[%dma_wait3A_464, %dma_wait3A_465, %dma_wait3A_474, %dma_wait3A_475] : memref<2x2x16x128xi32, #tpu.memory_space<vmem>> -> memref<1x1x16x128xi32, #tpu.memory_space<vmem>>
    %dma_wait3A_477 = tpu.memref_squeeze %dma_wait3A_476 : memref<1x1x16x128xi32, #tpu.memory_space<vmem>> -> memref<16x128xi32, #tpu.memory_space<vmem>>
    %dma_wait3A_478 = arith.constant 0 : i32
    %dma_wait3A_479 = arith.constant 0 : i32
    %dma_wait3A_480 = tpu.memref_slice %arg3[%dma_wait3A_463, %dma_wait3A_478, %dma_wait3A_479] : memref<2x2560x128xi32, #tpu.memory_space<hbm>> -> memref<1x16x128xi32, #tpu.memory_space<hbm>>
    %dma_wait3A_481 = tpu.memref_squeeze %dma_wait3A_480 : memref<1x16x128xi32, #tpu.memory_space<hbm>> -> memref<16x128xi32, #tpu.memory_space<hbm>>
    tpu.wait_dma2 semaphore(%arg12 : memref<!tpu.dma_semaphore, #tpu.memory_space<semaphore_mem>>) src(%dma_wait3A_481 : memref<16x128xi32, #tpu.memory_space<hbm>>) dst(%dma_wait3A_477 : memref<16x128xi32, #tpu.memory_space<vmem>>)
    %dma_wait3A_482 = arith.constant 1 : i32
    %dma_wait3A_483 = arith.constant 0 : i32
    %dma_wait3A_484 = arith.constant 1 : i32
    %dma_wait3A_485 = arith.constant 0 : i32
    %dma_wait3A_486 = arith.constant 0 : i32
    %dma_wait3A_487 = tpu.memref_slice %arg6[%dma_wait3A_483, %dma_wait3A_484, %dma_wait3A_485, %dma_wait3A_486] : memref<2x2x16x128xi32, #tpu.memory_space<vmem>> -> memref<1x1x16x128xi32, #tpu.memory_space<vmem>>
    %dma_wait3A_488 = tpu.memref_squeeze %dma_wait3A_487 : memref<1x1x16x128xi32, #tpu.memory_space<vmem>> -> memref<16x128xi32, #tpu.memory_space<vmem>>
    %dma_wait3A_489 = arith.constant 0 : i32
    %dma_wait3A_490 = arith.constant 0 : i32
    %dma_wait3A_491 = tpu.memref_slice %arg3[%dma_wait3A_482, %dma_wait3A_489, %dma_wait3A_490] : memref<2x2560x128xi32, #tpu.memory_space<hbm>> -> memref<1x16x128xi32, #tpu.memory_space<hbm>>
    %dma_wait3A_492 = tpu.memref_squeeze %dma_wait3A_491 : memref<1x16x128xi32, #tpu.memory_space<hbm>> -> memref<16x128xi32, #tpu.memory_space<hbm>>
    %dma_wait3A_493 = arith.constant 0 : i32
    %dma_wait3A_494 = arith.constant 0 : i32
    %dma_wait3A_495 = tpu.memref_slice %arg6[%dma_wait3A_483, %dma_wait3A_484, %dma_wait3A_493, %dma_wait3A_494] : memref<2x2x16x128xi32, #tpu.memory_space<vmem>> -> memref<1x1x16x128xi32, #tpu.memory_space<vmem>>
    %dma_wait3A_496 = tpu.memref_squeeze %dma_wait3A_495 : memref<1x1x16x128xi32, #tpu.memory_space<vmem>> -> memref<16x128xi32, #tpu.memory_space<vmem>>
    %dma_wait3A_497 = arith.constant 0 : i32
    %dma_wait3A_498 = arith.constant 0 : i32
    %dma_wait3A_499 = tpu.memref_slice %arg3[%dma_wait3A_482, %dma_wait3A_497, %dma_wait3A_498] : memref<2x2560x128xi32, #tpu.memory_space<hbm>> -> memref<1x16x128xi32, #tpu.memory_space<hbm>>
    %dma_wait3A_500 = tpu.memref_squeeze %dma_wait3A_499 : memref<1x16x128xi32, #tpu.memory_space<hbm>> -> memref<16x128xi32, #tpu.memory_space<hbm>>
    tpu.wait_dma2 semaphore(%arg12 : memref<!tpu.dma_semaphore, #tpu.memory_space<semaphore_mem>>) src(%dma_wait3A_500 : memref<16x128xi32, #tpu.memory_space<hbm>>) dst(%dma_wait3A_496 : memref<16x128xi32, #tpu.memory_space<vmem>>)
    %dma_start3A_501 = arith.constant 0 : i32
    %dma_start3A_502 = arith.constant 0 : i32
    %dma_start3A_503 = arith.constant 0 : i32
    %dma_start3A_504 = arith.constant 0 : i32
    %dma_start3A_505 = tpu.memref_slice %arg6[%dma_start3A_501, %dma_start3A_502, %dma_start3A_503, %dma_start3A_504] : memref<2x2x16x128xi32, #tpu.memory_space<vmem>> -> memref<1x1x1x128xi32, #tpu.memory_space<vmem>>
    %dma_start3A_506 = tpu.memref_squeeze %dma_start3A_505 : memref<1x1x1x128xi32, #tpu.memory_space<vmem>> -> memref<128xi32, #tpu.memory_space<vmem>>
    %dma_start3A_507 = arith.constant 0 : i32
    %dma_start3A_508 = arith.constant 0 : i32
    %dma_start3A_509 = tpu.memref_slice %arg2[%dma_start3A_507, %dma_start3A_508] : memref<10000x128xf32, #tpu.memory_space<hbm>> -> memref<10000x128xf32, #tpu.memory_space<hbm>>
    tpu.enqueue_indirect_dma source(%dma_start3A_509 : memref<10000x128xf32, #tpu.memory_space<hbm>>) target(%arg7 : memref<128x128xf32, #tpu.memory_space<vmem>>) offsets(%dma_start3A_506 : memref<128xi32, #tpu.memory_space<vmem>>) semaphore(%arg10 : memref<!tpu.dma_semaphore, #tpu.memory_space<semaphore_mem>>)
    %scan3A_510 = arith.constant 0 : i32
    %scan3A_511 = arith.constant 8 : i32
    %scan3A_512 = arith.addi %scan3A_510, %scan3A_511 : i32
    %scan3A_513 = arith.constant 1 : i32
    scf.for %scan3A_523 = %scan3A_510 to %scan3A_512 step %scan3A_513  : i32 {
      %mul3A_524 = arith.constant 2 : i32
      %mul3A_525 = arith.muli %scan3A_523, %mul3A_524 : i32
      %add3A_526 = arith.constant 0 : i32
      %add3A_527 = arith.addi %add3A_526, %mul3A_525 : i32
      %add3A_528 = arith.constant 1 : i32
      %add3A_529 = arith.addi %add3A_527, %add3A_528 : i32
      %dma_start3A_530 = arith.constant 0 : i32
      %dma_start3A_531 = arith.constant 0 : i32
      %dma_start3A_532 = arith.constant 0 : i32
      %dma_start3A_533 = tpu.memref_slice %arg6[%dma_start3A_530, %dma_start3A_531, %add3A_529, %dma_start3A_532] : memref<2x2x16x128xi32, #tpu.memory_space<vmem>> -> memref<1x1x1x128xi32, #tpu.memory_space<vmem>>
      %dma_start3A_534 = tpu.memref_squeeze %dma_start3A_533 : memref<1x1x1x128xi32, #tpu.memory_space<vmem>> -> memref<128xi32, #tpu.memory_space<vmem>>
      %dma_start3A_535 = arith.constant 0 : i32
      %dma_start3A_536 = arith.constant 0 : i32
      %dma_start3A_537 = tpu.memref_slice %arg2[%dma_start3A_535, %dma_start3A_536] : memref<10000x128xf32, #tpu.memory_space<hbm>> -> memref<10000x128xf32, #tpu.memory_space<hbm>>
      tpu.enqueue_indirect_dma source(%dma_start3A_537 : memref<10000x128xf32, #tpu.memory_space<hbm>>) target(%arg8 : memref<128x128xf32, #tpu.memory_space<vmem>>) offsets(%dma_start3A_534 : memref<128xi32, #tpu.memory_space<vmem>>) semaphore(%arg11 : memref<!tpu.dma_semaphore, #tpu.memory_space<semaphore_mem>>)
      %dma_wait3A_538 = arith.constant 0 : i32
      %dma_wait3A_539 = arith.constant 0 : i32
      %dma_wait3A_540 = arith.constant 0 : i32
      %dma_wait3A_541 = tpu.memref_slice %arg6[%dma_wait3A_538, %dma_wait3A_539, %add3A_527, %dma_wait3A_540] : memref<2x2x16x128xi32, #tpu.memory_space<vmem>> -> memref<1x1x1x128xi32, #tpu.memory_space<vmem>>
      %dma_wait3A_542 = tpu.memref_squeeze %dma_wait3A_541 : memref<1x1x1x128xi32, #tpu.memory_space<vmem>> -> memref<128xi32, #tpu.memory_space<vmem>>
      %dma_wait3A_543 = arith.constant 0 : i32
      %dma_wait3A_544 = arith.constant 0 : i32
      %dma_wait3A_545 = tpu.memref_slice %arg2[%dma_wait3A_543, %dma_wait3A_544] : memref<10000x128xf32, #tpu.memory_space<hbm>> -> memref<10000x128xf32, #tpu.memory_space<hbm>>
      tpu.wait_indirect_dma semaphore(%arg10 : memref<!tpu.dma_semaphore, #tpu.memory_space<semaphore_mem>>) src(%dma_wait3A_545 : memref<10000x128xf32, #tpu.memory_space<hbm>>) dst(%arg7 : memref<128x128xf32, #tpu.memory_space<vmem>>)
      %run_scoped3A = arith.constant 0 : i32
      %run_scoped3A_546 = arith.constant 1 : i32
      "tpu.region"() ({
        %run_scoped3A_567 = tpu.sem_alloc : memref<!tpu.dma_semaphore, #tpu.memory_space<semaphore_mem>>
        %dma_start3A_568 = arith.constant 0 : i32
        %dma_start3A_569 = tpu.memref_slice %arg6[%run_scoped3A, %run_scoped3A_546, %add3A_527, %dma_start3A_568] : memref<2x2x16x128xi32, #tpu.memory_space<vmem>> -> memref<1x1x1x128xi32, #tpu.memory_space<vmem>>
        %dma_start3A_570 = tpu.memref_squeeze %dma_start3A_569 : memref<1x1x1x128xi32, #tpu.memory_space<vmem>> -> memref<128xi32, #tpu.memory_space<vmem>>
        %dma_start3A_571 = arith.constant 0 : i32
        %dma_start3A_572 = arith.constant 0 : i32
        %dma_start3A_573 = tpu.memref_slice %arg9[%dma_start3A_571, %dma_start3A_572] : memref<10240x128xf32, #tpu.memory_space<vmem_shared>> -> memref<10240x128xf32, #tpu.memory_space<vmem_shared>>
        tpu.enqueue_indirect_dma source(%arg7 : memref<128x128xf32, #tpu.memory_space<vmem>>) target(%dma_start3A_573 : memref<10240x128xf32, #tpu.memory_space<vmem_shared>>) offsets(%dma_start3A_570 : memref<128xi32, #tpu.memory_space<vmem>>) semaphore(%run_scoped3A_567 : memref<!tpu.dma_semaphore, #tpu.memory_space<semaphore_mem>>) {add = true}
        %dma_wait3A_574 = arith.constant 0 : i32
        %dma_wait3A_575 = tpu.memref_slice %arg6[%run_scoped3A, %run_scoped3A_546, %add3A_527, %dma_wait3A_574] : memref<2x2x16x128xi32, #tpu.memory_space<vmem>> -> memref<1x1x1x128xi32, #tpu.memory_space<vmem>>
        %dma_wait3A_576 = tpu.memref_squeeze %dma_wait3A_575 : memref<1x1x1x128xi32, #tpu.memory_space<vmem>> -> memref<128xi32, #tpu.memory_space<vmem>>
        %dma_wait3A_577 = arith.constant 0 : i32
        %dma_wait3A_578 = arith.constant 0 : i32
        %dma_wait3A_579 = tpu.memref_slice %arg9[%dma_wait3A_577, %dma_wait3A_578] : memref<10240x128xf32, #tpu.memory_space<vmem_shared>> -> memref<10240x128xf32, #tpu.memory_space<vmem_shared>>
        tpu.wait_indirect_dma semaphore(%run_scoped3A_567 : memref<!tpu.dma_semaphore, #tpu.memory_space<semaphore_mem>>) src(%arg7 : memref<128x128xf32, #tpu.memory_space<vmem>>) dst(%dma_wait3A_579 : memref<10240x128xf32, #tpu.memory_space<vmem_shared>>)
        tpu.yield
      }) : () -> ()
      %add3A_547 = arith.constant 2 : i32
      %add3A_548 = arith.addi %add3A_527, %add3A_547 : i32
      %lt3A = arith.constant 16 : i32
      %lt3A_549 = arith.cmpi slt, %add3A_548, %lt3A : i32
      %convert_element_type3A_550 = arith.extui %lt3A_549 : i1 to i32
      %cond3A_551 = arith.constant 0 : i32
      %cond3A_552 = arith.cmpi ne, %convert_element_type3A_550, %cond3A_551 : i32
      scf.if %cond3A_552 {
        %add3A_567 = arith.constant 2 : i32
        %add3A_568 = arith.addi %add3A_527, %add3A_567 : i32
        %dma_start3A_569 = arith.constant 0 : i32
        %dma_start3A_570 = arith.constant 0 : i32
        %dma_start3A_571 = arith.constant 0 : i32
        %dma_start3A_572 = tpu.memref_slice %arg6[%dma_start3A_569, %dma_start3A_570, %add3A_568, %dma_start3A_571] : memref<2x2x16x128xi32, #tpu.memory_space<vmem>> -> memref<1x1x1x128xi32, #tpu.memory_space<vmem>>
        %dma_start3A_573 = tpu.memref_squeeze %dma_start3A_572 : memref<1x1x1x128xi32, #tpu.memory_space<vmem>> -> memref<128xi32, #tpu.memory_space<vmem>>
        %dma_start3A_574 = arith.constant 0 : i32
        %dma_start3A_575 = arith.constant 0 : i32
        %dma_start3A_576 = tpu.memref_slice %arg2[%dma_start3A_574, %dma_start3A_575] : memref<10000x128xf32, #tpu.memory_space<hbm>> -> memref<10000x128xf32, #tpu.memory_space<hbm>>
        tpu.enqueue_indirect_dma source(%dma_start3A_576 : memref<10000x128xf32, #tpu.memory_space<hbm>>) target(%arg7 : memref<128x128xf32, #tpu.memory_space<vmem>>) offsets(%dma_start3A_573 : memref<128xi32, #tpu.memory_space<vmem>>) semaphore(%arg10 : memref<!tpu.dma_semaphore, #tpu.memory_space<semaphore_mem>>)
      } else {
      }
      %add3A_553 = arith.constant 1 : i32
      %add3A_554 = arith.addi %add3A_527, %add3A_553 : i32
      %dma_wait3A_555 = arith.constant 0 : i32
      %dma_wait3A_556 = arith.constant 0 : i32
      %dma_wait3A_557 = arith.constant 0 : i32
      %dma_wait3A_558 = tpu.memref_slice %arg6[%dma_wait3A_555, %dma_wait3A_556, %add3A_554, %dma_wait3A_557] : memref<2x2x16x128xi32, #tpu.memory_space<vmem>> -> memref<1x1x1x128xi32, #tpu.memory_space<vmem>>
      %dma_wait3A_559 = tpu.memref_squeeze %dma_wait3A_558 : memref<1x1x1x128xi32, #tpu.memory_space<vmem>> -> memref<128xi32, #tpu.memory_space<vmem>>
      %dma_wait3A_560 = arith.constant 0 : i32
      %dma_wait3A_561 = arith.constant 0 : i32
      %dma_wait3A_562 = tpu.memref_slice %arg2[%dma_wait3A_560, %dma_wait3A_561] : memref<10000x128xf32, #tpu.memory_space<hbm>> -> memref<10000x128xf32, #tpu.memory_space<hbm>>
      tpu.wait_indirect_dma semaphore(%arg11 : memref<!tpu.dma_semaphore, #tpu.memory_space<semaphore_mem>>) src(%dma_wait3A_562 : memref<10000x128xf32, #tpu.memory_space<hbm>>) dst(%arg8 : memref<128x128xf32, #tpu.memory_space<vmem>>)
      %add3A_563 = arith.constant 1 : i32
      %add3A_564 = arith.addi %add3A_527, %add3A_563 : i32
      %run_scoped3A_565 = arith.constant 0 : i32
      %run_scoped3A_566 = arith.constant 1 : i32
      "tpu.region"() ({
        %run_scoped3A_567 = tpu.sem_alloc : memref<!tpu.dma_semaphore, #tpu.memory_space<semaphore_mem>>
        %dma_start3A_568 = arith.constant 0 : i32
        %dma_start3A_569 = tpu.memref_slice %arg6[%run_scoped3A_565, %run_scoped3A_566, %add3A_564, %dma_start3A_568] : memref<2x2x16x128xi32, #tpu.memory_space<vmem>> -> memref<1x1x1x128xi32, #tpu.memory_space<vmem>>
        %dma_start3A_570 = tpu.memref_squeeze %dma_start3A_569 : memref<1x1x1x128xi32, #tpu.memory_space<vmem>> -> memref<128xi32, #tpu.memory_space<vmem>>
        %dma_start3A_571 = arith.constant 0 : i32
        %dma_start3A_572 = arith.constant 0 : i32
        %dma_start3A_573 = tpu.memref_slice %arg9[%dma_start3A_571, %dma_start3A_572] : memref<10240x128xf32, #tpu.memory_space<vmem_shared>> -> memref<10240x128xf32, #tpu.memory_space<vmem_shared>>
        tpu.enqueue_indirect_dma source(%arg8 : memref<128x128xf32, #tpu.memory_space<vmem>>) target(%dma_start3A_573 : memref<10240x128xf32, #tpu.memory_space<vmem_shared>>) offsets(%dma_start3A_570 : memref<128xi32, #tpu.memory_space<vmem>>) semaphore(%run_scoped3A_567 : memref<!tpu.dma_semaphore, #tpu.memory_space<semaphore_mem>>) {add = true}
        %dma_wait3A_574 = arith.constant 0 : i32
        %dma_wait3A_575 = tpu.memref_slice %arg6[%run_scoped3A_565, %run_scoped3A_566, %add3A_564, %dma_wait3A_574] : memref<2x2x16x128xi32, #tpu.memory_space<vmem>> -> memref<1x1x1x128xi32, #tpu.memory_space<vmem>>
        %dma_wait3A_576 = tpu.memref_squeeze %dma_wait3A_575 : memref<1x1x1x128xi32, #tpu.memory_space<vmem>> -> memref<128xi32, #tpu.memory_space<vmem>>
        %dma_wait3A_577 = arith.constant 0 : i32
        %dma_wait3A_578 = arith.constant 0 : i32
        %dma_wait3A_579 = tpu.memref_slice %arg9[%dma_wait3A_577, %dma_wait3A_578] : memref<10240x128xf32, #tpu.memory_space<vmem_shared>> -> memref<10240x128xf32, #tpu.memory_space<vmem_shared>>
        tpu.wait_indirect_dma semaphore(%run_scoped3A_567 : memref<!tpu.dma_semaphore, #tpu.memory_space<semaphore_mem>>) src(%arg8 : memref<128x128xf32, #tpu.memory_space<vmem>>) dst(%dma_wait3A_579 : memref<10240x128xf32, #tpu.memory_space<vmem_shared>>)
        tpu.yield
      }) : () -> ()
    }
    %scan3A_514 = arith.constant 8 : i32
    %barrier3A_515 = arith.constant 0 : index
    tpu.barrier barrier_id(%barrier3A_515)
    %eq3A = arith.constant 0 : i32
    %eq3A_516 = arith.cmpi eq, %arg0, %eq3A : i32
    %convert_element_type3A = arith.extui %eq3A_516 : i1 to i32
    %cond3A = arith.constant 0 : i32
    %cond3A_517 = arith.cmpi ne, %convert_element_type3A, %cond3A : i32
    scf.if %cond3A_517 {
      %lt3A = arith.constant 15 : i32
      %lt3A_523 = arith.cmpi slt, %arg1, %lt3A : i32
      %convert_element_type3A_524 = arith.extui %lt3A_523 : i1 to i32
      %cond3A_525 = arith.constant 0 : i32
      %cond3A_526 = arith.cmpi ne, %convert_element_type3A_524, %cond3A_525 : i32
      scf.if %cond3A_526 {
        "tpu.region"() ({
          %run_scoped3A = tpu.sem_alloc : memref<!tpu.dma_semaphore, #tpu.memory_space<semaphore_mem>>
          %dma_start3A_532 = arith.constant 0 : i32
          %dma_start3A_533 = tpu.memref_slice %arg4[%mul3A_2, %dma_start3A_532] : memref<10000x128xf32, #tpu.memory_space<hbm>> -> memref<640x128xf32, #tpu.memory_space<hbm>>
          %dma_start3A_534 = arith.constant 0 : i32
          %dma_start3A_535 = tpu.memref_slice %arg9[%mul3A_2, %dma_start3A_534] : memref<10240x128xf32, #tpu.memory_space<vmem_shared>> -> memref<640x128xf32, #tpu.memory_space<vmem_shared>>
          tpu.enqueue_dma source(%dma_start3A_535 : memref<640x128xf32, #tpu.memory_space<vmem_shared>>) target(%dma_start3A_533 : memref<640x128xf32, #tpu.memory_space<hbm>>) target_semaphore(%run_scoped3A : memref<!tpu.dma_semaphore, #tpu.memory_space<semaphore_mem>>)
          %dma_wait3A_536 = arith.constant 0 : i32
          %dma_wait3A_537 = tpu.memref_slice %arg4[%mul3A_2, %dma_wait3A_536] : memref<10000x128xf32, #tpu.memory_space<hbm>> -> memref<640x128xf32, #tpu.memory_space<hbm>>
          %dma_wait3A_538 = arith.constant 0 : i32
          %dma_wait3A_539 = tpu.memref_slice %arg9[%mul3A_2, %dma_wait3A_538] : memref<10240x128xf32, #tpu.memory_space<vmem_shared>> -> memref<640x128xf32, #tpu.memory_space<vmem_shared>>
          tpu.wait_dma2 semaphore(%run_scoped3A : memref<!tpu.dma_semaphore, #tpu.memory_space<semaphore_mem>>) src(%dma_wait3A_539 : memref<640x128xf32, #tpu.memory_space<vmem_shared>>) dst(%dma_wait3A_537 : memref<640x128xf32, #tpu.memory_space<hbm>>)
          tpu.yield
        }) : () -> ()
      } else {
      }
      %eq3A_527 = arith.constant 15 : i32
      %eq3A_528 = arith.cmpi eq, %arg1, %eq3A_527 : i32
      %convert_element_type3A_529 = arith.extui %eq3A_528 : i1 to i32
      %cond3A_530 = arith.constant 0 : i32
      %cond3A_531 = arith.cmpi ne, %convert_element_type3A_529, %cond3A_530 : i32
      scf.if %cond3A_531 {
        "tpu.region"() ({
          %run_scoped3A = tpu.sem_alloc : memref<!tpu.dma_semaphore, #tpu.memory_space<semaphore_mem>>
          %dma_start3A_532 = arith.constant 0 : i32
          %dma_start3A_533 = tpu.memref_slice %arg4[%mul3A_2, %dma_start3A_532] : memref<10000x128xf32, #tpu.memory_space<hbm>> -> memref<400x128xf32, #tpu.memory_space<hbm>>
          %dma_start3A_534 = arith.constant 0 : i32
          %dma_start3A_535 = tpu.memref_slice %arg9[%mul3A_2, %dma_start3A_534] : memref<10240x128xf32, #tpu.memory_space<vmem_shared>> -> memref<400x128xf32, #tpu.memory_space<vmem_shared>>
          tpu.enqueue_dma source(%dma_start3A_535 : memref<400x128xf32, #tpu.memory_space<vmem_shared>>) target(%dma_start3A_533 : memref<400x128xf32, #tpu.memory_space<hbm>>) target_semaphore(%run_scoped3A : memref<!tpu.dma_semaphore, #tpu.memory_space<semaphore_mem>>)
          %dma_wait3A_536 = arith.constant 0 : i32
          %dma_wait3A_537 = tpu.memref_slice %arg4[%mul3A_2, %dma_wait3A_536] : memref<10000x128xf32, #tpu.memory_space<hbm>> -> memref<400x128xf32, #tpu.memory_space<hbm>>
          %dma_wait3A_538 = arith.constant 0 : i32
          %dma_wait3A_539 = tpu.memref_slice %arg9[%mul3A_2, %dma_wait3A_538] : memref<10240x128xf32, #tpu.memory_space<vmem_shared>> -> memref<400x128xf32, #tpu.memory_space<vmem_shared>>
          tpu.wait_dma2 semaphore(%run_scoped3A : memref<!tpu.dma_semaphore, #tpu.memory_space<semaphore_mem>>) src(%dma_wait3A_539 : memref<400x128xf32, #tpu.memory_space<vmem_shared>>) dst(%dma_wait3A_537 : memref<400x128xf32, #tpu.memory_space<hbm>>)
          tpu.yield
        }) : () -> ()
      } else {
      }
    } else {
    }
    %eq3A_518 = arith.constant 1 : i32
    %eq3A_519 = arith.cmpi eq, %arg0, %eq3A_518 : i32
    %convert_element_type3A_520 = arith.extui %eq3A_519 : i1 to i32
    %cond3A_521 = arith.constant 0 : i32
    %cond3A_522 = arith.cmpi ne, %convert_element_type3A_520, %cond3A_521 : i32
    scf.if %cond3A_522 {
      %lt3A = arith.constant 15 : i32
      %lt3A_523 = arith.cmpi slt, %arg1, %lt3A : i32
      %convert_element_type3A_524 = arith.extui %lt3A_523 : i1 to i32
      %cond3A_525 = arith.constant 0 : i32
      %cond3A_526 = arith.cmpi ne, %convert_element_type3A_524, %cond3A_525 : i32
      scf.if %cond3A_526 {
        "tpu.region"() ({
          %run_scoped3A = tpu.sem_alloc : memref<!tpu.dma_semaphore, #tpu.memory_space<semaphore_mem>>
          %dma_start3A_532 = arith.constant 0 : i32
          %dma_start3A_533 = tpu.memref_slice %arg5[%mul3A_2, %dma_start3A_532] : memref<10000x128xf32, #tpu.memory_space<hbm>> -> memref<640x128xf32, #tpu.memory_space<hbm>>
          %dma_start3A_534 = arith.constant 0 : i32
          %dma_start3A_535 = tpu.memref_slice %arg9[%mul3A_2, %dma_start3A_534] : memref<10240x128xf32, #tpu.memory_space<vmem_shared>> -> memref<640x128xf32, #tpu.memory_space<vmem_shared>>
          tpu.enqueue_dma source(%dma_start3A_535 : memref<640x128xf32, #tpu.memory_space<vmem_shared>>) target(%dma_start3A_533 : memref<640x128xf32, #tpu.memory_space<hbm>>) target_semaphore(%run_scoped3A : memref<!tpu.dma_semaphore, #tpu.memory_space<semaphore_mem>>)
          %dma_wait3A_536 = arith.constant 0 : i32
          %dma_wait3A_537 = tpu.memref_slice %arg5[%mul3A_2, %dma_wait3A_536] : memref<10000x128xf32, #tpu.memory_space<hbm>> -> memref<640x128xf32, #tpu.memory_space<hbm>>
          %dma_wait3A_538 = arith.constant 0 : i32
          %dma_wait3A_539 = tpu.memref_slice %arg9[%mul3A_2, %dma_wait3A_538] : memref<10240x128xf32, #tpu.memory_space<vmem_shared>> -> memref<640x128xf32, #tpu.memory_space<vmem_shared>>
          tpu.wait_dma2 semaphore(%run_scoped3A : memref<!tpu.dma_semaphore, #tpu.memory_space<semaphore_mem>>) src(%dma_wait3A_539 : memref<640x128xf32, #tpu.memory_space<vmem_shared>>) dst(%dma_wait3A_537 : memref<640x128xf32, #tpu.memory_space<hbm>>)
          tpu.yield
        }) : () -> ()
      } else {
      }
      %eq3A_527 = arith.constant 15 : i32
      %eq3A_528 = arith.cmpi eq, %arg1, %eq3A_527 : i32
      %convert_element_type3A_529 = arith.extui %eq3A_528 : i1 to i32
      %cond3A_530 = arith.constant 0 : i32
      %cond3A_531 = arith.cmpi ne, %convert_element_type3A_529, %cond3A_530 : i32
      scf.if %cond3A_531 {
        "tpu.region"() ({
          %run_scoped3A = tpu.sem_alloc : memref<!tpu.dma_semaphore, #tpu.memory_space<semaphore_mem>>
          %dma_start3A_532 = arith.constant 0 : i32
          %dma_start3A_533 = tpu.memref_slice %arg5[%mul3A_2, %dma_start3A_532] : memref<10000x128xf32, #tpu.memory_space<hbm>> -> memref<400x128xf32, #tpu.memory_space<hbm>>
          %dma_start3A_534 = arith.constant 0 : i32
          %dma_start3A_535 = tpu.memref_slice %arg9[%mul3A_2, %dma_start3A_534] : memref<10240x128xf32, #tpu.memory_space<vmem_shared>> -> memref<400x128xf32, #tpu.memory_space<vmem_shared>>
          tpu.enqueue_dma source(%dma_start3A_535 : memref<400x128xf32, #tpu.memory_space<vmem_shared>>) target(%dma_start3A_533 : memref<400x128xf32, #tpu.memory_space<hbm>>) target_semaphore(%run_scoped3A : memref<!tpu.dma_semaphore, #tpu.memory_space<semaphore_mem>>)
          %dma_wait3A_536 = arith.constant 0 : i32
          %dma_wait3A_537 = tpu.memref_slice %arg5[%mul3A_2, %dma_wait3A_536] : memref<10000x128xf32, #tpu.memory_space<hbm>> -> memref<400x128xf32, #tpu.memory_space<hbm>>
          %dma_wait3A_538 = arith.constant 0 : i32
          %dma_wait3A_539 = tpu.memref_slice %arg9[%mul3A_2, %dma_wait3A_538] : memref<10240x128xf32, #tpu.memory_space<vmem_shared>> -> memref<400x128xf32, #tpu.memory_space<vmem_shared>>
          tpu.wait_dma2 semaphore(%run_scoped3A : memref<!tpu.dma_semaphore, #tpu.memory_space<semaphore_mem>>) src(%dma_wait3A_539 : memref<400x128xf32, #tpu.memory_space<vmem_shared>>) dst(%dma_wait3A_537 : memref<400x128xf32, #tpu.memory_space<hbm>>)
          tpu.yield
        }) : () -> ()
      } else {
      }
    } else {
    }
    return
  }
}

module attributes {stable_mosaic.version = 14 : i64} {
  func.func @_add_body(%arg0: i32, %arg1: memref<2000x128xf32, #tpu.memory_space<vmem>>, %arg2: memref<2000x128xf32, #tpu.memory_space<vmem>>, %arg3: memref<2000x128xf32, #tpu.memory_space<vmem>>) attributes {dimension_semantics = [#tpu.dimension_semantics<arbitrary>], iteration_bounds = array<i64: 5>, scalar_prefetch = 0 : i64, scratch_operands = 0 : i64, tpu.core_type = #tpu.core_type<tc>, window_params = [{transform_indices = @transform_0, window_bounds = array<i64: 2000, 128>}, {transform_indices = @transform_1, window_bounds = array<i64: 2000, 128>}, {transform_indices = @transform_2, window_bounds = array<i64: 2000, 128>}]} {
    %get3A = arith.constant 0 : index
    %get3A_0 = arith.constant 0 : index
    %get3A_1 = vector.load %arg1[%get3A, %get3A_0] : memref<2000x128xf32, #tpu.memory_space<vmem>>, vector<2000x128xf32>
    %get3A_2 = arith.constant 0 : index
    %get3A_3 = arith.constant 0 : index
    %get3A_4 = vector.load %arg2[%get3A_2, %get3A_3] : memref<2000x128xf32, #tpu.memory_space<vmem>>, vector<2000x128xf32>
    %add3A = arith.addf %get3A_1, %get3A_4 : vector<2000x128xf32>
    %swap3A = arith.constant 0 : index
    %swap3A_5 = arith.constant 0 : index
    %swap3A_6 = vector.load %arg3[%swap3A, %swap3A_5] : memref<2000x128xf32, #tpu.memory_space<vmem>>, vector<2000x128xf32>
    tpu.vector_store %arg3[%swap3A, %swap3A_5], %add3A {strides = array<i32>} : memref<2000x128xf32, #tpu.memory_space<vmem>>, vector<2000x128xf32>,
    return
  }
  func.func @transform_0(%arg0: i32) -> (i32, i32) {
    %c0_i32 = arith.constant 0 : i32
    %c0_i32_0 = arith.constant 0 : i32
    return %arg0, %c0_i32 : i32, i32
  }
  func.func @transform_1(%arg0: i32) -> (i32, i32) {
    %c0_i32 = arith.constant 0 : i32
    %c0_i32_0 = arith.constant 0 : i32
    return %arg0, %c0_i32 : i32, i32
  }
  func.func @transform_2(%arg0: i32) -> (i32, i32) {
    %c0_i32 = arith.constant 0 : i32
    %c0_i32_0 = arith.constant 0 : i32
    return %arg0, %c0_i32 : i32, i32
  }
}

</mosaic_0001>

<sc_bundles>
// kernel: kernel.4.cloned.1.call-start
scs
__scs_entry_jumppad:
0x0: {  	(pc) =	sbr.rel $0x88, $3  }
0x1: {  	(tag) =	ssettag $0x0;
	lr =	simm.s32 $0x1  }
0x2: {  	[smem:$0x3F9F] =	sst lr;
	_ =	strace $0xD0000000  }
0x3: {  	_ = 	snop  }
0x4: {  	_ = 	snop  }
0x5: {  	_ = 	snop  }
0x6: {  	_ = 	snop  }
0x7: {  	_ = 	snop  }
__scs_overlays_trampoline_lowered:
0x8: {  	[smem:$0x3FAE] =	sst s0  }
0x9: {  	[smem:$0x3FAF] =	sst s1  }
0xa: {  	[smem:$0x3FB0] =	sst s2  }
0xb: {  	[smem:$0x3FB1] =	sst s3  }
0xc: {  	[smem:$0x3FB2] =	sst s4  }
0xd: {  	[smem:$0x3FB3] =	sst s5  }
0xe: {  	[smem:$0x3FB4] =	sst s6  }
0xf: {  	[smem:$0x3FB5] =	sst s7  }
0x10: {  	[smem:$0x3FB6] =	sst s8  }
0x11: {  	[smem:$0x3FB7] =	sst s9;
	s0 =	simm.s32 @!p0 $0x0  }
0x12: {  	s1 =	sld [smem:$0x3F9D];
	s0 =	simm.s32 @p0 $0x1  }
0x13: {  	[smem:$0x3FB8] =	sst s0;
	s0 =	simm.s32 @!p1 $0x0  }
0x14: {  	s2 =	sld [smem:$0x3F9C];
	s0 =	simm.s32 @p1 $0x1  }
0x15: {  	[smem:$0x3FB9] =	sst s0;
	s0 =	simm.s32 @!p2 $0x0  }
0x16: {  	s3 =	sld [smem:$0x3FDB];
	s0 =	simm.s32 @p2 $0x1  }
0x17: {  	s4 =	simm.s32 $0x1BF5;
	[smem:$0x3FBB] =	sst s0  }
0x18: {  	s0 =	sld [smem:$0x3F9E];
	_ =	swait.ge [sflag:s4], $0x0  }
0x19: {  	s7 =	sld [smem:$0x3F9F]  }
0x1a: {  	s8 =	sadd.s32 $0xFFFFE003, lr  }
0x1b: {  	s9 =	sadd.s32 $0xFFFFFEF7, lr;
	s5 =	simm.s32 $0xFFFFFFFF;
	p2 =	slt.u32 s8, $0xFFFFF086  }
0x1c: {  	p1 =	slt.u32 s9, $0xF7A;
	s5 =	simm.s32 @!p2 $0x0  }
0x1d: {  	s5 =	simm.s32 @p1 $0x1;
	p0 =	seq.s32 s7, s2  }
0x1e: {  	s7 =	smul.u32 @!p0 $0xF7A, s2;
	p2 =	seq.s32 @!p0 s5, $0x0  }
0x1f: {  	s9 =	smul.u32 $0xF7A, s1;
	s8 =	simm.s32 @!p0 $0x1BF5;
	p2 =	por !p2, p0  }
0x20: {  	[sflag:s8] =	ssyncset.s32 @!p0 $0xFFFFF086;
	s6 =	sadd.s32 @!p0 s3, s7;
	s7 =	simm.s32 @!p0 $0x108  }
0x21: {  	s3 =	sadd.s32 s3, s9;
	s6 =	sadd.s32 @!p0 $0x88, s6;
	s7 =	simm.s32 @p2 $0x1082  }
0x22: {  	[simem:s7], [sflag:s8] =	dma.local @!p0 [hbm:s6], $0xF7A  }
0x23: {  	s9 =	sor.u32 $0xD0000000, s2;
	s6 =	simm.s32 $0x108;
	_ =	swait.ge @!p0 [sflag:s8], $0x0  }
0x24: {  	s3 =	sadd.s32 $0x88, s3;
	s6 =	simm.s32 @!p1 $0x1082;
	[sflag:s4] =	ssyncset.s32 $0xFFFFF086  }
0x25: {  	[simem:s6], [sflag:s4] =	dma.local [hbm:s3], $0xF7A  }
0x26: {  	[smem:$0x3F9F] =	sst s1;
	(tag) =	ssettag s2;
	_ =	strace s9  }
0x27: {  	s1 =	sld [smem:$0x3FAF]  }
0x28: {  	s2 =	sld [smem:$0x3FB0]  }
0x29: {  	s4 =	sld [smem:$0x3FB2]  }
0x2a: {  	p0 =	seq.s32 s5, $0x0;
	s5 =	sld [smem:$0x3FB3]  }
0x2b: {  	s6 =	sld [smem:$0x3FB4]  }
0x2c: {  	s7 =	sld [smem:$0x3FB5]  }
0x2d: {  	s3 =	simm.s32 $0x108;
	s8 =	sld [smem:$0x3FB6]  }
0x2e: {  	s3 =	simm.s32 @!p0 $0x1082;
	s9 =	sld [smem:$0x3FB7]  }
0x2f: {  	lr =	sadd.s32 s0, s3;
	s0 =	sld [smem:$0x3FAE]  }
0x30: {  	s3 =	sld [smem:$0x3FB1]  }
0x31: {  	[smem:$0x3FBA] =	sst s10  }
0x32: {  	s10 =	sld [smem:$0x3FB8];
	_ =	sdelay $0x3  }
0x33: {  	p0 =	seq.s32 s10, $0x1;
	s10 =	sld [smem:$0x3FBA];
	_ =	sdelay $0x3  }
0x34: {  	[smem:$0x3FBA] =	sst s10  }
0x35: {  	s10 =	sld [smem:$0x3FB9];
	_ =	sdelay $0x3  }
0x36: {  	p1 =	seq.s32 s10, $0x1;
	s10 =	sld [smem:$0x3FBA];
	_ =	sdelay $0x3  }
0x37: {  	[smem:$0x3FBA] =	sst s10  }
0x38: {  	s10 =	sld [smem:$0x3FBB]  }
0x39: {  	_ = 	snop;
	(pc) =	sbr.ind lr, $3  }
0x3a: {  	_ = 	snop  }
0x3b: {  	_ = 	snop  }
0x3c: {  	p2 =	seq.s32 s10, $0x1;
	s10 =	sld [smem:$0x3FBA]  }
0x3d: {  	_ =	shalt  }
0x3e: {  	_ =	shalt  }
0x3f: {  	_ =	shalt  }
0x40: {  	_ =	shalt  }
0x41: {  	_ =	shalt  }
0x42: {  	_ =	shalt  }
0x43: {  	_ =	shalt  }
0x44: {  	_ =	shalt  }
0x45: {  	_ =	shalt  }
0x46: {  	_ =	shalt  }
0x47: {  	_ =	shalt  }
0x48: {  	_ =	shalt  }
0x49: {  	_ =	shalt  }
0x4a: {  	_ =	shalt  }
0x4b: {  	_ =	shalt  }
0x4c: {  	_ =	shalt  }
0x4d: {  	_ =	shalt  }
0x4e: {  	_ =	shalt  }
0x4f: {  	_ =	shalt  }
0x50: {  	_ =	shalt  }
0x51: {  	_ =	shalt  }
0x52: {  	_ =	shalt  }
0x53: {  	_ =	shalt  }
0x54: {  	_ =	shalt  }
0x55: {  	_ =	shalt  }
0x56: {  	_ =	shalt  }
0x57: {  	_ =	shalt  }
0x58: {  	_ =	shalt  }
0x59: {  	_ =	shalt  }
0x5a: {  	_ =	shalt  }
0x5b: {  	_ =	shalt  }
0x5c: {  	_ =	shalt  }
0x5d: {  	_ =	shalt  }
0x5e: {  	_ =	shalt  }
0x5f: {  	_ =	shalt  }
0x60: {  	_ =	shalt  }
0x61: {  	_ =	shalt  }
0x62: {  	_ =	shalt  }
0x63: {  	_ =	shalt  }
0x64: {  	_ =	shalt  }
0x65: {  	_ =	shalt  }
0x66: {  	_ =	shalt  }
0x67: {  	_ =	shalt  }
0x68: {  	_ =	shalt  }
0x69: {  	_ =	shalt  }
0x6a: {  	_ =	shalt  }
0x6b: {  	_ =	shalt  }
0x6c: {  	_ =	shalt  }
0x6d: {  	_ =	shalt  }
0x6e: {  	_ =	shalt  }
0x6f: {  	_ =	shalt  }
0x70: {  	_ =	shalt  }
0x71: {  	_ =	shalt  }
0x72: {  	_ =	shalt  }
0x73: {  	_ =	shalt  }
0x74: {  	_ =	shalt  }
0x75: {  	_ =	shalt  }
0x76: {  	_ =	shalt  }
0x77: {  	_ =	shalt  }
0x78: {  	_ =	shalt  }
0x79: {  	_ =	shalt  }
0x7a: {  	_ =	shalt  }
0x7b: {  	_ =	shalt  }
0x7c: {  	_ =	shalt  }
0x7d: {  	_ =	shalt  }
0x7e: {  	_ =	shalt  }
0x7f: {  	_ =	shalt  }
0x80: {  	_ =	shalt  }
0x81: {  	_ =	shalt  }
0x82: {  	_ =	shalt  }
0x83: {  	_ =	shalt  }
0x84: {  	_ =	shalt  }
0x85: {  	_ =	shalt  }
0x86: {  	_ =	shalt  }
0x87: {  	_ =	shalt  }
.Lfunc_end0:
.L_simem_size_0:
called_computation_lowered:
.L_overlay_start_0:
0x88: {  	s2 =	sld [smem:$0x3FD9]  }
0x89: {  	s3 =	sld [smem:$0x3FFE];
	_ =	sdelay $0x1  }
0x8a: {  	s1 =	srdreg.scid  }
0x8b: {  	s0 =	sand.u32 $0x1, s1  }
0x8c: {  	s17 =	sshll.u32 s0, $0xA;
	s2 =	sadd.s32 s3, s2  }
0x8d: {  	s2 =	sadd.s32 s2, s17  }
0x8e: {  	[smem:$0x3FC6] =	sst s2  }
0x8f: {  	_ = 	snop  }
0x90: {  	s2 =	sld [smem:$0x3FC9]  }
0x91: {  	s18 =	sld [smem:$0x3FD0];
	(tm) =	ssettm $0x1  }
0x92: {  	s4 =	sld [smem:$0x3FFB];
	_ =	sdelay $0x3  }
0x93: {  	_ =	strace s4  }
0x94: {  	s4 =	sld [smem:$0x3FFC];
	_ =	sdelay $0x3  }
0x95: {  	_ =	strace s4  }
0x96: {  	s4 =	sld [smem:$0x3FFD];
	_ =	sdelay $0x3  }
0x97: {  	_ =	strace s4  }
0x98: {  	_ =	strace $0x8FFFFFFF  }
0x99: {  	s19 =	sld [smem:$0x3FDB];
	_ =	sdelay $0x1  }
0x9a: {  	s5 =	simm.s32 $_scs_section_size  }
0x9b: {  	s6 =	simm.s32 $_size__tile_overlayer_lowered;
	s7 =	simm.s32 $_tile_overlayer_lowered  }
0x9c: {  	s22 =	simm.s32 $0x1BFF;
	s21 =	sshll.u32 s7, $0x1;
	s4 =	sadd.s32 s5, s19  }
0x9d: {  	s8 =	simm.s32 $0x0;
	s20 =	sshll.u32 s6, $0x1;
	s6 =	sadd.s32 s21, s4  }
0x9e: {  	[timem:s8], [sflag:s22] =	dma.local [hbm:s6], s20  }
0x9f: {  	_ =	swait.ge [sflag:s22], s20  }
0xa0: {  	s5 =	ssub.s32 $0x0, s20;
	[sflag:s22] =	ssyncset.done $0x0  }
0xa1: {  	[sflag:s22] =	ssyncadd.s32 s5;
	_ =	sdelay $0x1  }
0xa2: {  	s23 =	simm.s32 $0x1B8B  }
0xa3: {  	_ =	swait.ge [sflag:s23], $0x1  }
0xa4: {  	[sflag:s23] =	ssyncset.done $0x0  }
0xa5: {  	s25 =	simm.s32 $0x1B8E;
	s24 =	sld [smem:$0x3FFE];
	[sflag:s23] =	ssyncadd.s32 $0xFFFFFFFF  }
0xa6: {  	s26 =	simm.s32 $execute0_lowered;
	[smem:$0x3FD2] =	sst s25  }
0xa7: {  	s6 =	sshll.u32 s26, $0x1;
	_ =	strace $0x80000046;
	[dreg:$0x1] =	wrdreg $0xFFFFFFFF  }
0xa8: {  	s28 =	simm.s32 $_size_execute0_lowered;
	s4 =	sadd.s32 s4, s6;
	[dreg:$0x0] =	wrdreg $0x0  }
0xa9: {  	s6 =	sshll.u32 s28, $0x1;
	[dreg:$0x2] =	wrdreg s4  }
0xaa: {  	[dreg:$0x3] =	wrdreg s6  }
0xab: {  	[dreg:$0x4] =	wrdreg $0xC0  }
0xac: {  	_ =	task [dreg:s8], $0x5FFFF  }
0xad: {  	[dreg:$0x1] =	wrdreg $0xFFFFFFFF  }
0xae: {  	[dreg:$0x0] =	wrdreg $0x60  }
0xaf: {  	[dreg:$0x2] =	wrdreg s2  }
0xb0: {  	[dreg:$0x3] =	wrdreg s24  }
0xb1: {  	[dreg:$0x4] =	wrdreg s18  }
0xb2: {  	[dreg:$0x5] =	wrdreg $0xA0000  }
0xb3: {  	[dreg:$0x6] =	wrdreg $0x9  }
0xb4: {  	_ =	task.clear_ibuf [dreg:s8], $0x7FFFF;
	_ =	strace $0x90000046  }
0xb5: {  	s29 =	simm.s32 $0x9;
	_ =	strace $0x80000048  }
0xb6: {  	_ =	swait.ge [sflag:s29], $0x1  }
0xb7: {  	[sflag:s29] =	ssyncadd.s32 $0xFFFFFFFF  }
0xb8: {  	_ =	strace $0x90000048  }
0xb9: {  	_ =	sfence  }
0xba: {  	s30 =	sld [smem:$0x0];
	_ =	sdelay $0x2  }
0xbb: {  	s31 =	sshll.u32 s1, $0xD;
	s1 =	sshrl.u32 s1, $0x2  }
0xbc: {  	s3 =	sand.u32 $0x4000, s31;
	s1 =	sadd.s32 s1, s30  }
0xbd: {  	s0 =	sor.u32 s3, s0;
	s1 =	sshll.u32 s1, $0x11  }
0xbe: {  	s0 =	sor.u32 s1, s0  }
0xbf: {  	s0 =	sadd.s32 $0x8F2B, s0  }
0xc0: {  	[sflag:s0] =	ssyncadd.remote.s32 $0x1  }
0xc1: {  	_ =	sfence.sel $0xFFFF  }
0xc2: {  	[dreg:$0x0] =	wrdreg $0xFFFFFFFF;
	(pc) =	sbr.abs _section_cstart, $3  }
0xc3: {  	[dreg:$0x1] =	wrdreg $0xFFFFFFFF  }
0xc4: {  	_ =	task.clear_ibuf [dreg:s8], $0x2FFFF;
	_ =	strace $0x9FFFFFFF  }
0xc5: {  	(tm) =	ssettm $0x7FFFFFFF  }
tec
execute0_lowered:
.L_overlay_start_1:
0x0: {  	(tag) =	ssettag $0x1  }
0x1: {  	s0 =	rddreg [dreg:$0x0]  }
0x2: {  	s1 =	srdreg.scid;
	s2 =	rddreg [dreg:$0x1]  }
0x3: {  	s5 =	rddreg [dreg:$0x2];
	s12 =	stileid.u32  }
0x4: {  	s3 =	rddreg [dreg:$0x3];
	s28 =	simm.s32 $0x1800;
	s29 =	simm.s32 $0x2000  }
0x5: {  	s30 =	simm.s32 $0x5;
	s1 =	sand.u32 $0x1, s1;
	s8 =	smul.u32 $0x2800, s12  }
0x6: {  	s31 =	simm.s32 $0x3;
	s9 =	smul.u32 $0x50000, s12;
	s4 =	sshll.u32 s1, $0x4  }
0x7: {  	s7 =	ssub.s32 $0x2, s1;
	p3 =	seq.s32 s1, $0x1;
	s6 =	sor.u32 s12, s4  }
0x8: {  	s4 =	simm.s32 $0x0;
	s10 =	sshrl.u32 s7, $0x1;
	s11 =	sadd.s32 s8, s2  }
0x9: {  	s22 =	sshrl.u32 s9, $0x2;
	s6 =	smul.u32 $0x2800, s6;
	[smem:$0x7FF] =	sst s4  }
0xa: {  	s10 =	ssub.s32 s7, s10;
	s7 =	sadd.s32 s22, s3;
	s22 =	sadd.s32 s5, s8  }
0xb: {  	_ =	strace $0x80000047;
	s13 =	sadd.s32 $0x4000, s7;
	[dreg:$0x13] =	wrdreg s22  }
0xc: {  	p1 =	seq.s32 @p3 s12, $0xF;
	s14 =	sadd.s32 $0x8000, s7;
	[dreg:$0x9] =	wrdreg s13  }
0xd: {  	s15 =	sadd.s32 $0xC000, s7;
	s6 =	sshrl.u32 s6, $0x3;
	[dreg:$0xa] =	wrdreg s14  }
0xe: {  	s16 =	sadd.s32 $0x10000, s7;
	[dreg:$0xb] =	wrdreg s15;
	s6 =	sadd.s32 s6, s2  }
0xf: {  	p4 =	seq.s32 @!p3 s12, $0xF;
	[dreg:$0xc] =	wrdreg s16;
	s23 =	sadd.s32 $0xE00, s6  }
0x10: {  	s9 =	simm.s32 $0x1000;
	s24 =	sadd.s32 $0xAE00, s6;
	[dreg:$0x5] =	wrdreg s23  }
0x11: {  	p0 =	por !p1, !p3;
	s25 =	sadd.s32 $0xF00, s6;
	[dreg:$0x6] =	wrdreg s24  }
0x12: {  	p1 =	por p1, !p3;
	s26 =	sadd.s32 $0xAF00, s6;
	[dreg:$0x7] =	wrdreg s25  }
0x13: {  	p2 =	por !p4, p3;
	s17 =	sadd.s32 $0x1000, s6;
	[dreg:$0x8] =	wrdreg s26  }
0x14: {  	p3 =	por p4, p3;
	s18 =	sadd.s32 $0xB000, s6;
	[dreg:$0xd] =	wrdreg s17  }
0x15: {  	s8 =	simm.s32 $0x6;
	s19 =	sadd.s32 $0x1100, s6;
	[dreg:$0xe] =	wrdreg s18  }
0x16: {  	s22 =	simm.s32 $0x1B00;
	s20 =	sadd.s32 $0xB100, s6;
	[dreg:$0xf] =	wrdreg s19  }
0x17: {  	s13 =	simm.s32 $0x1180;
	s21 =	sadd.s32 $0x1200, s6;
	[dreg:$0x10] =	wrdreg s20  }
0x18: {  	s14 =	simm.s32 $0x1900;
	s6 =	sadd.s32 $0xB200, s6;
	[dreg:$0x11] =	wrdreg s21  }
0x19: {  	s15 =	simm.s32 $0x1200;
	s16 =	simm.s32 $0x1980;
	[dreg:$0x12] =	wrdreg s6  }
0x1a: {  	s23 =	sadd.s32 $0x25800, s5;
	s24 =	sadd.s32 $0x14E00, s11;
	s25 =	sadd.s32 $0x3A600, s2  }
0x1b: {  	s26 =	smax.u32 s10, $0x1;
	s2 =	simm.s32 $0x80;
	s5 =	simm.s32 $0x6000  }
0x1c: {  	s6 =	simm.s32 $0x1;
	s10 =	simm.s32 $0x2;
	[dreg:$0x14] =	wrdreg s23  }
0x1d: {  	s17 =	simm.s32 $0x1280;
	s18 =	simm.s32 $0x1A00;
	[dreg:$0x15] =	wrdreg s24  }
0x1e: {  	s19 =	simm.s32 $0x1300;
	s20 =	simm.s32 $0x1A80;
	[dreg:$0x16] =	wrdreg s25  }
0x1f: {  	s21 =	simm.s32 $0x1380;
	[dreg:$0x17] =	wrdreg s26;
	s25 =	simm.s32 $0x800  }
0x20: {  	v0 =	vimm.f32 $0.0e+00;
	s23 =	simm.s32 $0x4;
	s24 =	simm.s32 $0x0;
	s26 =	simm.s32 $0x1400  }
.LBB2_1:
0x21: {  	s1 =	rddreg [dreg:$0x5]  }
0x22: {  	[tilespmem:s4], [sflag:$0x3] =	stream.linear.gather [hbm4b:s1+s4], $0x800, $0x38;
	[tilespmem:$0x1E000] =	vst v63  }
0x23: {  	s12 =	rddreg [dreg:$0x6]  }
0x24: {  	[tilespmem:s25], [sflag:$0x3] =	stream.linear.gather [hbm4b:s12+s4], $0x800, $0x38;
	[tilespmem:$0x1E000] =	vst v63  }
0x25: {  	s11 =	rddreg [dreg:$0x7]  }
0x26: {  	[tilespmem:s9], [sflag:$0x4] =	stream.linear.gather [hbm4b:s11+s4], $0x800, $0x38;
	[tilespmem:$0x1E000] =	vst v63  }
0x27: {  	s1 =	simm.s32 $0x0;
	s12 =	rddreg [dreg:$0x8];
	s9 =	simm.s32 $0x200  }
0x28: {  	[tilespmem:s28], [sflag:$0x4] =	stream.linear.gather [hbm4b:s12+s4], $0x800, $0x38;
	[tilespmem:$0x1E000] =	vst v63  }
.LBB2_2:
0x29: {  	p4 =	sne.s32 s9, $0xFE00;
	[tilespmem:s1+$0x2070] =	vst v0  }
0x2a: {  	[tilespmem:s1+$0x2000] =	vst v0  }
0x2b: {  	[tilespmem:s1+$0x2010] =	vst v0  }
.Ltmp0:
0x2c: {  	[tilespmem:s1+$0x2020] =	vst v0;
	(pc) =	sbr.rel @p4 .LBB2_2-.Ltmp0, $4  }
0x2d: {  	[tilespmem:s1+$0x2030] =	vst v0  }
0x2e: {  	[tilespmem:s1+$0x2040] =	vst v0  }
0x2f: {  	[tilespmem:s1+$0x2050] =	vst v0  }
0x30: {  	[tilespmem:s1+$0x2060] =	vst v0;
	s1 =	sshra.s32 s9, $0x2;
	s9 =	sadd.s32 $0x200, s9  }
0x31: {  	[tilespmem:s1+$0x2070] =	vst v0  }
0x32: {  	[tilespmem:s1+$0x2000] =	vst v0  }
0x33: {  	[tilespmem:s1+$0x2010] =	vst v0  }
0x34: {  	[tilespmem:s1+$0x2020] =	vst v0  }
0x35: {  	[tilespmem:s1+$0x2030] =	vst v0  }
0x36: {  	[tilespmem:s1+$0x2040] =	vst v0  }
0x37: {  	[tilespmem:s1+$0x2050] =	vst v0  }
0x38: {  	[tilespmem:s1+$0x2060] =	vst v0  }
0x39: {  	[spmem:s7] =	stream.linear.scatter [tilespmem:s29], [sflag:$0x5], $0x4000, $0x38;
	[tilespmem:$0x1E000] =	vst v63  }
0x3a: {  	s9 =	rddreg [dreg:$0x9]  }
0x3b: {  	[spmem:s9] =	stream.linear.scatter [tilespmem:s29], [sflag:$0x5], $0x4000, $0x38;
	[tilespmem:$0x1E000] =	vst v63  }
0x3c: {  	s11 =	rddreg [dreg:$0xa]  }
0x3d: {  	[spmem:s11] =	stream.linear.scatter [tilespmem:s29], [sflag:$0x5], $0x4000, $0x38;
	[tilespmem:$0x1E000] =	vst v63  }
0x3e: {  	s12 =	rddreg [dreg:$0xb]  }
0x3f: {  	[spmem:s12] =	stream.linear.scatter [tilespmem:s29], [sflag:$0x5], $0x4000, $0x38;
	[tilespmem:$0x1E000] =	vst v63  }
0x40: {  	s9 =	rddreg [dreg:$0xc]  }
0x41: {  	[spmem:s9] =	stream.linear.scatter [tilespmem:s29], [sflag:$0x5], $0x4000, $0x38;
	[tilespmem:$0x1E000] =	vst v63  }
0x42: {  	_ =	swait.ge [sflag:s30], $0x4000  }
0x43: {  	[sflag:s30] =	ssyncset.done $0x0  }
0x44: {  	[sflag:s30] =	ssyncadd.s32 $0xFFFFC000  }
0x45: {  	_ =	swait.ge [sflag:s30], $0x4000  }
0x46: {  	[sflag:s30] =	ssyncset.done $0x0  }
0x47: {  	[sflag:s30] =	ssyncadd.s32 $0xFFFFC000  }
0x48: {  	_ =	swait.ge [sflag:s30], $0x4000  }
0x49: {  	[sflag:s30] =	ssyncset.done $0x0  }
0x4a: {  	[sflag:s30] =	ssyncadd.s32 $0xFFFFC000  }
0x4b: {  	_ =	swait.ge [sflag:s30], $0x4000  }
0x4c: {  	[sflag:s30] =	ssyncset.done $0x0  }
0x4d: {  	[sflag:s30] =	ssyncadd.s32 $0xFFFFC000  }
0x4e: {  	_ =	swait.ge [sflag:s30], $0x4000  }
0x4f: {  	[sflag:s30] =	ssyncset.done $0x0  }
0x50: {  	[sflag:s30] =	ssyncadd.s32 $0xFFFFC000  }
0x51: {  	[bflag:$0x0] =	sbarrier.arrive $0xFFFF  }
0x52: {  	_ =	swait.ge [sflag:s31], $0x800  }
0x53: {  	[sflag:s31] =	ssyncset.done $0x0  }
0x54: {  	[sflag:s31] =	ssyncadd.s32 $0xFFFFF800  }
0x55: {  	_ =	swait.ge [sflag:s31], $0x800  }
0x56: {  	[sflag:s31] =	ssyncset.done $0x0  }
0x57: {  	[sflag:s31] =	ssyncadd.s32 $0xFFFFF800  }
0x58: {  	[tilespmem:s29], [sflag:$0x1] =	stream.indirect.gather [hbm4b:s0+s2], $0x80, s4, s2, $0xb8;
	[tilespmem:$0x1E000] =	vst v63  }
0x59: {  	_ = 	snop  }
0x5a: {  	[tilespmem:s5], [sflag:$0x2] =	stream.indirect.gather [hbm4b:s0+s2], $0x80, s2, s2, $0xb8;
	[tilespmem:$0x1E000] =	vst v63  }
0x5b: {  	_ =	swait.ge [sflag:s6], $0x4000  }
0x5c: {  	[sflag:s6] =	ssyncset.done $0x0  }
0x5d: {  	[sflag:s6] =	ssyncadd.s32 $0xFFFFC000  }
0x5e: {  	[spmem:s3] =	stream.indirect.scatter.add.f32 [tilespmem:s29], [sflag:$0x6], $0x80, s25, s2, $0xb8;
	[tilespmem:$0x1E000] =	vst v63  }
0x5f: {  	_ =	swait.ge [sflag:s8], $0x4000  }
0x60: {  	[sflag:s8] =	ssyncset.done $0x0  }
0x61: {  	s11 =	simm.s32 $0x100;
	[sflag:s8] =	ssyncadd.s32 $0xFFFFC000  }
0x62: {  	[tilespmem:s29], [sflag:$0x1] =	stream.indirect.gather [hbm4b:s0+s2], $0x80, s11, s2, $0xb8;
	[tilespmem:$0x1E000] =	vst v63  }
0x63: {  	_ =	swait.ge [sflag:s10], $0x4000  }
0x64: {  	[sflag:s10] =	ssyncset.done $0x0  }
0x65: {  	s12 =	simm.s32 $0x880;
	[sflag:s10] =	ssyncadd.s32 $0xFFFFC000  }
0x66: {  	[spmem:s3] =	stream.indirect.scatter.add.f32 [tilespmem:s5], [sflag:$0x6], $0x80, s12, s2, $0xb8;
	[tilespmem:$0x1E000] =	vst v63  }
0x67: {  	_ =	swait.ge [sflag:s8], $0x4000  }
0x68: {  	[sflag:s8] =	ssyncset.done $0x0  }
0x69: {  	s9 =	simm.s32 $0x180;
	[sflag:s8] =	ssyncadd.s32 $0xFFFFC000  }
0x6a: {  	[tilespmem:s5], [sflag:$0x2] =	stream.indirect.gather [hbm4b:s0+s2], $0x80, s9, s2, $0xb8;
	[tilespmem:$0x1E000] =	vst v63  }
0x6b: {  	_ =	swait.ge [sflag:s6], $0x4000  }
0x6c: {  	[sflag:s6] =	ssyncset.done $0x0  }
0x6d: {  	s11 =	simm.s32 $0x900;
	[sflag:s6] =	ssyncadd.s32 $0xFFFFC000  }
0x6e: {  	[spmem:s3] =	stream.indirect.scatter.add.f32 [tilespmem:s29], [sflag:$0x6], $0x80, s11, s2, $0xb8;
	[tilespmem:$0x1E000] =	vst v63  }
0x6f: {  	_ =	swait.ge [sflag:s8], $0x4000  }
0x70: {  	[sflag:s8] =	ssyncset.done $0x0  }
0x71: {  	s12 =	simm.s32 $0x200;
	[sflag:s8] =	ssyncadd.s32 $0xFFFFC000  }
0x72: {  	[tilespmem:s29], [sflag:$0x1] =	stream.indirect.gather [hbm4b:s0+s2], $0x80, s12, s2, $0xb8;
	[tilespmem:$0x1E000] =	vst v63  }
0x73: {  	_ =	swait.ge [sflag:s10], $0x4000  }
0x74: {  	[sflag:s10] =	ssyncset.done $0x0  }
0x75: {  	s9 =	simm.s32 $0x980;
	[sflag:s10] =	ssyncadd.s32 $0xFFFFC000  }
0x76: {  	[spmem:s3] =	stream.indirect.scatter.add.f32 [tilespmem:s5], [sflag:$0x6], $0x80, s9, s2, $0xb8;
	[tilespmem:$0x1E000] =	vst v63  }
0x77: {  	_ =	swait.ge [sflag:s8], $0x4000  }
0x78: {  	[sflag:s8] =	ssyncset.done $0x0  }
0x79: {  	s11 =	simm.s32 $0x280;
	[sflag:s8] =	ssyncadd.s32 $0xFFFFC000  }
0x7a: {  	[tilespmem:s5], [sflag:$0x2] =	stream.indirect.gather [hbm4b:s0+s2], $0x80, s11, s2, $0xb8;
	[tilespmem:$0x1E000] =	vst v63  }
0x7b: {  	_ =	swait.ge [sflag:s6], $0x4000  }
0x7c: {  	[sflag:s6] =	ssyncset.done $0x0  }
0x7d: {  	s12 =	simm.s32 $0xA00;
	[sflag:s6] =	ssyncadd.s32 $0xFFFFC000  }
0x7e: {  	[spmem:s3] =	stream.indirect.scatter.add.f32 [tilespmem:s29], [sflag:$0x6], $0x80, s12, s2, $0xb8;
	[tilespmem:$0x1E000] =	vst v63  }
0x7f: {  	_ =	swait.ge [sflag:s8], $0x4000  }
0x80: {  	[sflag:s8] =	ssyncset.done $0x0  }
0x81: {  	s9 =	simm.s32 $0x300;
	[sflag:s8] =	ssyncadd.s32 $0xFFFFC000  }
0x82: {  	[tilespmem:s29], [sflag:$0x1] =	stream.indirect.gather [hbm4b:s0+s2], $0x80, s9, s2, $0xb8;
	[tilespmem:$0x1E000] =	vst v63  }
0x83: {  	_ =	swait.ge [sflag:s10], $0x4000  }
0x84: {  	[sflag:s10] =	ssyncset.done $0x0  }
0x85: {  	s11 =	simm.s32 $0xA80;
	[sflag:s10] =	ssyncadd.s32 $0xFFFFC000  }
0x86: {  	[spmem:s3] =	stream.indirect.scatter.add.f32 [tilespmem:s5], [sflag:$0x6], $0x80, s11, s2, $0xb8;
	[tilespmem:$0x1E000] =	vst v63  }
0x87: {  	_ =	swait.ge [sflag:s8], $0x4000  }
0x88: {  	[sflag:s8] =	ssyncset.done $0x0  }
0x89: {  	s12 =	simm.s32 $0x380;
	[sflag:s8] =	ssyncadd.s32 $0xFFFFC000  }
0x8a: {  	[tilespmem:s5], [sflag:$0x2] =	stream.indirect.gather [hbm4b:s0+s2], $0x80, s12, s2, $0xb8;
	[tilespmem:$0x1E000] =	vst v63  }
0x8b: {  	_ =	swait.ge [sflag:s6], $0x4000  }
0x8c: {  	[sflag:s6] =	ssyncset.done $0x0  }
0x8d: {  	s9 =	simm.s32 $0xB00;
	[sflag:s6] =	ssyncadd.s32 $0xFFFFC000  }
0x8e: {  	[spmem:s3] =	stream.indirect.scatter.add.f32 [tilespmem:s29], [sflag:$0x6], $0x80, s9, s2, $0xb8;
	[tilespmem:$0x1E000] =	vst v63  }
0x8f: {  	_ =	swait.ge [sflag:s8], $0x4000  }
0x90: {  	[sflag:s8] =	ssyncset.done $0x0  }
0x91: {  	s11 =	simm.s32 $0x400;
	[sflag:s8] =	ssyncadd.s32 $0xFFFFC000  }
0x92: {  	[tilespmem:s29], [sflag:$0x1] =	stream.indirect.gather [hbm4b:s0+s2], $0x80, s11, s2, $0xb8;
	[tilespmem:$0x1E000] =	vst v63  }
0x93: {  	_ =	swait.ge [sflag:s10], $0x4000  }
0x94: {  	[sflag:s10] =	ssyncset.done $0x0  }
0x95: {  	s12 =	simm.s32 $0xB80;
	[sflag:s10] =	ssyncadd.s32 $0xFFFFC000  }
0x96: {  	[spmem:s3] =	stream.indirect.scatter.add.f32 [tilespmem:s5], [sflag:$0x6], $0x80, s12, s2, $0xb8;
	[tilespmem:$0x1E000] =	vst v63  }
0x97: {  	_ =	swait.ge [sflag:s8], $0x4000  }
0x98: {  	[sflag:s8] =	ssyncset.done $0x0  }
0x99: {  	s9 =	simm.s32 $0x480;
	[sflag:s8] =	ssyncadd.s32 $0xFFFFC000  }
0x9a: {  	[tilespmem:s5], [sflag:$0x2] =	stream.indirect.gather [hbm4b:s0+s2], $0x80, s9, s2, $0xb8;
	[tilespmem:$0x1E000] =	vst v63  }
0x9b: {  	_ =	swait.ge [sflag:s6], $0x4000  }
0x9c: {  	[sflag:s6] =	ssyncset.done $0x0  }
0x9d: {  	s11 =	simm.s32 $0xC00;
	[sflag:s6] =	ssyncadd.s32 $0xFFFFC000  }
0x9e: {  	[spmem:s3] =	stream.indirect.scatter.add.f32 [tilespmem:s29], [sflag:$0x6], $0x80, s11, s2, $0xb8;
	[tilespmem:$0x1E000] =	vst v63  }
0x9f: {  	_ =	swait.ge [sflag:s8], $0x4000  }
0xa0: {  	[sflag:s8] =	ssyncset.done $0x0  }
0xa1: {  	s12 =	simm.s32 $0x500;
	[sflag:s8] =	ssyncadd.s32 $0xFFFFC000  }
0xa2: {  	[tilespmem:s29], [sflag:$0x1] =	stream.indirect.gather [hbm4b:s0+s2], $0x80, s12, s2, $0xb8;
	[tilespmem:$0x1E000] =	vst v63  }
0xa3: {  	_ =	swait.ge [sflag:s10], $0x4000  }
0xa4: {  	[sflag:s10] =	ssyncset.done $0x0  }
0xa5: {  	s9 =	simm.s32 $0xC80;
	[sflag:s10] =	ssyncadd.s32 $0xFFFFC000  }
0xa6: {  	[spmem:s3] =	stream.indirect.scatter.add.f32 [tilespmem:s5], [sflag:$0x6], $0x80, s9, s2, $0xb8;
	[tilespmem:$0x1E000] =	vst v63  }
0xa7: {  	_ =	swait.ge [sflag:s8], $0x4000  }
0xa8: {  	[sflag:s8] =	ssyncset.done $0x0  }
0xa9: {  	s11 =	simm.s32 $0x580;
	[sflag:s8] =	ssyncadd.s32 $0xFFFFC000  }
0xaa: {  	[tilespmem:s5], [sflag:$0x2] =	stream.indirect.gather [hbm4b:s0+s2], $0x80, s11, s2, $0xb8;
	[tilespmem:$0x1E000] =	vst v63  }
0xab: {  	_ =	swait.ge [sflag:s6], $0x4000  }
0xac: {  	[sflag:s6] =	ssyncset.done $0x0  }
0xad: {  	s12 =	simm.s32 $0xD00;
	[sflag:s6] =	ssyncadd.s32 $0xFFFFC000  }
0xae: {  	[spmem:s3] =	stream.indirect.scatter.add.f32 [tilespmem:s29], [sflag:$0x6], $0x80, s12, s2, $0xb8;
	[tilespmem:$0x1E000] =	vst v63  }
0xaf: {  	_ =	swait.ge [sflag:s8], $0x4000  }
0xb0: {  	[sflag:s8] =	ssyncset.done $0x0  }
0xb1: {  	s9 =	simm.s32 $0x600;
	[sflag:s8] =	ssyncadd.s32 $0xFFFFC000  }
0xb2: {  	[tilespmem:s29], [sflag:$0x1] =	stream.indirect.gather [hbm4b:s0+s2], $0x80, s9, s2, $0xb8;
	[tilespmem:$0x1E000] =	vst v63  }
0xb3: {  	_ =	swait.ge [sflag:s10], $0x4000  }
0xb4: {  	[sflag:s10] =	ssyncset.done $0x0  }
0xb5: {  	s11 =	simm.s32 $0xD80;
	[sflag:s10] =	ssyncadd.s32 $0xFFFFC000  }
0xb6: {  	[spmem:s3] =	stream.indirect.scatter.add.f32 [tilespmem:s5], [sflag:$0x6], $0x80, s11, s2, $0xb8;
	[tilespmem:$0x1E000] =	vst v63  }
0xb7: {  	_ =	swait.ge [sflag:s8], $0x4000  }
0xb8: {  	[sflag:s8] =	ssyncset.done $0x0  }
0xb9: {  	s12 =	simm.s32 $0x680;
	[sflag:s8] =	ssyncadd.s32 $0xFFFFC000  }
0xba: {  	[tilespmem:s5], [sflag:$0x2] =	stream.indirect.gather [hbm4b:s0+s2], $0x80, s12, s2, $0xb8;
	[tilespmem:$0x1E000] =	vst v63  }
0xbb: {  	_ =	swait.ge [sflag:s6], $0x4000  }
0xbc: {  	[sflag:s6] =	ssyncset.done $0x0  }
0xbd: {  	s9 =	simm.s32 $0xE00;
	[sflag:s6] =	ssyncadd.s32 $0xFFFFC000  }
0xbe: {  	[spmem:s3] =	stream.indirect.scatter.add.f32 [tilespmem:s29], [sflag:$0x6], $0x80, s9, s2, $0xb8;
	[tilespmem:$0x1E000] =	vst v63  }
0xbf: {  	_ =	swait.ge [sflag:s8], $0x4000  }
0xc0: {  	[sflag:s8] =	ssyncset.done $0x0  }
0xc1: {  	s11 =	simm.s32 $0x700;
	[sflag:s8] =	ssyncadd.s32 $0xFFFFC000  }
0xc2: {  	[tilespmem:s29], [sflag:$0x1] =	stream.indirect.gather [hbm4b:s0+s2], $0x80, s11, s2, $0xb8;
	[tilespmem:$0x1E000] =	vst v63  }
0xc3: {  	_ =	swait.ge [sflag:s10], $0x4000  }
0xc4: {  	[sflag:s10] =	ssyncset.done $0x0  }
0xc5: {  	s12 =	simm.s32 $0xE80;
	[sflag:s10] =	ssyncadd.s32 $0xFFFFC000  }
0xc6: {  	[spmem:s3] =	stream.indirect.scatter.add.f32 [tilespmem:s5], [sflag:$0x6], $0x80, s12, s2, $0xb8;
	[tilespmem:$0x1E000] =	vst v63  }
0xc7: {  	_ =	swait.ge [sflag:s8], $0x4000  }
0xc8: {  	[sflag:s8] =	ssyncset.done $0x0  }
0xc9: {  	s9 =	simm.s32 $0x780;
	[sflag:s8] =	ssyncadd.s32 $0xFFFFC000  }
0xca: {  	[tilespmem:s5], [sflag:$0x2] =	stream.indirect.gather [hbm4b:s0+s2], $0x80, s9, s2, $0xb8;
	[tilespmem:$0x1E000] =	vst v63  }
0xcb: {  	_ =	swait.ge [sflag:s6], $0x4000  }
0xcc: {  	[sflag:s6] =	ssyncset.done $0x0  }
0xcd: {  	s11 =	simm.s32 $0xF00;
	[sflag:s6] =	ssyncadd.s32 $0xFFFFC000  }
0xce: {  	[spmem:s3] =	stream.indirect.scatter.add.f32 [tilespmem:s29], [sflag:$0x6], $0x80, s11, s2, $0xb8;
	[tilespmem:$0x1E000] =	vst v63  }
0xcf: {  	_ =	swait.ge [sflag:s8], $0x4000  }
0xd0: {  	[sflag:s8] =	ssyncset.done $0x0  }
0xd1: {  	[sflag:s8] =	ssyncadd.s32 $0xFFFFC000  }
0xd2: {  	_ =	swait.ge [sflag:s10], $0x4000  }
0xd3: {  	[sflag:s10] =	ssyncset.done $0x0  }
0xd4: {  	s12 =	simm.s32 $0xF80;
	[sflag:s10] =	ssyncadd.s32 $0xFFFFC000  }
0xd5: {  	[spmem:s3] =	stream.indirect.scatter.add.f32 [tilespmem:s5], [sflag:$0x6], $0x80, s12, s2, $0xb8;
	[tilespmem:$0x1E000] =	vst v63  }
0xd6: {  	_ =	swait.ge [sflag:s8], $0x4000  }
0xd7: {  	[sflag:s8] =	ssyncset.done $0x0  }
0xd8: {  	s9 =	rddreg [dreg:$0xd];
	[sflag:s8] =	ssyncadd.s32 $0xFFFFC000  }
0xd9: {  	[tilespmem:s4], [sflag:$0x3] =	stream.linear.gather [hbm4b:s9+s4], $0x800, $0x38;
	[tilespmem:$0x1E000] =	vst v63  }
0xda: {  	s11 =	rddreg [dreg:$0xe]  }
0xdb: {  	[tilespmem:s25], [sflag:$0x3] =	stream.linear.gather [hbm4b:s11+s4], $0x800, $0x38;
	[tilespmem:$0x1E000] =	vst v63  }
0xdc: {  	_ =	swait.ge [sflag:s23], $0x800  }
0xdd: {  	[sflag:s23] =	ssyncset.done $0x0  }
0xde: {  	[sflag:s23] =	ssyncadd.s32 $0xFFFFF800  }
0xdf: {  	_ =	swait.ge [sflag:s23], $0x800  }
0xe0: {  	[sflag:s23] =	ssyncset.done $0x0  }
0xe1: {  	s28 =	simm.s32 $0x1000;
	[sflag:s23] =	ssyncadd.s32 $0xFFFFF800  }
0xe2: {  	[tilespmem:s29], [sflag:$0x1] =	stream.indirect.gather [hbm4b:s0+s2], $0x80, s28, s2, $0xb8;
	[tilespmem:$0x1E000] =	vst v63  }
0xe3: {  	s9 =	simm.s32 $0x1080  }
0xe4: {  	[tilespmem:s5], [sflag:$0x2] =	stream.indirect.gather [hbm4b:s0+s2], $0x80, s9, s2, $0xb8;
	[tilespmem:$0x1E000] =	vst v63  }
0xe5: {  	_ =	swait.ge [sflag:s6], $0x4000  }
0xe6: {  	[sflag:s6] =	ssyncset.done $0x0  }
0xe7: {  	s25 =	simm.s32 $0x1800;
	[sflag:s6] =	ssyncadd.s32 $0xFFFFC000  }
0xe8: {  	[spmem:s3] =	stream.indirect.scatter.add.f32 [tilespmem:s29], [sflag:$0x6], $0x80, s25, s2, $0xb8;
	[tilespmem:$0x1E000] =	vst v63  }
0xe9: {  	_ =	swait.ge [sflag:s8], $0x4000  }
0xea: {  	[sflag:s8] =	ssyncset.done $0x0  }
0xeb: {  	s11 =	simm.s32 $0x1100;
	[sflag:s8] =	ssyncadd.s32 $0xFFFFC000  }
0xec: {  	[tilespmem:s29], [sflag:$0x1] =	stream.indirect.gather [hbm4b:s0+s2], $0x80, s11, s2, $0xb8;
	[tilespmem:$0x1E000] =	vst v63  }
0xed: {  	_ =	swait.ge [sflag:s10], $0x4000  }
0xee: {  	[sflag:s10] =	ssyncset.done $0x0  }
0xef: {  	s12 =	simm.s32 $0x1880;
	[sflag:s10] =	ssyncadd.s32 $0xFFFFC000  }
0xf0: {  	[spmem:s3] =	stream.indirect.scatter.add.f32 [tilespmem:s5], [sflag:$0x6], $0x80, s12, s2, $0xb8;
	[tilespmem:$0x1E000] =	vst v63  }
0xf1: {  	_ =	swait.ge [sflag:s8], $0x4000  }
0xf2: {  	[sflag:s8] =	ssyncset.done $0x0  }
0xf3: {  	[sflag:s8] =	ssyncadd.s32 $0xFFFFC000  }
0xf4: {  	[tilespmem:s5], [sflag:$0x2] =	stream.indirect.gather [hbm4b:s0+s2], $0x80, s13, s2, $0xb8;
	[tilespmem:$0x1E000] =	vst v63  }
0xf5: {  	_ =	swait.ge [sflag:s6], $0x4000  }
0xf6: {  	[sflag:s6] =	ssyncset.done $0x0  }
0xf7: {  	[sflag:s6] =	ssyncadd.s32 $0xFFFFC000  }
0xf8: {  	[spmem:s3] =	stream.indirect.scatter.add.f32 [tilespmem:s29], [sflag:$0x6], $0x80, s14, s2, $0xb8;
	[tilespmem:$0x1E000] =	vst v63  }
0xf9: {  	_ =	swait.ge [sflag:s8], $0x4000  }
0xfa: {  	[sflag:s8] =	ssyncset.done $0x0  }
0xfb: {  	[sflag:s8] =	ssyncadd.s32 $0xFFFFC000  }
0xfc: {  	[tilespmem:s29], [sflag:$0x1] =	stream.indirect.gather [hbm4b:s0+s2], $0x80, s15, s2, $0xb8;
	[tilespmem:$0x1E000] =	vst v63  }
0xfd: {  	_ =	swait.ge [sflag:s10], $0x4000  }
0xfe: {  	[sflag:s10] =	ssyncset.done $0x0  }
0xff: {  	[sflag:s10] =	ssyncadd.s32 $0xFFFFC000  }
0x100: {  	[spmem:s3] =	stream.indirect.scatter.add.f32 [tilespmem:s5], [sflag:$0x6], $0x80, s16, s2, $0xb8;
	[tilespmem:$0x1E000] =	vst v63  }
0x101: {  	_ =	swait.ge [sflag:s8], $0x4000  }
0x102: {  	[sflag:s8] =	ssyncset.done $0x0  }
0x103: {  	[sflag:s8] =	ssyncadd.s32 $0xFFFFC000  }
0x104: {  	[tilespmem:s5], [sflag:$0x2] =	stream.indirect.gather [hbm4b:s0+s2], $0x80, s17, s2, $0xb8;
	[tilespmem:$0x1E000] =	vst v63  }
0x105: {  	_ =	swait.ge [sflag:s6], $0x4000  }
0x106: {  	[sflag:s6] =	ssyncset.done $0x0  }
0x107: {  	[sflag:s6] =	ssyncadd.s32 $0xFFFFC000  }
0x108: {  	[spmem:s3] =	stream.indirect.scatter.add.f32 [tilespmem:s29], [sflag:$0x6], $0x80, s18, s2, $0xb8;
	[tilespmem:$0x1E000] =	vst v63  }
0x109: {  	_ =	swait.ge [sflag:s8], $0x4000  }
0x10a: {  	[sflag:s8] =	ssyncset.done $0x0  }
0x10b: {  	[sflag:s8] =	ssyncadd.s32 $0xFFFFC000  }
0x10c: {  	[tilespmem:s29], [sflag:$0x1] =	stream.indirect.gather [hbm4b:s0+s2], $0x80, s19, s2, $0xb8;
	[tilespmem:$0x1E000] =	vst v63  }
0x10d: {  	_ =	swait.ge [sflag:s10], $0x4000  }
0x10e: {  	[sflag:s10] =	ssyncset.done $0x0  }
0x10f: {  	[sflag:s10] =	ssyncadd.s32 $0xFFFFC000  }
0x110: {  	[spmem:s3] =	stream.indirect.scatter.add.f32 [tilespmem:s5], [sflag:$0x6], $0x80, s20, s2, $0xb8;
	[tilespmem:$0x1E000] =	vst v63  }
0x111: {  	_ =	swait.ge [sflag:s8], $0x4000  }
0x112: {  	[sflag:s8] =	ssyncset.done $0x0  }
0x113: {  	[sflag:s8] =	ssyncadd.s32 $0xFFFFC000  }
0x114: {  	[tilespmem:s5], [sflag:$0x2] =	stream.indirect.gather [hbm4b:s0+s2], $0x80, s21, s2, $0xb8;
	[tilespmem:$0x1E000] =	vst v63  }
0x115: {  	_ =	swait.ge [sflag:s6], $0x4000  }
0x116: {  	[sflag:s6] =	ssyncset.done $0x0  }
0x117: {  	[sflag:s6] =	ssyncadd.s32 $0xFFFFC000  }
0x118: {  	[spmem:s3] =	stream.indirect.scatter.add.f32 [tilespmem:s29], [sflag:$0x6], $0x80, s22, s2, $0xb8;
	[tilespmem:$0x1E000] =	vst v63  }
0x119: {  	_ =	swait.ge [sflag:s8], $0x4000  }
0x11a: {  	[sflag:s8] =	ssyncset.done $0x0  }
0x11b: {  	[sflag:s8] =	ssyncadd.s32 $0xFFFFC000  }
0x11c: {  	[tilespmem:s29], [sflag:$0x1] =	stream.indirect.gather [hbm4b:s0+s2], $0x80, s26, s2, $0xb8;
	[tilespmem:$0x1E000] =	vst v63  }
0x11d: {  	_ =	swait.ge [sflag:s10], $0x4000  }
0x11e: {  	[sflag:s10] =	ssyncset.done $0x0  }
0x11f: {  	s1 =	simm.s32 $0x1B80;
	[sflag:s10] =	ssyncadd.s32 $0xFFFFC000  }
0x120: {  	[spmem:s3] =	stream.indirect.scatter.add.f32 [tilespmem:s5], [sflag:$0x6], $0x80, s1, s2, $0xb8;
	[tilespmem:$0x1E000] =	vst v63  }
0x121: {  	_ =	swait.ge [sflag:s8], $0x4000  }
0x122: {  	[sflag:s8] =	ssyncset.done $0x0  }
0x123: {  	s1 =	simm.s32 $0x1480;
	[sflag:s8] =	ssyncadd.s32 $0xFFFFC000  }
0x124: {  	[tilespmem:s5], [sflag:$0x2] =	stream.indirect.gather [hbm4b:s0+s2], $0x80, s1, s2, $0xb8;
	[tilespmem:$0x1E000] =	vst v63  }
0x125: {  	_ =	swait.ge [sflag:s6], $0x4000  }
0x126: {  	[sflag:s6] =	ssyncset.done $0x0  }
0x127: {  	s1 =	simm.s32 $0x1C00;
	[sflag:s6] =	ssyncadd.s32 $0xFFFFC000  }
0x128: {  	[spmem:s3] =	stream.indirect.scatter.add.f32 [tilespmem:s29], [sflag:$0x6], $0x80, s1, s2, $0xb8;
	[tilespmem:$0x1E000] =	vst v63  }
0x129: {  	_ =	swait.ge [sflag:s8], $0x4000  }
0x12a: {  	[sflag:s8] =	ssyncset.done $0x0  }
0x12b: {  	s1 =	simm.s32 $0x1500;
	[sflag:s8] =	ssyncadd.s32 $0xFFFFC000  }
0x12c: {  	[tilespmem:s29], [sflag:$0x1] =	stream.indirect.gather [hbm4b:s0+s2], $0x80, s1, s2, $0xb8;
	[tilespmem:$0x1E000] =	vst v63  }
0x12d: {  	_ =	swait.ge [sflag:s10], $0x4000  }
0x12e: {  	[sflag:s10] =	ssyncset.done $0x0  }
0x12f: {  	s1 =	simm.s32 $0x1C80;
	[sflag:s10] =	ssyncadd.s32 $0xFFFFC000  }
0x130: {  	[spmem:s3] =	stream.indirect.scatter.add.f32 [tilespmem:s5], [sflag:$0x6], $0x80, s1, s2, $0xb8;
	[tilespmem:$0x1E000] =	vst v63  }
0x131: {  	_ =	swait.ge [sflag:s8], $0x4000  }
0x132: {  	[sflag:s8] =	ssyncset.done $0x0  }
0x133: {  	s1 =	simm.s32 $0x1580;
	[sflag:s8] =	ssyncadd.s32 $0xFFFFC000  }
0x134: {  	[tilespmem:s5], [sflag:$0x2] =	stream.indirect.gather [hbm4b:s0+s2], $0x80, s1, s2, $0xb8;
	[tilespmem:$0x1E000] =	vst v63  }
0x135: {  	_ =	swait.ge [sflag:s6], $0x4000  }
0x136: {  	[sflag:s6] =	ssyncset.done $0x0  }
0x137: {  	s1 =	simm.s32 $0x1D00;
	[sflag:s6] =	ssyncadd.s32 $0xFFFFC000  }
0x138: {  	[spmem:s3] =	stream.indirect.scatter.add.f32 [tilespmem:s29], [sflag:$0x6], $0x80, s1, s2, $0xb8;
	[tilespmem:$0x1E000] =	vst v63  }
0x139: {  	_ =	swait.ge [sflag:s8], $0x4000  }
0x13a: {  	[sflag:s8] =	ssyncset.done $0x0  }
0x13b: {  	s1 =	simm.s32 $0x1600;
	[sflag:s8] =	ssyncadd.s32 $0xFFFFC000  }
0x13c: {  	[tilespmem:s29], [sflag:$0x1] =	stream.indirect.gather [hbm4b:s0+s2], $0x80, s1, s2, $0xb8;
	[tilespmem:$0x1E000] =	vst v63  }
0x13d: {  	_ =	swait.ge [sflag:s10], $0x4000  }
0x13e: {  	[sflag:s10] =	ssyncset.done $0x0  }
0x13f: {  	s1 =	simm.s32 $0x1D80;
	[sflag:s10] =	ssyncadd.s32 $0xFFFFC000  }
0x140: {  	[spmem:s3] =	stream.indirect.scatter.add.f32 [tilespmem:s5], [sflag:$0x6], $0x80, s1, s2, $0xb8;
	[tilespmem:$0x1E000] =	vst v63  }
0x141: {  	_ =	swait.ge [sflag:s8], $0x4000  }
0x142: {  	[sflag:s8] =	ssyncset.done $0x0  }
0x143: {  	s1 =	simm.s32 $0x1680;
	[sflag:s8] =	ssyncadd.s32 $0xFFFFC000  }
0x144: {  	[tilespmem:s5], [sflag:$0x2] =	stream.indirect.gather [hbm4b:s0+s2], $0x80, s1, s2, $0xb8;
	[tilespmem:$0x1E000] =	vst v63  }
0x145: {  	_ =	swait.ge [sflag:s6], $0x4000  }
0x146: {  	[sflag:s6] =	ssyncset.done $0x0  }
0x147: {  	s1 =	simm.s32 $0x1E00;
	[sflag:s6] =	ssyncadd.s32 $0xFFFFC000  }
0x148: {  	[spmem:s3] =	stream.indirect.scatter.add.f32 [tilespmem:s29], [sflag:$0x6], $0x80, s1, s2, $0xb8;
	[tilespmem:$0x1E000] =	vst v63  }
0x149: {  	_ =	swait.ge [sflag:s8], $0x4000  }
0x14a: {  	[sflag:s8] =	ssyncset.done $0x0  }
0x14b: {  	s1 =	simm.s32 $0x1700;
	[sflag:s8] =	ssyncadd.s32 $0xFFFFC000  }
0x14c: {  	[tilespmem:s29], [sflag:$0x1] =	stream.indirect.gather [hbm4b:s0+s2], $0x80, s1, s2, $0xb8;
	[tilespmem:$0x1E000] =	vst v63  }
0x14d: {  	_ =	swait.ge [sflag:s10], $0x4000  }
0x14e: {  	[sflag:s10] =	ssyncset.done $0x0  }
0x14f: {  	s1 =	simm.s32 $0x1E80;
	[sflag:s10] =	ssyncadd.s32 $0xFFFFC000  }
0x150: {  	[spmem:s3] =	stream.indirect.scatter.add.f32 [tilespmem:s5], [sflag:$0x6], $0x80, s1, s2, $0xb8;
	[tilespmem:$0x1E000] =	vst v63  }
0x151: {  	_ =	swait.ge [sflag:s8], $0x4000  }
0x152: {  	[sflag:s8] =	ssyncset.done $0x0  }
0x153: {  	s1 =	simm.s32 $0x1780;
	[sflag:s8] =	ssyncadd.s32 $0xFFFFC000  }
0x154: {  	[tilespmem:s5], [sflag:$0x2] =	stream.indirect.gather [hbm4b:s0+s2], $0x80, s1, s2, $0xb8;
	[tilespmem:$0x1E000] =	vst v63  }
0x155: {  	_ =	swait.ge [sflag:s6], $0x4000  }
0x156: {  	[sflag:s6] =	ssyncset.done $0x0  }
0x157: {  	s1 =	simm.s32 $0x1F00;
	[sflag:s6] =	ssyncadd.s32 $0xFFFFC000  }
0x158: {  	[spmem:s3] =	stream.indirect.scatter.add.f32 [tilespmem:s29], [sflag:$0x6], $0x80, s1, s2, $0xb8;
	[tilespmem:$0x1E000] =	vst v63  }
0x159: {  	_ =	swait.ge [sflag:s8], $0x4000  }
0x15a: {  	[sflag:s8] =	ssyncset.done $0x0  }
0x15b: {  	[sflag:s8] =	ssyncadd.s32 $0xFFFFC000  }
0x15c: {  	_ =	swait.ge [sflag:s10], $0x4000  }
0x15d: {  	[sflag:s10] =	ssyncset.done $0x0  }
0x15e: {  	s1 =	simm.s32 $0x1F80;
	[sflag:s10] =	ssyncadd.s32 $0xFFFFC000  }
0x15f: {  	[spmem:s3] =	stream.indirect.scatter.add.f32 [tilespmem:s5], [sflag:$0x6], $0x80, s1, s2, $0xb8;
	[tilespmem:$0x1E000] =	vst v63  }
0x160: {  	_ =	swait.ge [sflag:s8], $0x4000  }
0x161: {  	[sflag:s8] =	ssyncset.done $0x0  }
0x162: {  	s1 =	rddreg [dreg:$0xf];
	[sflag:s8] =	ssyncadd.s32 $0xFFFFC000  }
0x163: {  	[tilespmem:s28], [sflag:$0x4] =	stream.linear.gather [hbm4b:s1+s4], $0x800, $0x38;
	[tilespmem:$0x1E000] =	vst v63  }
0x164: {  	s1 =	rddreg [dreg:$0x10]  }
0x165: {  	[tilespmem:s25], [sflag:$0x4] =	stream.linear.gather [hbm4b:s1+s4], $0x800, $0x38;
	[tilespmem:$0x1E000] =	vst v63  }
0x166: {  	_ =	swait.ge [sflag:s31], $0x800  }
0x167: {  	[sflag:s31] =	ssyncset.done $0x0  }
0x168: {  	[sflag:s31] =	ssyncadd.s32 $0xFFFFF800  }
0x169: {  	_ =	swait.ge [sflag:s31], $0x800  }
0x16a: {  	[sflag:s31] =	ssyncset.done $0x0  }
0x16b: {  	[sflag:s31] =	ssyncadd.s32 $0xFFFFF800  }
0x16c: {  	[tilespmem:s29], [sflag:$0x1] =	stream.indirect.gather [hbm4b:s0+s2], $0x80, s4, s2, $0xb8;
	[tilespmem:$0x1E000] =	vst v63  }
0x16d: {  	_ = 	snop  }
0x16e: {  	[tilespmem:s5], [sflag:$0x2] =	stream.indirect.gather [hbm4b:s0+s2], $0x80, s2, s2, $0xb8;
	[tilespmem:$0x1E000] =	vst v63  }
0x16f: {  	_ =	swait.ge [sflag:s6], $0x4000  }
0x170: {  	[sflag:s6] =	ssyncset.done $0x0  }
0x171: {  	s25 =	simm.s32 $0x800;
	[sflag:s6] =	ssyncadd.s32 $0xFFFFC000  }
0x172: {  	[spmem:s3] =	stream.indirect.scatter.add.f32 [tilespmem:s29], [sflag:$0x6], $0x80, s25, s2, $0xb8;
	[tilespmem:$0x1E000] =	vst v63  }
0x173: {  	_ =	swait.ge [sflag:s8], $0x4000  }
0x174: {  	[sflag:s8] =	ssyncset.done $0x0  }
0x175: {  	s1 =	simm.s32 $0x100;
	[sflag:s8] =	ssyncadd.s32 $0xFFFFC000  }
0x176: {  	[tilespmem:s29], [sflag:$0x1] =	stream.indirect.gather [hbm4b:s0+s2], $0x80, s1, s2, $0xb8;
	[tilespmem:$0x1E000] =	vst v63  }
0x177: {  	_ =	swait.ge [sflag:s10], $0x4000  }
0x178: {  	[sflag:s10] =	ssyncset.done $0x0  }
0x179: {  	s1 =	simm.s32 $0x880;
	[sflag:s10] =	ssyncadd.s32 $0xFFFFC000  }
0x17a: {  	[spmem:s3] =	stream.indirect.scatter.add.f32 [tilespmem:s5], [sflag:$0x6], $0x80, s1, s2, $0xb8;
	[tilespmem:$0x1E000] =	vst v63  }
0x17b: {  	_ =	swait.ge [sflag:s8], $0x4000  }
0x17c: {  	[sflag:s8] =	ssyncset.done $0x0  }
0x17d: {  	s1 =	simm.s32 $0x180;
	[sflag:s8] =	ssyncadd.s32 $0xFFFFC000  }
0x17e: {  	[tilespmem:s5], [sflag:$0x2] =	stream.indirect.gather [hbm4b:s0+s2], $0x80, s1, s2, $0xb8;
	[tilespmem:$0x1E000] =	vst v63  }
0x17f: {  	_ =	swait.ge [sflag:s6], $0x4000  }
0x180: {  	[sflag:s6] =	ssyncset.done $0x0  }
0x181: {  	s1 =	simm.s32 $0x900;
	[sflag:s6] =	ssyncadd.s32 $0xFFFFC000  }
0x182: {  	[spmem:s3] =	stream.indirect.scatter.add.f32 [tilespmem:s29], [sflag:$0x6], $0x80, s1, s2, $0xb8;
	[tilespmem:$0x1E000] =	vst v63  }
0x183: {  	_ =	swait.ge [sflag:s8], $0x4000  }
0x184: {  	[sflag:s8] =	ssyncset.done $0x0  }
0x185: {  	s1 =	simm.s32 $0x200;
	[sflag:s8] =	ssyncadd.s32 $0xFFFFC000  }
0x186: {  	[tilespmem:s29], [sflag:$0x1] =	stream.indirect.gather [hbm4b:s0+s2], $0x80, s1, s2, $0xb8;
	[tilespmem:$0x1E000] =	vst v63  }
0x187: {  	_ =	swait.ge [sflag:s10], $0x4000  }
0x188: {  	[sflag:s10] =	ssyncset.done $0x0  }
0x189: {  	s1 =	simm.s32 $0x980;
	[sflag:s10] =	ssyncadd.s32 $0xFFFFC000  }
0x18a: {  	[spmem:s3] =	stream.indirect.scatter.add.f32 [tilespmem:s5], [sflag:$0x6], $0x80, s1, s2, $0xb8;
	[tilespmem:$0x1E000] =	vst v63  }
0x18b: {  	_ =	swait.ge [sflag:s8], $0x4000  }
0x18c: {  	[sflag:s8] =	ssyncset.done $0x0  }
0x18d: {  	s1 =	simm.s32 $0x280;
	[sflag:s8] =	ssyncadd.s32 $0xFFFFC000  }
0x18e: {  	[tilespmem:s5], [sflag:$0x2] =	stream.indirect.gather [hbm4b:s0+s2], $0x80, s1, s2, $0xb8;
	[tilespmem:$0x1E000] =	vst v63  }
0x18f: {  	_ =	swait.ge [sflag:s6], $0x4000  }
0x190: {  	[sflag:s6] =	ssyncset.done $0x0  }
0x191: {  	s1 =	simm.s32 $0xA00;
	[sflag:s6] =	ssyncadd.s32 $0xFFFFC000  }
0x192: {  	[spmem:s3] =	stream.indirect.scatter.add.f32 [tilespmem:s29], [sflag:$0x6], $0x80, s1, s2, $0xb8;
	[tilespmem:$0x1E000] =	vst v63  }
0x193: {  	_ =	swait.ge [sflag:s8], $0x4000  }
0x194: {  	[sflag:s8] =	ssyncset.done $0x0  }
0x195: {  	s1 =	simm.s32 $0x300;
	[sflag:s8] =	ssyncadd.s32 $0xFFFFC000  }
0x196: {  	[tilespmem:s29], [sflag:$0x1] =	stream.indirect.gather [hbm4b:s0+s2], $0x80, s1, s2, $0xb8;
	[tilespmem:$0x1E000] =	vst v63  }
0x197: {  	_ =	swait.ge [sflag:s10], $0x4000  }
0x198: {  	[sflag:s10] =	ssyncset.done $0x0  }
0x199: {  	s1 =	simm.s32 $0xA80;
	[sflag:s10] =	ssyncadd.s32 $0xFFFFC000  }
0x19a: {  	[spmem:s3] =	stream.indirect.scatter.add.f32 [tilespmem:s5], [sflag:$0x6], $0x80, s1, s2, $0xb8;
	[tilespmem:$0x1E000] =	vst v63  }
0x19b: {  	_ =	swait.ge [sflag:s8], $0x4000  }
0x19c: {  	[sflag:s8] =	ssyncset.done $0x0  }
0x19d: {  	s1 =	simm.s32 $0x380;
	[sflag:s8] =	ssyncadd.s32 $0xFFFFC000  }
0x19e: {  	[tilespmem:s5], [sflag:$0x2] =	stream.indirect.gather [hbm4b:s0+s2], $0x80, s1, s2, $0xb8;
	[tilespmem:$0x1E000] =	vst v63  }
0x19f: {  	_ =	swait.ge [sflag:s6], $0x4000  }
0x1a0: {  	[sflag:s6] =	ssyncset.done $0x0  }
0x1a1: {  	s1 =	simm.s32 $0xB00;
	[sflag:s6] =	ssyncadd.s32 $0xFFFFC000  }
0x1a2: {  	[spmem:s3] =	stream.indirect.scatter.add.f32 [tilespmem:s29], [sflag:$0x6], $0x80, s1, s2, $0xb8;
	[tilespmem:$0x1E000] =	vst v63  }
0x1a3: {  	_ =	swait.ge [sflag:s8], $0x4000  }
0x1a4: {  	[sflag:s8] =	ssyncset.done $0x0  }
0x1a5: {  	s1 =	simm.s32 $0x400;
	[sflag:s8] =	ssyncadd.s32 $0xFFFFC000  }
0x1a6: {  	[tilespmem:s29], [sflag:$0x1] =	stream.indirect.gather [hbm4b:s0+s2], $0x80, s1, s2, $0xb8;
	[tilespmem:$0x1E000] =	vst v63  }
0x1a7: {  	_ =	swait.ge [sflag:s10], $0x4000  }
0x1a8: {  	[sflag:s10] =	ssyncset.done $0x0  }
0x1a9: {  	s1 =	simm.s32 $0xB80;
	[sflag:s10] =	ssyncadd.s32 $0xFFFFC000  }
0x1aa: {  	[spmem:s3] =	stream.indirect.scatter.add.f32 [tilespmem:s5], [sflag:$0x6], $0x80, s1, s2, $0xb8;
	[tilespmem:$0x1E000] =	vst v63  }
0x1ab: {  	_ =	swait.ge [sflag:s8], $0x4000  }
0x1ac: {  	[sflag:s8] =	ssyncset.done $0x0  }
0x1ad: {  	s1 =	simm.s32 $0x480;
	[sflag:s8] =	ssyncadd.s32 $0xFFFFC000  }
0x1ae: {  	[tilespmem:s5], [sflag:$0x2] =	stream.indirect.gather [hbm4b:s0+s2], $0x80, s1, s2, $0xb8;
	[tilespmem:$0x1E000] =	vst v63  }
0x1af: {  	_ =	swait.ge [sflag:s6], $0x4000  }
0x1b0: {  	[sflag:s6] =	ssyncset.done $0x0  }
0x1b1: {  	s1 =	simm.s32 $0xC00;
	[sflag:s6] =	ssyncadd.s32 $0xFFFFC000  }
0x1b2: {  	[spmem:s3] =	stream.indirect.scatter.add.f32 [tilespmem:s29], [sflag:$0x6], $0x80, s1, s2, $0xb8;
	[tilespmem:$0x1E000] =	vst v63  }
0x1b3: {  	_ =	swait.ge [sflag:s8], $0x4000  }
0x1b4: {  	[sflag:s8] =	ssyncset.done $0x0  }
0x1b5: {  	s1 =	simm.s32 $0x500;
	[sflag:s8] =	ssyncadd.s32 $0xFFFFC000  }
0x1b6: {  	[tilespmem:s29], [sflag:$0x1] =	stream.indirect.gather [hbm4b:s0+s2], $0x80, s1, s2, $0xb8;
	[tilespmem:$0x1E000] =	vst v63  }
0x1b7: {  	_ =	swait.ge [sflag:s10], $0x4000  }
0x1b8: {  	[sflag:s10] =	ssyncset.done $0x0  }
0x1b9: {  	s1 =	simm.s32 $0xC80;
	[sflag:s10] =	ssyncadd.s32 $0xFFFFC000  }
0x1ba: {  	[spmem:s3] =	stream.indirect.scatter.add.f32 [tilespmem:s5], [sflag:$0x6], $0x80, s1, s2, $0xb8;
	[tilespmem:$0x1E000] =	vst v63  }
0x1bb: {  	_ =	swait.ge [sflag:s8], $0x4000  }
0x1bc: {  	[sflag:s8] =	ssyncset.done $0x0  }
0x1bd: {  	s1 =	simm.s32 $0x580;
	[sflag:s8] =	ssyncadd.s32 $0xFFFFC000  }
0x1be: {  	[tilespmem:s5], [sflag:$0x2] =	stream.indirect.gather [hbm4b:s0+s2], $0x80, s1, s2, $0xb8;
	[tilespmem:$0x1E000] =	vst v63  }
0x1bf: {  	_ =	swait.ge [sflag:s6], $0x4000  }
0x1c0: {  	[sflag:s6] =	ssyncset.done $0x0  }
0x1c1: {  	s1 =	simm.s32 $0xD00;
	[sflag:s6] =	ssyncadd.s32 $0xFFFFC000  }
0x1c2: {  	[spmem:s3] =	stream.indirect.scatter.add.f32 [tilespmem:s29], [sflag:$0x6], $0x80, s1, s2, $0xb8;
	[tilespmem:$0x1E000] =	vst v63  }
0x1c3: {  	_ =	swait.ge [sflag:s8], $0x4000  }
0x1c4: {  	[sflag:s8] =	ssyncset.done $0x0  }
0x1c5: {  	s1 =	simm.s32 $0x600;
	[sflag:s8] =	ssyncadd.s32 $0xFFFFC000  }
0x1c6: {  	[tilespmem:s29], [sflag:$0x1] =	stream.indirect.gather [hbm4b:s0+s2], $0x80, s1, s2, $0xb8;
	[tilespmem:$0x1E000] =	vst v63  }
0x1c7: {  	_ =	swait.ge [sflag:s10], $0x4000  }
0x1c8: {  	[sflag:s10] =	ssyncset.done $0x0  }
0x1c9: {  	s1 =	simm.s32 $0xD80;
	[sflag:s10] =	ssyncadd.s32 $0xFFFFC000  }
0x1ca: {  	[spmem:s3] =	stream.indirect.scatter.add.f32 [tilespmem:s5], [sflag:$0x6], $0x80, s1, s2, $0xb8;
	[tilespmem:$0x1E000] =	vst v63  }
0x1cb: {  	_ =	swait.ge [sflag:s8], $0x4000  }
0x1cc: {  	[sflag:s8] =	ssyncset.done $0x0  }
0x1cd: {  	s1 =	simm.s32 $0x680;
	[sflag:s8] =	ssyncadd.s32 $0xFFFFC000  }
0x1ce: {  	[tilespmem:s5], [sflag:$0x2] =	stream.indirect.gather [hbm4b:s0+s2], $0x80, s1, s2, $0xb8;
	[tilespmem:$0x1E000] =	vst v63  }
0x1cf: {  	_ =	swait.ge [sflag:s6], $0x4000  }
0x1d0: {  	[sflag:s6] =	ssyncset.done $0x0  }
0x1d1: {  	s1 =	simm.s32 $0xE00;
	[sflag:s6] =	ssyncadd.s32 $0xFFFFC000  }
0x1d2: {  	[spmem:s3] =	stream.indirect.scatter.add.f32 [tilespmem:s29], [sflag:$0x6], $0x80, s1, s2, $0xb8;
	[tilespmem:$0x1E000] =	vst v63  }
0x1d3: {  	_ =	swait.ge [sflag:s8], $0x4000  }
0x1d4: {  	[sflag:s8] =	ssyncset.done $0x0  }
0x1d5: {  	s1 =	simm.s32 $0x700;
	[sflag:s8] =	ssyncadd.s32 $0xFFFFC000  }
0x1d6: {  	[tilespmem:s29], [sflag:$0x1] =	stream.indirect.gather [hbm4b:s0+s2], $0x80, s1, s2, $0xb8;
	[tilespmem:$0x1E000] =	vst v63  }
0x1d7: {  	_ =	swait.ge [sflag:s10], $0x4000  }
0x1d8: {  	[sflag:s10] =	ssyncset.done $0x0  }
0x1d9: {  	s1 =	simm.s32 $0xE80;
	[sflag:s10] =	ssyncadd.s32 $0xFFFFC000  }
0x1da: {  	[spmem:s3] =	stream.indirect.scatter.add.f32 [tilespmem:s5], [sflag:$0x6], $0x80, s1, s2, $0xb8;
	[tilespmem:$0x1E000] =	vst v63  }
0x1db: {  	_ =	swait.ge [sflag:s8], $0x4000  }
0x1dc: {  	[sflag:s8] =	ssyncset.done $0x0  }
0x1dd: {  	s1 =	simm.s32 $0x780;
	[sflag:s8] =	ssyncadd.s32 $0xFFFFC000  }
0x1de: {  	[tilespmem:s5], [sflag:$0x2] =	stream.indirect.gather [hbm4b:s0+s2], $0x80, s1, s2, $0xb8;
	[tilespmem:$0x1E000] =	vst v63  }
0x1df: {  	_ =	swait.ge [sflag:s6], $0x4000  }
0x1e0: {  	[sflag:s6] =	ssyncset.done $0x0  }
0x1e1: {  	s1 =	simm.s32 $0xF00;
	[sflag:s6] =	ssyncadd.s32 $0xFFFFC000  }
0x1e2: {  	[spmem:s3] =	stream.indirect.scatter.add.f32 [tilespmem:s29], [sflag:$0x6], $0x80, s1, s2, $0xb8;
	[tilespmem:$0x1E000] =	vst v63  }
0x1e3: {  	_ =	swait.ge [sflag:s8], $0x4000  }
0x1e4: {  	[sflag:s8] =	ssyncset.done $0x0  }
0x1e5: {  	[sflag:s8] =	ssyncadd.s32 $0xFFFFC000  }
0x1e6: {  	_ =	swait.ge [sflag:s10], $0x4000  }
0x1e7: {  	[sflag:s10] =	ssyncset.done $0x0  }
0x1e8: {  	s1 =	simm.s32 $0xF80;
	[sflag:s10] =	ssyncadd.s32 $0xFFFFC000  }
0x1e9: {  	[spmem:s3] =	stream.indirect.scatter.add.f32 [tilespmem:s5], [sflag:$0x6], $0x80, s1, s2, $0xb8;
	[tilespmem:$0x1E000] =	vst v63  }
0x1ea: {  	_ =	swait.ge [sflag:s8], $0x4000  }
0x1eb: {  	[sflag:s8] =	ssyncset.done $0x0  }
0x1ec: {  	s1 =	rddreg [dreg:$0x11];
	[sflag:s8] =	ssyncadd.s32 $0xFFFFC000  }
0x1ed: {  	[tilespmem:s4], [sflag:$0x3] =	stream.linear.gather [hbm4b:s1+s4], $0x800, $0x38;
	[tilespmem:$0x1E000] =	vst v63  }
0x1ee: {  	s1 =	rddreg [dreg:$0x12]  }
0x1ef: {  	[tilespmem:s25], [sflag:$0x3] =	stream.linear.gather [hbm4b:s1+s4], $0x800, $0x38;
	[tilespmem:$0x1E000] =	vst v63  }
0x1f0: {  	_ =	swait.ge [sflag:s23], $0x800  }
0x1f1: {  	[sflag:s23] =	ssyncset.done $0x0  }
0x1f2: {  	[sflag:s23] =	ssyncadd.s32 $0xFFFFF800  }
0x1f3: {  	_ =	swait.ge [sflag:s23], $0x800  }
0x1f4: {  	[sflag:s23] =	ssyncset.done $0x0  }
0x1f5: {  	[sflag:s23] =	ssyncadd.s32 $0xFFFFF800  }
0x1f6: {  	[tilespmem:s29], [sflag:$0x1] =	stream.indirect.gather [hbm4b:s0+s2], $0x80, s28, s2, $0xb8;
	[tilespmem:$0x1E000] =	vst v63  }
0x1f7: {  	_ = 	snop  }
0x1f8: {  	[tilespmem:s5], [sflag:$0x2] =	stream.indirect.gather [hbm4b:s0+s2], $0x80, s9, s2, $0xb8;
	[tilespmem:$0x1E000] =	vst v63  }
0x1f9: {  	_ =	swait.ge [sflag:s6], $0x4000  }
0x1fa: {  	[sflag:s6] =	ssyncset.done $0x0  }
0x1fb: {  	s28 =	simm.s32 $0x1800;
	[sflag:s6] =	ssyncadd.s32 $0xFFFFC000  }
0x1fc: {  	[spmem:s3] =	stream.indirect.scatter.add.f32 [tilespmem:s29], [sflag:$0x6], $0x80, s28, s2, $0xb8;
	[tilespmem:$0x1E000] =	vst v63  }
0x1fd: {  	_ =	swait.ge [sflag:s8], $0x4000  }
0x1fe: {  	[sflag:s8] =	ssyncset.done $0x0  }
0x1ff: {  	[sflag:s8] =	ssyncadd.s32 $0xFFFFC000  }
0x200: {  	[tilespmem:s29], [sflag:$0x1] =	stream.indirect.gather [hbm4b:s0+s2], $0x80, s11, s2, $0xb8;
	[tilespmem:$0x1E000] =	vst v63  }
0x201: {  	_ =	swait.ge [sflag:s10], $0x4000  }
0x202: {  	[sflag:s10] =	ssyncset.done $0x0  }
0x203: {  	[sflag:s10] =	ssyncadd.s32 $0xFFFFC000  }
0x204: {  	[spmem:s3] =	stream.indirect.scatter.add.f32 [tilespmem:s5], [sflag:$0x6], $0x80, s12, s2, $0xb8;
	[tilespmem:$0x1E000] =	vst v63  }
0x205: {  	_ =	swait.ge [sflag:s8], $0x4000  }
0x206: {  	[sflag:s8] =	ssyncset.done $0x0  }
0x207: {  	[sflag:s8] =	ssyncadd.s32 $0xFFFFC000  }
0x208: {  	[tilespmem:s5], [sflag:$0x2] =	stream.indirect.gather [hbm4b:s0+s2], $0x80, s13, s2, $0xb8;
	[tilespmem:$0x1E000] =	vst v63  }
0x209: {  	_ =	swait.ge [sflag:s6], $0x4000  }
0x20a: {  	[sflag:s6] =	ssyncset.done $0x0  }
0x20b: {  	[sflag:s6] =	ssyncadd.s32 $0xFFFFC000  }
0x20c: {  	[spmem:s3] =	stream.indirect.scatter.add.f32 [tilespmem:s29], [sflag:$0x6], $0x80, s14, s2, $0xb8;
	[tilespmem:$0x1E000] =	vst v63  }
0x20d: {  	_ =	swait.ge [sflag:s8], $0x4000  }
0x20e: {  	[sflag:s8] =	ssyncset.done $0x0  }
0x20f: {  	[sflag:s8] =	ssyncadd.s32 $0xFFFFC000  }
0x210: {  	[tilespmem:s29], [sflag:$0x1] =	stream.indirect.gather [hbm4b:s0+s2], $0x80, s15, s2, $0xb8;
	[tilespmem:$0x1E000] =	vst v63  }
0x211: {  	_ =	swait.ge [sflag:s10], $0x4000  }
0x212: {  	[sflag:s10] =	ssyncset.done $0x0  }
0x213: {  	[sflag:s10] =	ssyncadd.s32 $0xFFFFC000  }
0x214: {  	[spmem:s3] =	stream.indirect.scatter.add.f32 [tilespmem:s5], [sflag:$0x6], $0x80, s16, s2, $0xb8;
	[tilespmem:$0x1E000] =	vst v63  }
0x215: {  	_ =	swait.ge [sflag:s8], $0x4000  }
0x216: {  	[sflag:s8] =	ssyncset.done $0x0  }
0x217: {  	[sflag:s8] =	ssyncadd.s32 $0xFFFFC000  }
0x218: {  	[tilespmem:s5], [sflag:$0x2] =	stream.indirect.gather [hbm4b:s0+s2], $0x80, s17, s2, $0xb8;
	[tilespmem:$0x1E000] =	vst v63  }
0x219: {  	_ =	swait.ge [sflag:s6], $0x4000  }
0x21a: {  	[sflag:s6] =	ssyncset.done $0x0  }
0x21b: {  	[sflag:s6] =	ssyncadd.s32 $0xFFFFC000  }
0x21c: {  	[spmem:s3] =	stream.indirect.scatter.add.f32 [tilespmem:s29], [sflag:$0x6], $0x80, s18, s2, $0xb8;
	[tilespmem:$0x1E000] =	vst v63  }
0x21d: {  	_ =	swait.ge [sflag:s8], $0x4000  }
0x21e: {  	[sflag:s8] =	ssyncset.done $0x0  }
0x21f: {  	[sflag:s8] =	ssyncadd.s32 $0xFFFFC000  }
0x220: {  	[tilespmem:s29], [sflag:$0x1] =	stream.indirect.gather [hbm4b:s0+s2], $0x80, s19, s2, $0xb8;
	[tilespmem:$0x1E000] =	vst v63  }
0x221: {  	_ =	swait.ge [sflag:s10], $0x4000  }
0x222: {  	[sflag:s10] =	ssyncset.done $0x0  }
0x223: {  	[sflag:s10] =	ssyncadd.s32 $0xFFFFC000  }
0x224: {  	[spmem:s3] =	stream.indirect.scatter.add.f32 [tilespmem:s5], [sflag:$0x6], $0x80, s20, s2, $0xb8;
	[tilespmem:$0x1E000] =	vst v63  }
0x225: {  	_ =	swait.ge [sflag:s8], $0x4000  }
0x226: {  	[sflag:s8] =	ssyncset.done $0x0  }
0x227: {  	[sflag:s8] =	ssyncadd.s32 $0xFFFFC000  }
0x228: {  	[tilespmem:s5], [sflag:$0x2] =	stream.indirect.gather [hbm4b:s0+s2], $0x80, s21, s2, $0xb8;
	[tilespmem:$0x1E000] =	vst v63  }
0x229: {  	_ =	swait.ge [sflag:s6], $0x4000  }
0x22a: {  	[sflag:s6] =	ssyncset.done $0x0  }
0x22b: {  	[sflag:s6] =	ssyncadd.s32 $0xFFFFC000  }
0x22c: {  	[spmem:s3] =	stream.indirect.scatter.add.f32 [tilespmem:s29], [sflag:$0x6], $0x80, s22, s2, $0xb8;
	[tilespmem:$0x1E000] =	vst v63  }
0x22d: {  	_ =	swait.ge [sflag:s8], $0x4000  }
0x22e: {  	[sflag:s8] =	ssyncset.done $0x0  }
0x22f: {  	[sflag:s8] =	ssyncadd.s32 $0xFFFFC000  }
0x230: {  	[tilespmem:s29], [sflag:$0x1] =	stream.indirect.gather [hbm4b:s0+s2], $0x80, s26, s2, $0xb8;
	[tilespmem:$0x1E000] =	vst v63  }
0x231: {  	_ =	swait.ge [sflag:s10], $0x4000  }
0x232: {  	[sflag:s10] =	ssyncset.done $0x0  }
0x233: {  	s12 =	simm.s32 $0x1B80;
	[sflag:s10] =	ssyncadd.s32 $0xFFFFC000  }
0x234: {  	[spmem:s3] =	stream.indirect.scatter.add.f32 [tilespmem:s5], [sflag:$0x6], $0x80, s12, s2, $0xb8;
	[tilespmem:$0x1E000] =	vst v63  }
0x235: {  	_ =	swait.ge [sflag:s8], $0x4000  }
0x236: {  	[sflag:s8] =	ssyncset.done $0x0  }
0x237: {  	s9 =	simm.s32 $0x1480;
	[sflag:s8] =	ssyncadd.s32 $0xFFFFC000  }
0x238: {  	[tilespmem:s5], [sflag:$0x2] =	stream.indirect.gather [hbm4b:s0+s2], $0x80, s9, s2, $0xb8;
	[tilespmem:$0x1E000] =	vst v63  }
0x239: {  	_ =	swait.ge [sflag:s6], $0x4000  }
0x23a: {  	[sflag:s6] =	ssyncset.done $0x0  }
0x23b: {  	s11 =	simm.s32 $0x1C00;
	[sflag:s6] =	ssyncadd.s32 $0xFFFFC000  }
0x23c: {  	[spmem:s3] =	stream.indirect.scatter.add.f32 [tilespmem:s29], [sflag:$0x6], $0x80, s11, s2, $0xb8;
	[tilespmem:$0x1E000] =	vst v63  }
0x23d: {  	_ =	swait.ge [sflag:s8], $0x4000  }
0x23e: {  	[sflag:s8] =	ssyncset.done $0x0  }
0x23f: {  	s12 =	simm.s32 $0x1500;
	[sflag:s8] =	ssyncadd.s32 $0xFFFFC000  }
0x240: {  	[tilespmem:s29], [sflag:$0x1] =	stream.indirect.gather [hbm4b:s0+s2], $0x80, s12, s2, $0xb8;
	[tilespmem:$0x1E000] =	vst v63  }
0x241: {  	_ =	swait.ge [sflag:s10], $0x4000  }
0x242: {  	[sflag:s10] =	ssyncset.done $0x0  }
0x243: {  	s9 =	simm.s32 $0x1C80;
	[sflag:s10] =	ssyncadd.s32 $0xFFFFC000  }
0x244: {  	[spmem:s3] =	stream.indirect.scatter.add.f32 [tilespmem:s5], [sflag:$0x6], $0x80, s9, s2, $0xb8;
	[tilespmem:$0x1E000] =	vst v63  }
0x245: {  	_ =	swait.ge [sflag:s8], $0x4000  }
0x246: {  	[sflag:s8] =	ssyncset.done $0x0  }
0x247: {  	s11 =	simm.s32 $0x1580;
	[sflag:s8] =	ssyncadd.s32 $0xFFFFC000  }
0x248: {  	[tilespmem:s5], [sflag:$0x2] =	stream.indirect.gather [hbm4b:s0+s2], $0x80, s11, s2, $0xb8;
	[tilespmem:$0x1E000] =	vst v63  }
0x249: {  	_ =	swait.ge [sflag:s6], $0x4000  }
0x24a: {  	[sflag:s6] =	ssyncset.done $0x0  }
0x24b: {  	s12 =	simm.s32 $0x1D00;
	[sflag:s6] =	ssyncadd.s32 $0xFFFFC000  }
0x24c: {  	[spmem:s3] =	stream.indirect.scatter.add.f32 [tilespmem:s29], [sflag:$0x6], $0x80, s12, s2, $0xb8;
	[tilespmem:$0x1E000] =	vst v63  }
0x24d: {  	_ =	swait.ge [sflag:s8], $0x4000  }
0x24e: {  	[sflag:s8] =	ssyncset.done $0x0  }
0x24f: {  	s9 =	simm.s32 $0x1600;
	[sflag:s8] =	ssyncadd.s32 $0xFFFFC000  }
0x250: {  	[tilespmem:s29], [sflag:$0x1] =	stream.indirect.gather [hbm4b:s0+s2], $0x80, s9, s2, $0xb8;
	[tilespmem:$0x1E000] =	vst v63  }
0x251: {  	_ =	swait.ge [sflag:s10], $0x4000  }
0x252: {  	[sflag:s10] =	ssyncset.done $0x0  }
0x253: {  	s11 =	simm.s32 $0x1D80;
	[sflag:s10] =	ssyncadd.s32 $0xFFFFC000  }
0x254: {  	[spmem:s3] =	stream.indirect.scatter.add.f32 [tilespmem:s5], [sflag:$0x6], $0x80, s11, s2, $0xb8;
	[tilespmem:$0x1E000] =	vst v63  }
0x255: {  	_ =	swait.ge [sflag:s8], $0x4000  }
0x256: {  	[sflag:s8] =	ssyncset.done $0x0  }
0x257: {  	s12 =	simm.s32 $0x1680;
	[sflag:s8] =	ssyncadd.s32 $0xFFFFC000  }
0x258: {  	[tilespmem:s5], [sflag:$0x2] =	stream.indirect.gather [hbm4b:s0+s2], $0x80, s12, s2, $0xb8;
	[tilespmem:$0x1E000] =	vst v63  }
0x259: {  	_ =	swait.ge [sflag:s6], $0x4000  }
0x25a: {  	[sflag:s6] =	ssyncset.done $0x0  }
0x25b: {  	s9 =	simm.s32 $0x1E00;
	[sflag:s6] =	ssyncadd.s32 $0xFFFFC000  }
0x25c: {  	[spmem:s3] =	stream.indirect.scatter.add.f32 [tilespmem:s29], [sflag:$0x6], $0x80, s9, s2, $0xb8;
	[tilespmem:$0x1E000] =	vst v63  }
0x25d: {  	_ =	swait.ge [sflag:s8], $0x4000  }
0x25e: {  	[sflag:s8] =	ssyncset.done $0x0  }
0x25f: {  	s11 =	simm.s32 $0x1700;
	[sflag:s8] =	ssyncadd.s32 $0xFFFFC000  }
0x260: {  	[tilespmem:s29], [sflag:$0x1] =	stream.indirect.gather [hbm4b:s0+s2], $0x80, s11, s2, $0xb8;
	[tilespmem:$0x1E000] =	vst v63  }
0x261: {  	_ =	swait.ge [sflag:s10], $0x4000  }
0x262: {  	[sflag:s10] =	ssyncset.done $0x0  }
0x263: {  	s12 =	simm.s32 $0x1E80;
	[sflag:s10] =	ssyncadd.s32 $0xFFFFC000  }
0x264: {  	[spmem:s3] =	stream.indirect.scatter.add.f32 [tilespmem:s5], [sflag:$0x6], $0x80, s12, s2, $0xb8;
	[tilespmem:$0x1E000] =	vst v63  }
0x265: {  	_ =	swait.ge [sflag:s8], $0x4000  }
0x266: {  	[sflag:s8] =	ssyncset.done $0x0  }
0x267: {  	s9 =	simm.s32 $0x1780;
	[sflag:s8] =	ssyncadd.s32 $0xFFFFC000  }
0x268: {  	[tilespmem:s5], [sflag:$0x2] =	stream.indirect.gather [hbm4b:s0+s2], $0x80, s9, s2, $0xb8;
	[tilespmem:$0x1E000] =	vst v63  }
0x269: {  	_ =	swait.ge [sflag:s6], $0x4000  }
0x26a: {  	[sflag:s6] =	ssyncset.done $0x0  }
0x26b: {  	s11 =	simm.s32 $0x1F00;
	[sflag:s6] =	ssyncadd.s32 $0xFFFFC000  }
0x26c: {  	[spmem:s3] =	stream.indirect.scatter.add.f32 [tilespmem:s29], [sflag:$0x6], $0x80, s11, s2, $0xb8;
	[tilespmem:$0x1E000] =	vst v63  }
0x26d: {  	_ =	swait.ge [sflag:s8], $0x4000  }
0x26e: {  	[sflag:s8] =	ssyncset.done $0x0  }
0x26f: {  	[sflag:s8] =	ssyncadd.s32 $0xFFFFC000  }
0x270: {  	_ =	swait.ge [sflag:s10], $0x4000  }
0x271: {  	[sflag:s10] =	ssyncset.done $0x0  }
0x272: {  	s12 =	simm.s32 $0x1F80;
	[sflag:s10] =	ssyncadd.s32 $0xFFFFC000  }
0x273: {  	[spmem:s3] =	stream.indirect.scatter.add.f32 [tilespmem:s5], [sflag:$0x6], $0x80, s12, s2, $0xb8;
	[tilespmem:$0x1E000] =	vst v63  }
0x274: {  	_ =	swait.ge [sflag:s8], $0x4000  }
0x275: {  	[sflag:s8] =	ssyncset.done $0x0  }
0x276: {  	[sflag:s8] =	ssyncadd.s32 $0xFFFFC000  }
0x277: {  	_ =	swait.ge [sflag:s31], $0x800  }
0x278: {  	[sflag:s31] =	ssyncset.done $0x0  }
0x279: {  	[sflag:s31] =	ssyncadd.s32 $0xFFFFF800  }
0x27a: {  	_ =	swait.ge [sflag:s31], $0x800  }
0x27b: {  	[sflag:s31] =	ssyncset.done $0x0  }
0x27c: {  	[sflag:s31] =	ssyncadd.s32 $0xFFFFF800  }
0x27d: {  	[tilespmem:s29], [sflag:$0x1] =	stream.indirect.gather [hbm4b:s0+s2], $0x80, s4, s2, $0xb8;
	[tilespmem:$0x1E000] =	vst v63  }
0x27e: {  	_ = 	snop  }
0x27f: {  	[tilespmem:s5], [sflag:$0x2] =	stream.indirect.gather [hbm4b:s0+s2], $0x80, s2, s2, $0xb8;
	[tilespmem:$0x1E000] =	vst v63  }
0x280: {  	_ =	swait.ge [sflag:s6], $0x4000  }
0x281: {  	[sflag:s6] =	ssyncset.done $0x0  }
0x282: {  	[sflag:s6] =	ssyncadd.s32 $0xFFFFC000  }
0x283: {  	[spmem:s3] =	stream.indirect.scatter.add.f32 [tilespmem:s29], [sflag:$0x6], $0x80, s25, s2, $0xb8;
	[tilespmem:$0x1E000] =	vst v63  }
0x284: {  	_ =	swait.ge [sflag:s8], $0x4000  }
0x285: {  	[sflag:s8] =	ssyncset.done $0x0  }
0x286: {  	s9 =	simm.s32 $0x100;
	[sflag:s8] =	ssyncadd.s32 $0xFFFFC000  }
0x287: {  	[tilespmem:s29], [sflag:$0x1] =	stream.indirect.gather [hbm4b:s0+s2], $0x80, s9, s2, $0xb8;
	[tilespmem:$0x1E000] =	vst v63  }
0x288: {  	_ =	swait.ge [sflag:s10], $0x4000  }
0x289: {  	[sflag:s10] =	ssyncset.done $0x0  }
0x28a: {  	s11 =	simm.s32 $0x880;
	[sflag:s10] =	ssyncadd.s32 $0xFFFFC000  }
0x28b: {  	[spmem:s3] =	stream.indirect.scatter.add.f32 [tilespmem:s5], [sflag:$0x6], $0x80, s11, s2, $0xb8;
	[tilespmem:$0x1E000] =	vst v63  }
0x28c: {  	_ =	swait.ge [sflag:s8], $0x4000  }
0x28d: {  	[sflag:s8] =	ssyncset.done $0x0  }
0x28e: {  	s12 =	simm.s32 $0x180;
	[sflag:s8] =	ssyncadd.s32 $0xFFFFC000  }
0x28f: {  	[tilespmem:s5], [sflag:$0x2] =	stream.indirect.gather [hbm4b:s0+s2], $0x80, s12, s2, $0xb8;
	[tilespmem:$0x1E000] =	vst v63  }
0x290: {  	_ =	swait.ge [sflag:s6], $0x4000  }
0x291: {  	[sflag:s6] =	ssyncset.done $0x0  }
0x292: {  	s9 =	simm.s32 $0x900;
	[sflag:s6] =	ssyncadd.s32 $0xFFFFC000  }
0x293: {  	[spmem:s3] =	stream.indirect.scatter.add.f32 [tilespmem:s29], [sflag:$0x6], $0x80, s9, s2, $0xb8;
	[tilespmem:$0x1E000] =	vst v63  }
0x294: {  	_ =	swait.ge [sflag:s8], $0x4000  }
0x295: {  	[sflag:s8] =	ssyncset.done $0x0  }
0x296: {  	s11 =	simm.s32 $0x200;
	[sflag:s8] =	ssyncadd.s32 $0xFFFFC000  }
0x297: {  	[tilespmem:s29], [sflag:$0x1] =	stream.indirect.gather [hbm4b:s0+s2], $0x80, s11, s2, $0xb8;
	[tilespmem:$0x1E000] =	vst v63  }
0x298: {  	_ =	swait.ge [sflag:s10], $0x4000  }
0x299: {  	[sflag:s10] =	ssyncset.done $0x0  }
0x29a: {  	s12 =	simm.s32 $0x980;
	[sflag:s10] =	ssyncadd.s32 $0xFFFFC000  }
0x29b: {  	[spmem:s3] =	stream.indirect.scatter.add.f32 [tilespmem:s5], [sflag:$0x6], $0x80, s12, s2, $0xb8;
	[tilespmem:$0x1E000] =	vst v63  }
0x29c: {  	_ =	swait.ge [sflag:s8], $0x4000  }
0x29d: {  	[sflag:s8] =	ssyncset.done $0x0  }
0x29e: {  	s9 =	simm.s32 $0x280;
	[sflag:s8] =	ssyncadd.s32 $0xFFFFC000  }
0x29f: {  	[tilespmem:s5], [sflag:$0x2] =	stream.indirect.gather [hbm4b:s0+s2], $0x80, s9, s2, $0xb8;
	[tilespmem:$0x1E000] =	vst v63  }
0x2a0: {  	_ =	swait.ge [sflag:s6], $0x4000  }
0x2a1: {  	[sflag:s6] =	ssyncset.done $0x0  }
0x2a2: {  	s11 =	simm.s32 $0xA00;
	[sflag:s6] =	ssyncadd.s32 $0xFFFFC000  }
0x2a3: {  	[spmem:s3] =	stream.indirect.scatter.add.f32 [tilespmem:s29], [sflag:$0x6], $0x80, s11, s2, $0xb8;
	[tilespmem:$0x1E000] =	vst v63  }
0x2a4: {  	_ =	swait.ge [sflag:s8], $0x4000  }
0x2a5: {  	[sflag:s8] =	ssyncset.done $0x0  }
0x2a6: {  	s12 =	simm.s32 $0x300;
	[sflag:s8] =	ssyncadd.s32 $0xFFFFC000  }
0x2a7: {  	[tilespmem:s29], [sflag:$0x1] =	stream.indirect.gather [hbm4b:s0+s2], $0x80, s12, s2, $0xb8;
	[tilespmem:$0x1E000] =	vst v63  }
0x2a8: {  	_ =	swait.ge [sflag:s10], $0x4000  }
0x2a9: {  	[sflag:s10] =	ssyncset.done $0x0  }
0x2aa: {  	s9 =	simm.s32 $0xA80;
	[sflag:s10] =	ssyncadd.s32 $0xFFFFC000  }
0x2ab: {  	[spmem:s3] =	stream.indirect.scatter.add.f32 [tilespmem:s5], [sflag:$0x6], $0x80, s9, s2, $0xb8;
	[tilespmem:$0x1E000] =	vst v63  }
0x2ac: {  	_ =	swait.ge [sflag:s8], $0x4000  }
0x2ad: {  	[sflag:s8] =	ssyncset.done $0x0  }
0x2ae: {  	s11 =	simm.s32 $0x380;
	[sflag:s8] =	ssyncadd.s32 $0xFFFFC000  }
0x2af: {  	[tilespmem:s5], [sflag:$0x2] =	stream.indirect.gather [hbm4b:s0+s2], $0x80, s11, s2, $0xb8;
	[tilespmem:$0x1E000] =	vst v63  }
0x2b0: {  	_ =	swait.ge [sflag:s6], $0x4000  }
0x2b1: {  	[sflag:s6] =	ssyncset.done $0x0  }
0x2b2: {  	s12 =	simm.s32 $0xB00;
	[sflag:s6] =	ssyncadd.s32 $0xFFFFC000  }
0x2b3: {  	[spmem:s3] =	stream.indirect.scatter.add.f32 [tilespmem:s29], [sflag:$0x6], $0x80, s12, s2, $0xb8;
	[tilespmem:$0x1E000] =	vst v63  }
0x2b4: {  	_ =	swait.ge [sflag:s8], $0x4000  }
0x2b5: {  	[sflag:s8] =	ssyncset.done $0x0  }
0x2b6: {  	s9 =	simm.s32 $0x400;
	[sflag:s8] =	ssyncadd.s32 $0xFFFFC000  }
0x2b7: {  	[tilespmem:s29], [sflag:$0x1] =	stream.indirect.gather [hbm4b:s0+s2], $0x80, s9, s2, $0xb8;
	[tilespmem:$0x1E000] =	vst v63  }
0x2b8: {  	_ =	swait.ge [sflag:s10], $0x4000  }
0x2b9: {  	[sflag:s10] =	ssyncset.done $0x0  }
0x2ba: {  	s11 =	simm.s32 $0xB80;
	[sflag:s10] =	ssyncadd.s32 $0xFFFFC000  }
0x2bb: {  	[spmem:s3] =	stream.indirect.scatter.add.f32 [tilespmem:s5], [sflag:$0x6], $0x80, s11, s2, $0xb8;
	[tilespmem:$0x1E000] =	vst v63  }
0x2bc: {  	_ =	swait.ge [sflag:s8], $0x4000  }
0x2bd: {  	[sflag:s8] =	ssyncset.done $0x0  }
0x2be: {  	s12 =	simm.s32 $0x480;
	[sflag:s8] =	ssyncadd.s32 $0xFFFFC000  }
0x2bf: {  	[tilespmem:s5], [sflag:$0x2] =	stream.indirect.gather [hbm4b:s0+s2], $0x80, s12, s2, $0xb8;
	[tilespmem:$0x1E000] =	vst v63  }
0x2c0: {  	_ =	swait.ge [sflag:s6], $0x4000  }
0x2c1: {  	[sflag:s6] =	ssyncset.done $0x0  }
0x2c2: {  	s9 =	simm.s32 $0xC00;
	[sflag:s6] =	ssyncadd.s32 $0xFFFFC000  }
0x2c3: {  	[spmem:s3] =	stream.indirect.scatter.add.f32 [tilespmem:s29], [sflag:$0x6], $0x80, s9, s2, $0xb8;
	[tilespmem:$0x1E000] =	vst v63  }
0x2c4: {  	_ =	swait.ge [sflag:s8], $0x4000  }
0x2c5: {  	[sflag:s8] =	ssyncset.done $0x0  }
0x2c6: {  	s11 =	simm.s32 $0x500;
	[sflag:s8] =	ssyncadd.s32 $0xFFFFC000  }
0x2c7: {  	[tilespmem:s29], [sflag:$0x1] =	stream.indirect.gather [hbm4b:s0+s2], $0x80, s11, s2, $0xb8;
	[tilespmem:$0x1E000] =	vst v63  }
0x2c8: {  	_ =	swait.ge [sflag:s10], $0x4000  }
0x2c9: {  	[sflag:s10] =	ssyncset.done $0x0  }
0x2ca: {  	s12 =	simm.s32 $0xC80;
	[sflag:s10] =	ssyncadd.s32 $0xFFFFC000  }
0x2cb: {  	[spmem:s3] =	stream.indirect.scatter.add.f32 [tilespmem:s5], [sflag:$0x6], $0x80, s12, s2, $0xb8;
	[tilespmem:$0x1E000] =	vst v63  }
0x2cc: {  	_ =	swait.ge [sflag:s8], $0x4000  }
0x2cd: {  	[sflag:s8] =	ssyncset.done $0x0  }
0x2ce: {  	s9 =	simm.s32 $0x580;
	[sflag:s8] =	ssyncadd.s32 $0xFFFFC000  }
0x2cf: {  	[tilespmem:s5], [sflag:$0x2] =	stream.indirect.gather [hbm4b:s0+s2], $0x80, s9, s2, $0xb8;
	[tilespmem:$0x1E000] =	vst v63  }
0x2d0: {  	_ =	swait.ge [sflag:s6], $0x4000  }
0x2d1: {  	[sflag:s6] =	ssyncset.done $0x0  }
0x2d2: {  	s11 =	simm.s32 $0xD00;
	[sflag:s6] =	ssyncadd.s32 $0xFFFFC000  }
0x2d3: {  	[spmem:s3] =	stream.indirect.scatter.add.f32 [tilespmem:s29], [sflag:$0x6], $0x80, s11, s2, $0xb8;
	[tilespmem:$0x1E000] =	vst v63  }
0x2d4: {  	_ =	swait.ge [sflag:s8], $0x4000  }
0x2d5: {  	[sflag:s8] =	ssyncset.done $0x0  }
0x2d6: {  	s12 =	simm.s32 $0x600;
	[sflag:s8] =	ssyncadd.s32 $0xFFFFC000  }
0x2d7: {  	[tilespmem:s29], [sflag:$0x1] =	stream.indirect.gather [hbm4b:s0+s2], $0x80, s12, s2, $0xb8;
	[tilespmem:$0x1E000] =	vst v63  }
0x2d8: {  	_ =	swait.ge [sflag:s10], $0x4000  }
0x2d9: {  	[sflag:s10] =	ssyncset.done $0x0  }
0x2da: {  	s9 =	simm.s32 $0xD80;
	[sflag:s10] =	ssyncadd.s32 $0xFFFFC000  }
0x2db: {  	[spmem:s3] =	stream.indirect.scatter.add.f32 [tilespmem:s5], [sflag:$0x6], $0x80, s9, s2, $0xb8;
	[tilespmem:$0x1E000] =	vst v63  }
0x2dc: {  	_ =	swait.ge [sflag:s8], $0x4000  }
0x2dd: {  	[sflag:s8] =	ssyncset.done $0x0  }
0x2de: {  	s11 =	simm.s32 $0x680;
	[sflag:s8] =	ssyncadd.s32 $0xFFFFC000  }
0x2df: {  	[tilespmem:s5], [sflag:$0x2] =	stream.indirect.gather [hbm4b:s0+s2], $0x80, s11, s2, $0xb8;
	[tilespmem:$0x1E000] =	vst v63  }
0x2e0: {  	_ =	swait.ge [sflag:s6], $0x4000  }
0x2e1: {  	[sflag:s6] =	ssyncset.done $0x0  }
0x2e2: {  	s12 =	simm.s32 $0xE00;
	[sflag:s6] =	ssyncadd.s32 $0xFFFFC000  }
0x2e3: {  	[spmem:s3] =	stream.indirect.scatter.add.f32 [tilespmem:s29], [sflag:$0x6], $0x80, s12, s2, $0xb8;
	[tilespmem:$0x1E000] =	vst v63  }
0x2e4: {  	_ =	swait.ge [sflag:s8], $0x4000  }
0x2e5: {  	[sflag:s8] =	ssyncset.done $0x0  }
0x2e6: {  	s9 =	simm.s32 $0x700;
	[sflag:s8] =	ssyncadd.s32 $0xFFFFC000  }
0x2e7: {  	[tilespmem:s29], [sflag:$0x1] =	stream.indirect.gather [hbm4b:s0+s2], $0x80, s9, s2, $0xb8;
	[tilespmem:$0x1E000] =	vst v63  }
0x2e8: {  	_ =	swait.ge [sflag:s10], $0x4000  }
0x2e9: {  	[sflag:s10] =	ssyncset.done $0x0  }
0x2ea: {  	s11 =	simm.s32 $0xE80;
	[sflag:s10] =	ssyncadd.s32 $0xFFFFC000  }
0x2eb: {  	[spmem:s3] =	stream.indirect.scatter.add.f32 [tilespmem:s5], [sflag:$0x6], $0x80, s11, s2, $0xb8;
	[tilespmem:$0x1E000] =	vst v63  }
0x2ec: {  	_ =	swait.ge [sflag:s8], $0x4000  }
0x2ed: {  	[sflag:s8] =	ssyncset.done $0x0  }
0x2ee: {  	s12 =	simm.s32 $0x780;
	[sflag:s8] =	ssyncadd.s32 $0xFFFFC000  }
0x2ef: {  	[tilespmem:s5], [sflag:$0x2] =	stream.indirect.gather [hbm4b:s0+s2], $0x80, s12, s2, $0xb8;
	[tilespmem:$0x1E000] =	vst v63  }
0x2f0: {  	_ =	swait.ge [sflag:s6], $0x4000  }
0x2f1: {  	[sflag:s6] =	ssyncset.done $0x0  }
0x2f2: {  	s9 =	simm.s32 $0xF00;
	[sflag:s6] =	ssyncadd.s32 $0xFFFFC000  }
0x2f3: {  	[spmem:s3] =	stream.indirect.scatter.add.f32 [tilespmem:s29], [sflag:$0x6], $0x80, s9, s2, $0xb8;
	[tilespmem:$0x1E000] =	vst v63  }
0x2f4: {  	_ =	swait.ge [sflag:s8], $0x4000  }
0x2f5: {  	[sflag:s8] =	ssyncset.done $0x0  }
0x2f6: {  	[sflag:s8] =	ssyncadd.s32 $0xFFFFC000  }
0x2f7: {  	_ =	swait.ge [sflag:s10], $0x4000  }
0x2f8: {  	[sflag:s10] =	ssyncset.done $0x0  }
0x2f9: {  	s11 =	simm.s32 $0xF80;
	[sflag:s10] =	ssyncadd.s32 $0xFFFFC000  }
0x2fa: {  	[spmem:s3] =	stream.indirect.scatter.add.f32 [tilespmem:s5], [sflag:$0x6], $0x80, s11, s2, $0xb8;
	[tilespmem:$0x1E000] =	vst v63  }
0x2fb: {  	_ =	swait.ge [sflag:s8], $0x4000  }
0x2fc: {  	[sflag:s8] =	ssyncset.done $0x0  }
0x2fd: {  	[sflag:s8] =	ssyncadd.s32 $0xFFFFC000  }
0x2fe: {  	[bflag:$0x0] =	sbarrier.arrive $0xFFFF  }
0x2ff: {  	s1 =	sshrl.u32 @!p0 s7, $0x3;
	s9 =	simm.s32 @!p0 $0x1FC6;
	s11 =	rddreg [dreg:$0x16]  }
0x300: {  	[hbm:s11], [sflag:s9] =	dma.local @!p0 [spmem:s1], $0x1900  }
0x301: {  	s1 =	simm.s32 @!p0 $0x6  }
0x302: {  	s12 =	stileid.u32;
	_ =	swait.ge @!p0 [sflag:s1], $0x1900  }
0x303: {  	s9 =	sshll.u32 @!p1 s12, $0x6;
	[sflag:s1] =	ssyncset.done @!p0 $0x0;
	s11 =	rddreg [dreg:$0x15]  }
0x304: {  	[sflag:s1] =	ssyncadd.s32 @!p0 $0xFFFFE700;
	s1 =	sor.u32 @!p1 $0x1C06, s9;
	s9 =	sshrl.u32 @!p1 s7, $0x3  }
0x305: {  	[hbm:s11], [sflag:s1] =	dma.local @!p1 [spmem:s9], $0x2800  }
0x306: {  	s1 =	simm.s32 @!p1 $0x6  }
0x307: {  	_ =	swait.ge @!p1 [sflag:s1], $0x2800  }
0x308: {  	s9 =	simm.s32 @!p2 $0x1FC6;
	[sflag:s1] =	ssyncset.done @!p1 $0x0  }
0x309: {  	s11 =	rddreg [dreg:$0x14];
	[sflag:s1] =	ssyncadd.s32 @!p1 $0xFFFFD800;
	s1 =	sshrl.u32 @!p2 s7, $0x3  }
0x30a: {  	[hbm:s11], [sflag:s9] =	dma.local @!p2 [spmem:s1], $0x1900  }
0x30b: {  	s1 =	simm.s32 @!p2 $0x6  }
0x30c: {  	_ =	swait.ge @!p2 [sflag:s1], $0x1900  }
0x30d: {  	s9 =	sshll.u32 @!p3 s12, $0x6;
	[sflag:s1] =	ssyncset.done @!p2 $0x0;
	s12 =	rddreg [dreg:$0x13]  }
0x30e: {  	[sflag:s1] =	ssyncadd.s32 @!p2 $0xFFFFE700;
	s1 =	sor.u32 @!p3 $0x1C06, s9;
	s9 =	sshrl.u32 @!p3 s7, $0x3  }
0x30f: {  	[hbm:s12], [sflag:s1] =	dma.local @!p3 [spmem:s9], $0x2800  }
0x310: {  	s1 =	simm.s32 @!p3 $0x6  }
0x311: {  	_ =	swait.ge @!p3 [sflag:s1], $0x2800  }
0x312: {  	s24 =	sadd.s32 $0x1, s24;
	s12 =	rddreg [dreg:$0x17]  }
0x313: {  	p4 =	sne.s32 s24, s12  }
.Ltmp1:
0x314: {  	_ = 	snop;
	(pc) =	sbr.rel @p4 .LBB2_1-.Ltmp1, $3  }
0x315: {  	_ =	sdelay $0x1  }
0x316: {  	[sflag:s1] =	ssyncset.done @!p3 $0x0  }
0x317: {  	s11 =	stileid.u32;
	s9 =	simm.s32 $0x1000;
	[sflag:s1] =	ssyncadd.s32 @!p3 $0xFFFFD800  }
0x318: {  	_ =	sfence.sel $0x180000  }
0x319: {  	[bflag:$0x0] =	sbarrier.arrive $0xFFFF  }
0x31a: {  	_ =	strace $0x90000047  }
0x31b: {  	[bflag:$0x2] =	sbarrier.arrive $0xFFFF  }
0x31c: {  	p0 =	sne.s32 s11, $0x0;
	s0 =	rddreg [dreg:$0x4]  }
0x31d: {  	s0 =	sadd.s32 @!p0 $0x100000, s0  }
0x31e: {  	[sflag:s0] =	ssyncadd.tile.s32 @!p0 $0x1;
	_ =	shalt  }
.Lfunc_end2:
_tile_overlayer_lowered:
.L_overlay_start_2:
0x31f: {  	(tag) =	ssettag $0x2  }
0x320: {  	s0 =	rddreg [dreg:$0x0];
	s2 =	stileid.u32  }
0x321: {  	s1 =	rddreg [dreg:$0x1];
	p0 =	sne.s32 s2, $0x0  }
0x322: {  	s3 =	rddreg [dreg:$0x2];
	[bflag:$0x3] =	sbarrier.arrive $0xFFFF;
	s2 =	simm.s32 @!p0 $0x1C06  }
0x323: {  	[timem:s3], [sflag:s2] =	dma.local @!p0 [hbm:s0], s1  }
0x324: {  	s0 =	simm.s32 @!p0 $0x6  }
0x325: {  	_ =	swait.ge @!p0 [sflag:s0], s1  }
0x326: {  	s1 =	ssub.s32 @!p0 $0x0, s1;
	[sflag:s0] =	ssyncset.done @!p0 $0x0  }
0x327: {  	[sflag:s0] =	ssyncadd.s32 @!p0 s1  }
0x328: {  	[bflag:$0x3] =	sbarrier.arrive $0xFFFF  }
0x329: {  	_ =	shalt  }

</sc_bundles>
